<compile_context>
chip_gen: v7x
topology: tpu7x:2x2x1
jax: 0.10.2.dev20260603
libtpu: 0.0.44.dev20260713+nightly
codegen_flags: <defaults>
</compile_context>

<pallas_src>
import dataclasses
import functools

import jax
import jax.numpy as jnp
from jax import lax
from jax.experimental import pallas as pl
from jax.experimental.pallas import tpu as pltpu
from jax.experimental.pallas import tpu_sc as plsc

D = 1024
LANES = 16
NC, NS = 2, 16
NW = NC * NS
CHUNK = 16
NBUF = 2


def _sc_gather_add(x3d, pids, table):
    nb, lp1, _ = x3d.shape
    w_per_b = NW // nb
    b_per_w = lp1 // w_per_b
    n_chunks = b_per_w // CHUNK
    mesh = plsc.VectorSubcoreMesh(core_axis_name="c", subcore_axis_name="s")

    cp = pltpu.CompilerParams()
    if "needs_layout_passes" in pltpu.CompilerParams.__dataclass_fields__:
        cp = dataclasses.replace(cp, needs_layout_passes=False)

    buf = lambda: pltpu.VMEM((CHUNK, D), jnp.float32)
    @functools.partial(
        pl.kernel,
        mesh=mesh,
        compiler_params=cp,
        out_type=jax.ShapeDtypeStruct((nb, lp1, D), jnp.float32),
        scratch_types=[
            pltpu.VMEM((b_per_w,), jnp.int32),
            pltpu.VMEM((nb, lp1 - 1), jnp.int32),
            buf(), buf(),
            buf(), buf(),
            buf(), buf(),
            pltpu.SemaphoreType.DMA, pltpu.SemaphoreType.DMA,
            pltpu.SemaphoreType.DMA, pltpu.SemaphoreType.DMA,
            pltpu.SemaphoreType.DMA, pltpu.SemaphoreType.DMA,
        ],
    )
    def k(table_hbm, pids_hbm, x_hbm, out_hbm, idx_v, tmp_v,
          pe0, pe1, xv0, xv1, ov0, ov1, g0, g1, xs0, xs1, os0, os1):
        pe_v, x_v, o_v = (pe0, pe1), (xv0, xv1), (ov0, ov1)
        gsem, xsem, osem = (g0, g1), (xs0, xs1), (os0, os1)

        wid = lax.axis_index("s") * NC + lax.axis_index("c")
        b_idx = wid // w_per_b
        col0 = (wid % w_per_b) * b_per_w

        pltpu.sync_copy(pids_hbm, tmp_v)

        iota = lax.iota(jnp.int32, LANES)
        row = jnp.full((LANES,), b_idx, jnp.int32)

        @pl.loop(0, b_per_w // LANES)
        def _grp(j):
            gcol = col0 + j * LANES + iota
            vals = plsc.load_gather(tmp_v, [row, jnp.maximum(gcol - 1, 0)])
            idx_v[pl.ds(j * LANES, LANES)] = jnp.where(gcol == 0, 0, vals)

        def start_fetch(c, b):
            pltpu.async_copy(
                table_hbm.at[idx_v.at[pl.ds(c * CHUNK, CHUNK)]], pe_v[b], gsem[b]
            )
            pltpu.async_copy(
                x_hbm.at[b_idx, pl.ds(col0 + c * CHUNK, CHUNK)], x_v[b], xsem[b]
            )

        def wait_fetch(c, b):
            pltpu.make_async_copy(
                table_hbm.at[idx_v.at[pl.ds(c * CHUNK, CHUNK)]], pe_v[b], gsem[b]
            ).wait()
            pltpu.make_async_copy(
                x_hbm.at[b_idx, pl.ds(col0 + c * CHUNK, CHUNK)], x_v[b], xsem[b]
            ).wait()

        def out_copy(c, b):
            return pltpu.make_async_copy(
                o_v[b], out_hbm.at[b_idx, pl.ds(col0 + c * CHUNK, CHUNK)], osem[b]
            )

        for b in range(NBUF):
            start_fetch(b, b)

        @pl.loop(0, n_chunks, step=NBUF)
        def _pair(c0):
            for b in range(NBUF):
                c = c0 + b
                wait_fetch(c, b)

                @pl.when(c0 > 0)
                def _():
                    out_copy(c - NBUF, b).wait()

                @pl.loop(0, CHUNK)
                def _row(r):
                    for j in range(D // LANES):
                        sl = (r, pl.ds(j * LANES, LANES))
                        o_v[b][sl] = pe_v[b][sl] + x_v[b][sl]

                out_copy(c, b).start()

                @pl.when(c + NBUF < n_chunks)
                def _():
                    start_fetch(c + NBUF, b)

        for b in range(NBUF):
            out_copy(n_chunks - NBUF + b, b).wait()

    return k(table, pids, x3d)


def kernel(x, position_ids, pe_table):
    return _sc_gather_add(x, position_ids.astype(jnp.int32), pe_table)

# --- scband reference (transcript-rebuilt; emitter-appended) ---
"""Pipeline reference for scband-learned-positional-encoding2-1941325218189 (READ-ONLY COPY).

The authoritative reference and input builder live on the scoring server;
editing this copy changes nothing except your own understanding.
"""

import jax, jax.numpy as jnp
import numpy as np

MAX_POS = 8192
EMB_DIM = 1024
B = 4
L = 4095  # position_ids length before the prepended zero column


def setup_inputs(seed: int = 0) -> dict:
    key = jax.random.key(seed)
    k_x, k_pos, k_pe = jax.random.split(key, 3)
    x = jax.random.normal(k_x, (B, L + 1, EMB_DIM), dtype=jnp.float32)
    position_ids = jax.random.randint(k_pos, (B, L), 0, MAX_POS, dtype=jnp.int64)
    pe_table = jax.random.normal(k_pe, (MAX_POS, EMB_DIM), dtype=jnp.float32) * 0.02
    return {"x": x, "position_ids": position_ids, "pe_table": pe_table}


def reference(x, position_ids, pe_table):
    # Faithful translation of LearnedPositionalEncoding2.forward:
    # a = zeros(B, 1); position_ids = cat((a, position_ids), dim=1).long()
    position_ids = position_ids.astype(jnp.int64)
    a = jnp.zeros((position_ids.shape[0], 1), dtype=jnp.int64)
    pos = jnp.concatenate([a, position_ids], axis=1)  # [B, L+1]
    position_embeddings = jnp.take(pe_table, pos, axis=0)  # [B, L+1, D]
    return x + position_embeddings

if __name__ == "__main__":
    import jax
    _d = setup_inputs()
    print(jax.jit(kernel)(*tuple(_d.values())))

</pallas_src>

<mosaic_0001>
#map = affine_map<(d0, d1) -> (0, 0)>
#map1 = affine_map<(d0, d1) -> (0, 0, 0)>
module attributes {stable_mosaic.version = 14 : i64} {
  func.func @k(%arg0: i32, %arg1: i32, %arg2: memref<8192x1024xf32, #tpu.memory_space<hbm>>, %arg3: memref<4x4095xi32, #tpu.memory_space<hbm>>, %arg4: memref<4x4096x1024xf32, #tpu.memory_space<hbm>>, %arg5: memref<4x4096x1024xf32, #tpu.memory_space<hbm>>, %arg6: memref<512xi32, #tpu.memory_space<vmem>>, %arg7: memref<4x4095xi32, #tpu.memory_space<vmem>>, %arg8: memref<16x1024xf32, #tpu.memory_space<vmem>>, %arg9: memref<16x1024xf32, #tpu.memory_space<vmem>>, %arg10: memref<16x1024xf32, #tpu.memory_space<vmem>>, %arg11: memref<16x1024xf32, #tpu.memory_space<vmem>>, %arg12: memref<16x1024xf32, #tpu.memory_space<vmem>>, %arg13: memref<16x1024xf32, #tpu.memory_space<vmem>>, %arg14: memref<!tpu.dma_semaphore, #tpu.memory_space<semaphore_mem>>, %arg15: memref<!tpu.dma_semaphore, #tpu.memory_space<semaphore_mem>>, %arg16: memref<!tpu.dma_semaphore, #tpu.memory_space<semaphore_mem>>, %arg17: memref<!tpu.dma_semaphore, #tpu.memory_space<semaphore_mem>>, %arg18: memref<!tpu.dma_semaphore, #tpu.memory_space<semaphore_mem>>, %arg19: memref<!tpu.dma_semaphore, #tpu.memory_space<semaphore_mem>>) attributes {dimension_semantics = [#tpu.dimension_semantics<core_parallel>, #tpu.dimension_semantics<subcore_parallel>], iteration_bounds = array<i64: 2, 16>, scalar_prefetch = 0 : i64, scratch_operands = 14 : i64, tpu.core_type = #tpu.core_type<sc_vector_subcore>, window_params = [{transform_indices = #map}, {transform_indices = #map}, {transform_indices = #map1}, {transform_indices = #map1}]} {
    %mul3A = arith.constant 2 : i32
    %mul3A_0 = arith.muli %arg1, %mul3A : i32
    %add3A = arith.addi %mul3A_0, %arg0 : i32
    %jit3A = arith.constant 8 : i32
    %div3A = arith.divsi %add3A, %jit3A : i32
    %sign3A = arith.constant 0 : i32
    %sign3A_1 = arith.cmpi sgt, %add3A, %sign3A : i32
    %sign3A_2 = arith.extui %sign3A_1 : i1 to i32
    %sign3A_3 = arith.constant 0 : i32
    %sign3A_4 = arith.cmpi slt, %add3A, %sign3A_3 : i32
    %sign3A_5 = arith.extui %sign3A_4 : i1 to i32
    %sign3A_6 = arith.subi %sign3A_2, %sign3A_5 : i32
    %sign3A_7 = arith.constant 0 : i32
    %sign3A_8 = arith.cmpi sgt, %jit3A, %sign3A_7 : i32
    %sign3A_9 = arith.extui %sign3A_8 : i1 to i32
    %sign3A_10 = arith.constant 0 : i32
    %sign3A_11 = arith.cmpi slt, %jit3A, %sign3A_10 : i32
    %sign3A_12 = arith.extui %sign3A_11 : i1 to i32
    %sign3A_13 = arith.subi %sign3A_9, %sign3A_12 : i32
    %ne3A = arith.cmpi ne, %sign3A_6, %sign3A_13 : i32
    %rem3A = arith.remsi %add3A, %jit3A : i32
    %ne3A_14 = arith.constant 0 : i32
    %ne3A_15 = arith.cmpi ne, %rem3A, %ne3A_14 : i32
    %and3A = arith.andi %ne3A, %ne3A_15 : i1
    %sub3A = arith.constant 1 : i32
    %sub3A_16 = arith.subi %div3A, %sub3A : i32
    %select_n3A = arith.select %and3A, %sub3A_16, %div3A : i32
    %jit3A_17 = arith.constant 8 : i32
    %eq3A = arith.constant 0 : i32
    %eq3A_18 = arith.cmpi eq, %jit3A_17, %eq3A : i32
    %jit3A_19 = arith.constant 1 : i32
    %select_n3A_20 = arith.select %eq3A_18, %jit3A_19, %jit3A_17 : i32
    %rem3A_21 = arith.remsi %add3A, %select_n3A_20 : i32
    %ne3A_22 = arith.constant 0 : i32
    %ne3A_23 = arith.cmpi ne, %rem3A_21, %ne3A_22 : i32
    %lt3A = arith.constant 0 : i32
    %lt3A_24 = arith.cmpi slt, %rem3A_21, %lt3A : i32
    %lt3A_25 = arith.constant 0 : i32
    %lt3A_26 = arith.cmpi slt, %select_n3A_20, %lt3A_25 : i32
    %ne3A_27 = arith.xori %lt3A_24, %lt3A_26 : i1
    %and3A_28 = arith.andi %ne3A_27, %ne3A_23 : i1
    %add3A_29 = arith.addi %rem3A_21, %select_n3A_20 : i32
    %select_n3A_30 = arith.select %and3A_28, %add3A_29, %rem3A_21 : i32
    %mul3A_31 = arith.constant 512 : i32
    %mul3A_32 = arith.muli %select_n3A_30, %mul3A_31 : i32
    "tpu.region"() ({
      %run_scoped3A = tpu.sem_alloc : memref<!tpu.dma_semaphore, #tpu.memory_space<semaphore_mem>>
      tpu.enqueue_dma source(%arg3 : memref<4x4095xi32, #tpu.memory_space<hbm>>) target(%arg7 : memref<4x4095xi32, #tpu.memory_space<vmem>>) target_semaphore(%run_scoped3A : memref<!tpu.dma_semaphore, #tpu.memory_space<semaphore_mem>>)
      tpu.wait_dma2 semaphore(%run_scoped3A : memref<!tpu.dma_semaphore, #tpu.memory_space<semaphore_mem>>) src(%arg3 : memref<4x4095xi32, #tpu.memory_space<hbm>>) dst(%arg7 : memref<4x4095xi32, #tpu.memory_space<vmem>>)
      tpu.yield
    }) : () -> ()
    %iota3A = tpu.iota {dimensions = array<i32: 0>} : vector<16xi32>
    %broadcast_in_dim3A = vector.broadcast %select_n3A : i32 to vector<16xi32>
    %scan3A = arith.constant 0 : i32
    %scan3A_33 = arith.constant 32 : i32
    %scan3A_34 = arith.addi %scan3A, %scan3A_33 : i32
    %scan3A_35 = arith.constant 1 : i32
    scf.for %scan3A_82 = %scan3A to %scan3A_34 step %scan3A_35  : i32 {
      %mul3A_83 = arith.constant 1 : i32
      %mul3A_84 = arith.muli %scan3A_82, %mul3A_83 : i32
      %add3A_85 = arith.constant 0 : i32
      %add3A_86 = arith.addi %add3A_85, %mul3A_84 : i32
      %mul3A_87 = arith.constant 16 : i32
      %mul3A_88 = arith.muli %add3A_86, %mul3A_87 : i32
      %add3A_89 = arith.addi %mul3A_32, %mul3A_88 : i32
      %add3A_90 = vector.broadcast %add3A_89 : i32 to vector<16xi32>
      %add3A_91 = arith.addi %add3A_90, %iota3A : vector<16xi32>
      %sub3A_92 = arith.constant 1 : i32
      %sub3A_93 = vector.broadcast %sub3A_92 : i32 to vector<16xi32>
      %sub3A_94 = arith.subi %add3A_91, %sub3A_93 : vector<16xi32>
      %max3A = arith.constant 0 : i32
      %max3A_95 = vector.broadcast %max3A : i32 to vector<16xi32>
      %max3A_96 = arith.maxsi %sub3A_94, %max3A_95 : vector<16xi32>
      %gather3A = tpu.vector_load_idx %arg7[%broadcast_in_dim3A, %max3A_96] : memref<4x4095xi32, #tpu.memory_space<vmem>>[vector<16xi32>, vector<16xi32>], vector<16xi32>,
      %eq3A_97 = arith.constant 0 : i32
      %eq3A_98 = vector.broadcast %eq3A_97 : i32 to vector<16xi32>
      %eq3A_99 = arith.cmpi eq, %add3A_91, %eq3A_98 : vector<16xi32>
      %jit3A_100 = arith.constant 0 : i32
      %broadcast_in_dim3A_101 = vector.broadcast %jit3A_100 : i32 to vector<16xi32>
      %select_n3A_102 = arith.select %eq3A_99, %broadcast_in_dim3A_101, %gather3A : vector<16xi1>, vector<16xi32>
      %mul3A_103 = arith.constant 16 : i32
      %mul3A_104 = arith.muli %add3A_86, %mul3A_103 : i32
      %swap3A = arith.index_cast %mul3A_104 : i32 to index
      %swap3A_105 = tpu.vector_load %arg6[%swap3A] {strides = array<i32>} : memref<512xi32, #tpu.memory_space<vmem>>, vector<16xi32>,
      tpu.vector_store %arg6[%swap3A], %select_n3A_102 {strides = array<i32>} : memref<512xi32, #tpu.memory_space<vmem>>, vector<16xi32>,
    }
    %scan3A_36 = arith.constant 32 : i32
    %dma_start3A = arith.constant 0 : i32
    %dma_start3A_37 = tpu.memref_slice %arg6[%dma_start3A] : memref<512xi32, #tpu.memory_space<vmem>> -> memref<16xi32, #tpu.memory_space<vmem>>
    %dma_start3A_38 = arith.constant 0 : i32
    %dma_start3A_39 = arith.constant 0 : i32
    %dma_start3A_40 = tpu.memref_slice %arg2[%dma_start3A_38, %dma_start3A_39] : memref<8192x1024xf32, #tpu.memory_space<hbm>> -> memref<8192x1024xf32, #tpu.memory_space<hbm>>
    tpu.enqueue_indirect_dma source(%dma_start3A_40 : memref<8192x1024xf32, #tpu.memory_space<hbm>>) target(%arg8 : memref<16x1024xf32, #tpu.memory_space<vmem>>) offsets(%dma_start3A_37 : memref<16xi32, #tpu.memory_space<vmem>>) semaphore(%arg14 : memref<!tpu.dma_semaphore, #tpu.memory_space<semaphore_mem>>)
    %add3A_41 = arith.constant 0 : i32
    %add3A_42 = arith.addi %mul3A_32, %add3A_41 : i32
    %dma_start3A_43 = arith.constant 0 : i32
    %dma_start3A_44 = tpu.memref_slice %arg4[%select_n3A, %add3A_42, %dma_start3A_43] : memref<4x4096x1024xf32, #tpu.memory_space<hbm>> -> memref<1x16x1024xf32, #tpu.memory_space<hbm>>
    %dma_start3A_45 = tpu.memref_squeeze %dma_start3A_44 : memref<1x16x1024xf32, #tpu.memory_space<hbm>> -> memref<16x1024xf32, #tpu.memory_space<hbm>>
    %dma_start3A_46 = arith.constant 0 : i32
    %dma_start3A_47 = tpu.memref_slice %arg4[%select_n3A, %add3A_42, %dma_start3A_46] : memref<4x4096x1024xf32, #tpu.memory_space<hbm>> -> memref<1x16x1024xf32, #tpu.memory_space<hbm>>
    %dma_start3A_48 = tpu.memref_squeeze %dma_start3A_47 : memref<1x16x1024xf32, #tpu.memory_space<hbm>> -> memref<16x1024xf32, #tpu.memory_space<hbm>>
    tpu.enqueue_dma source(%dma_start3A_48 : memref<16x1024xf32, #tpu.memory_space<hbm>>) target(%arg10 : memref<16x1024xf32, #tpu.memory_space<vmem>>) target_semaphore(%arg16 : memref<!tpu.dma_semaphore, #tpu.memory_space<semaphore_mem>>)
    %dma_start3A_49 = arith.constant 16 : i32
    %dma_start3A_50 = tpu.memref_slice %arg6[%dma_start3A_49] : memref<512xi32, #tpu.memory_space<vmem>> -> memref<16xi32, #tpu.memory_space<vmem>>
    %dma_start3A_51 = arith.constant 0 : i32
    %dma_start3A_52 = arith.constant 0 : i32
    %dma_start3A_53 = tpu.memref_slice %arg2[%dma_start3A_51, %dma_start3A_52] : memref<8192x1024xf32, #tpu.memory_space<hbm>> -> memref<8192x1024xf32, #tpu.memory_space<hbm>>
    tpu.enqueue_indirect_dma source(%dma_start3A_53 : memref<8192x1024xf32, #tpu.memory_space<hbm>>) target(%arg9 : memref<16x1024xf32, #tpu.memory_space<vmem>>) offsets(%dma_start3A_50 : memref<16xi32, #tpu.memory_space<vmem>>) semaphore(%arg15 : memref<!tpu.dma_semaphore, #tpu.memory_space<semaphore_mem>>)
    %add3A_54 = arith.constant 16 : i32
    %add3A_55 = arith.addi %mul3A_32, %add3A_54 : i32
    %dma_start3A_56 = arith.constant 0 : i32
    %dma_start3A_57 = tpu.memref_slice %arg4[%select_n3A, %add3A_55, %dma_start3A_56] : memref<4x4096x1024xf32, #tpu.memory_space<hbm>> -> memref<1x16x1024xf32, #tpu.memory_space<hbm>>
    %dma_start3A_58 = tpu.memref_squeeze %dma_start3A_57 : memref<1x16x1024xf32, #tpu.memory_space<hbm>> -> memref<16x1024xf32, #tpu.memory_space<hbm>>
    %dma_start3A_59 = arith.constant 0 : i32
    %dma_start3A_60 = tpu.memref_slice %arg4[%select_n3A, %add3A_55, %dma_start3A_59] : memref<4x4096x1024xf32, #tpu.memory_space<hbm>> -> memref<1x16x1024xf32, #tpu.memory_space<hbm>>
    %dma_start3A_61 = tpu.memref_squeeze %dma_start3A_60 : memref<1x16x1024xf32, #tpu.memory_space<hbm>> -> memref<16x1024xf32, #tpu.memory_space<hbm>>
    tpu.enqueue_dma source(%dma_start3A_61 : memref<16x1024xf32, #tpu.memory_space<hbm>>) target(%arg11 : memref<16x1024xf32, #tpu.memory_space<vmem>>) target_semaphore(%arg17 : memref<!tpu.dma_semaphore, #tpu.memory_space<semaphore_mem>>)
    %scan3A_62 = arith.constant 0 : i32
    %scan3A_63 = arith.constant 16 : i32
    %scan3A_64 = arith.addi %scan3A_62, %scan3A_63 : i32
    %scan3A_65 = arith.constant 1 : i32
    scf.for %scan3A_82 = %scan3A_62 to %scan3A_64 step %scan3A_65  : i32 {
      %mul3A_83 = arith.constant 2 : i32
      %mul3A_84 = arith.muli %scan3A_82, %mul3A_83 : i32
      %add3A_85 = arith.constant 0 : i32
      %add3A_86 = arith.addi %add3A_85, %mul3A_84 : i32
      %add3A_87 = arith.constant 0 : i32
      %add3A_88 = arith.addi %add3A_86, %add3A_87 : i32
      %mul3A_89 = arith.constant 16 : i32
      %mul3A_90 = arith.muli %add3A_88, %mul3A_89 : i32
      %dma_wait3A_91 = tpu.memref_slice %arg6[%mul3A_90] : memref<512xi32, #tpu.memory_space<vmem>> -> memref<16xi32, #tpu.memory_space<vmem>>
      %dma_wait3A_92 = arith.constant 0 : i32
      %dma_wait3A_93 = arith.constant 0 : i32
      %dma_wait3A_94 = tpu.memref_slice %arg2[%dma_wait3A_92, %dma_wait3A_93] : memref<8192x1024xf32, #tpu.memory_space<hbm>> -> memref<8192x1024xf32, #tpu.memory_space<hbm>>
      tpu.wait_indirect_dma semaphore(%arg14 : memref<!tpu.dma_semaphore, #tpu.memory_space<semaphore_mem>>) src(%dma_wait3A_94 : memref<8192x1024xf32, #tpu.memory_space<hbm>>) dst(%arg8 : memref<16x1024xf32, #tpu.memory_space<vmem>>)
      %mul3A_95 = arith.constant 16 : i32
      %mul3A_96 = arith.muli %add3A_88, %mul3A_95 : i32
      %add3A_97 = arith.addi %mul3A_32, %mul3A_96 : i32
      %dma_wait3A_98 = arith.constant 0 : i32
      %dma_wait3A_99 = tpu.memref_slice %arg4[%select_n3A, %add3A_97, %dma_wait3A_98] : memref<4x4096x1024xf32, #tpu.memory_space<hbm>> -> memref<1x16x1024xf32, #tpu.memory_space<hbm>>
      %dma_wait3A_100 = tpu.memref_squeeze %dma_wait3A_99 : memref<1x16x1024xf32, #tpu.memory_space<hbm>> -> memref<16x1024xf32, #tpu.memory_space<hbm>>
      %dma_wait3A_101 = arith.constant 0 : i32
      %dma_wait3A_102 = tpu.memref_slice %arg4[%select_n3A, %add3A_97, %dma_wait3A_101] : memref<4x4096x1024xf32, #tpu.memory_space<hbm>> -> memref<1x16x1024xf32, #tpu.memory_space<hbm>>
      %dma_wait3A_103 = tpu.memref_squeeze %dma_wait3A_102 : memref<1x16x1024xf32, #tpu.memory_space<hbm>> -> memref<16x1024xf32, #tpu.memory_space<hbm>>
      tpu.wait_dma2 semaphore(%arg16 : memref<!tpu.dma_semaphore, #tpu.memory_space<semaphore_mem>>) src(%dma_wait3A_103 : memref<16x1024xf32, #tpu.memory_space<hbm>>) dst(%arg10 : memref<16x1024xf32, #tpu.memory_space<vmem>>)
      %gt3A = arith.constant 0 : i32
      %gt3A_104 = arith.cmpi sgt, %add3A_86, %gt3A : i32
      %convert_element_type3A = arith.extui %gt3A_104 : i1 to i32
      %cond3A = arith.constant 0 : i32
      %cond3A_105 = arith.cmpi ne, %convert_element_type3A, %cond3A : i32
      scf.if %cond3A_105 {
        %sub3A_170 = arith.constant 2 : i32
        %sub3A_171 = arith.subi %add3A_88, %sub3A_170 : i32
        %mul3A_172 = arith.constant 16 : i32
        %mul3A_173 = arith.muli %sub3A_171, %mul3A_172 : i32
        %add3A_174 = arith.addi %mul3A_32, %mul3A_173 : i32
        %dma_wait3A_175 = arith.constant 0 : i32
        %dma_wait3A_176 = tpu.memref_slice %arg5[%select_n3A, %add3A_174, %dma_wait3A_175] : memref<4x4096x1024xf32, #tpu.memory_space<hbm>> -> memref<1x16x1024xf32, #tpu.memory_space<hbm>>
        %dma_wait3A_177 = tpu.memref_squeeze %dma_wait3A_176 : memref<1x16x1024xf32, #tpu.memory_space<hbm>> -> memref<16x1024xf32, #tpu.memory_space<hbm>>
        %dma_wait3A_178 = arith.constant 0 : i32
        %dma_wait3A_179 = tpu.memref_slice %arg5[%select_n3A, %add3A_174, %dma_wait3A_178] : memref<4x4096x1024xf32, #tpu.memory_space<hbm>> -> memref<1x16x1024xf32, #tpu.memory_space<hbm>>
        %dma_wait3A_180 = tpu.memref_squeeze %dma_wait3A_179 : memref<1x16x1024xf32, #tpu.memory_space<hbm>> -> memref<16x1024xf32, #tpu.memory_space<hbm>>
        tpu.wait_dma2 semaphore(%arg18 : memref<!tpu.dma_semaphore, #tpu.memory_space<semaphore_mem>>) src(%arg12 : memref<16x1024xf32, #tpu.memory_space<vmem>>) dst(%dma_wait3A_180 : memref<16x1024xf32, #tpu.memory_space<hbm>>)
      } else {
      }
      %scan3A_106 = arith.constant 0 : i32
      %scan3A_107 = arith.constant 16 : i32
      %scan3A_108 = arith.addi %scan3A_106, %scan3A_107 : i32
      %scan3A_109 = arith.constant 1 : i32
      scf.for %scan3A_170 = %scan3A_106 to %scan3A_108 step %scan3A_109  : i32 {
        %mul3A_171 = arith.constant 1 : i32
        %mul3A_172 = arith.muli %scan3A_170, %mul3A_171 : i32
        %add3A_173 = arith.constant 0 : i32
        %add3A_174 = arith.addi %add3A_173, %mul3A_172 : i32
        %get3A = arith.index_cast %add3A_174 : i32 to index
        %get3A_175 = arith.constant 0 : index
        %get3A_176 = tpu.vector_load %arg8[%get3A, %get3A_175] {strides = array<i32>} : memref<16x1024xf32, #tpu.memory_space<vmem>>, vector<16xf32>,
        %get3A_177 = arith.index_cast %add3A_174 : i32 to index
        %get3A_178 = arith.constant 0 : index
        %get3A_179 = tpu.vector_load %arg10[%get3A_177, %get3A_178] {strides = array<i32>} : memref<16x1024xf32, #tpu.memory_space<vmem>>, vector<16xf32>,
        %add3A_180 = arith.addf %get3A_176, %get3A_179 : vector<16xf32>
        %swap3A = arith.index_cast %add3A_174 : i32 to index
        %swap3A_181 = arith.constant 0 : index
        %swap3A_182 = tpu.vector_load %arg12[%swap3A, %swap3A_181] {strides = array<i32>} : memref<16x1024xf32, #tpu.memory_space<vmem>>, vector<16xf32>,
        tpu.vector_store %arg12[%swap3A, %swap3A_181], %add3A_180 {strides = array<i32>} : memref<16x1024xf32, #tpu.memory_space<vmem>>, vector<16xf32>,
        %get3A_183 = arith.index_cast %add3A_174 : i32 to index
        %get3A_184 = arith.constant 16 : index
        %get3A_185 = tpu.vector_load %arg8[%get3A_183, %get3A_184] {strides = array<i32>} : memref<16x1024xf32, #tpu.memory_space<vmem>>, vector<16xf32>,
        %get3A_186 = arith.index_cast %add3A_174 : i32 to index
        %get3A_187 = arith.constant 16 : index
        %get3A_188 = tpu.vector_load %arg10[%get3A_186, %get3A_187] {strides = array<i32>} : memref<16x1024xf32, #tpu.memory_space<vmem>>, vector<16xf32>,
        %add3A_189 = arith.addf %get3A_185, %get3A_188 : vector<16xf32>
        %swap3A_190 = arith.index_cast %add3A_174 : i32 to index
        %swap3A_191 = arith.constant 16 : index
        %swap3A_192 = tpu.vector_load %arg12[%swap3A_190, %swap3A_191] {strides = array<i32>} : memref<16x1024xf32, #tpu.memory_space<vmem>>, vector<16xf32>,
        tpu.vector_store %arg12[%swap3A_190, %swap3A_191], %add3A_189 {strides = array<i32>} : memref<16x1024xf32, #tpu.memory_space<vmem>>, vector<16xf32>,
        %get3A_193 = arith.index_cast %add3A_174 : i32 to index
        %get3A_194 = arith.constant 32 : index
        %get3A_195 = tpu.vector_load %arg8[%get3A_193, %get3A_194] {strides = array<i32>} : memref<16x1024xf32, #tpu.memory_space<vmem>>, vector<16xf32>,
        %get3A_196 = arith.index_cast %add3A_174 : i32 to index
        %get3A_197 = arith.constant 32 : index
        %get3A_198 = tpu.vector_load %arg10[%get3A_196, %get3A_197] {strides = array<i32>} : memref<16x1024xf32, #tpu.memory_space<vmem>>, vector<16xf32>,
        %add3A_199 = arith.addf %get3A_195, %get3A_198 : vector<16xf32>
        %swap3A_200 = arith.index_cast %add3A_174 : i32 to index
        %swap3A_201 = arith.constant 32 : index
        %swap3A_202 = tpu.vector_load %arg12[%swap3A_200, %swap3A_201] {strides = array<i32>} : memref<16x1024xf32, #tpu.memory_space<vmem>>, vector<16xf32>,
        tpu.vector_store %arg12[%swap3A_200, %swap3A_201], %add3A_199 {strides = array<i32>} : memref<16x1024xf32, #tpu.memory_space<vmem>>, vector<16xf32>,
        %get3A_203 = arith.index_cast %add3A_174 : i32 to index
        %get3A_204 = arith.constant 48 : index
        %get3A_205 = tpu.vector_load %arg8[%get3A_203, %get3A_204] {strides = array<i32>} : memref<16x1024xf32, #tpu.memory_space<vmem>>, vector<16xf32>,
        %get3A_206 = arith.index_cast %add3A_174 : i32 to index
        %get3A_207 = arith.constant 48 : index
        %get3A_208 = tpu.vector_load %arg10[%get3A_206, %get3A_207] {strides = array<i32>} : memref<16x1024xf32, #tpu.memory_space<vmem>>, vector<16xf32>,
        %add3A_209 = arith.addf %get3A_205, %get3A_208 : vector<16xf32>
        %swap3A_210 = arith.index_cast %add3A_174 : i32 to index
        %swap3A_211 = arith.constant 48 : index
        %swap3A_212 = tpu.vector_load %arg12[%swap3A_210, %swap3A_211] {strides = array<i32>} : memref<16x1024xf32, #tpu.memory_space<vmem>>, vector<16xf32>,
        tpu.vector_store %arg12[%swap3A_210, %swap3A_211], %add3A_209 {strides = array<i32>} : memref<16x1024xf32, #tpu.memory_space<vmem>>, vector<16xf32>,
        %get3A_213 = arith.index_cast %add3A_174 : i32 to index
        %get3A_214 = arith.constant 64 : index
        %get3A_215 = tpu.vector_load %arg8[%get3A_213, %get3A_214] {strides = array<i32>} : memref<16x1024xf32, #tpu.memory_space<vmem>>, vector<16xf32>,
        %get3A_216 = arith.index_cast %add3A_174 : i32 to index
        %get3A_217 = arith.constant 64 : index
        %get3A_218 = tpu.vector_load %arg10[%get3A_216, %get3A_217] {strides = array<i32>} : memref<16x1024xf32, #tpu.memory_space<vmem>>, vector<16xf32>,
        %add3A_219 = arith.addf %get3A_215, %get3A_218 : vector<16xf32>
        %swap3A_220 = arith.index_cast %add3A_174 : i32 to index
        %swap3A_221 = arith.constant 64 : index
        %swap3A_222 = tpu.vector_load %arg12[%swap3A_220, %swap3A_221] {strides = array<i32>} : memref<16x1024xf32, #tpu.memory_space<vmem>>, vector<16xf32>,
        tpu.vector_store %arg12[%swap3A_220, %swap3A_221], %add3A_219 {strides = array<i32>} : memref<16x1024xf32, #tpu.memory_space<vmem>>, vector<16xf32>,
        %get3A_223 = arith.index_cast %add3A_174 : i32 to index
        %get3A_224 = arith.constant 80 : index
        %get3A_225 = tpu.vector_load %arg8[%get3A_223, %get3A_224] {strides = array<i32>} : memref<16x1024xf32, #tpu.memory_space<vmem>>, vector<16xf32>,
        %get3A_226 = arith.index_cast %add3A_174 : i32 to index
        %get3A_227 = arith.constant 80 : index
        %get3A_228 = tpu.vector_load %arg10[%get3A_226, %get3A_227] {strides = array<i32>} : memref<16x1024xf32, #tpu.memory_space<vmem>>, vector<16xf32>,
        %add3A_229 = arith.addf %get3A_225, %get3A_228 : vector<16xf32>
        %swap3A_230 = arith.index_cast %add3A_174 : i32 to index
        %swap3A_231 = arith.constant 80 : index
        %swap3A_232 = tpu.vector_load %arg12[%swap3A_230, %swap3A_231] {strides = array<i32>} : memref<16x1024xf32, #tpu.memory_space<vmem>>, vector<16xf32>,
        tpu.vector_store %arg12[%swap3A_230, %swap3A_231], %add3A_229 {strides = array<i32>} : memref<16x1024xf32, #tpu.memory_space<vmem>>, vector<16xf32>,
        %get3A_233 = arith.index_cast %add3A_174 : i32 to index
        %get3A_234 = arith.constant 96 : index
        %get3A_235 = tpu.vector_load %arg8[%get3A_233, %get3A_234] {strides = array<i32>} : memref<16x1024xf32, #tpu.memory_space<vmem>>, vector<16xf32>,
        %get3A_236 = arith.index_cast %add3A_174 : i32 to index
        %get3A_237 = arith.constant 96 : index
        %get3A_238 = tpu.vector_load %arg10[%get3A_236, %get3A_237] {strides = array<i32>} : memref<16x1024xf32, #tpu.memory_space<vmem>>, vector<16xf32>,
        %add3A_239 = arith.addf %get3A_235, %get3A_238 : vector<16xf32>
        %swap3A_240 = arith.index_cast %add3A_174 : i32 to index
        %swap3A_241 = arith.constant 96 : index
        %swap3A_242 = tpu.vector_load %arg12[%swap3A_240, %swap3A_241] {strides = array<i32>} : memref<16x1024xf32, #tpu.memory_space<vmem>>, vector<16xf32>,
        tpu.vector_store %arg12[%swap3A_240, %swap3A_241], %add3A_239 {strides = array<i32>} : memref<16x1024xf32, #tpu.memory_space<vmem>>, vector<16xf32>,
        %get3A_243 = arith.index_cast %add3A_174 : i32 to index
        %get3A_244 = arith.constant 112 : index
        %get3A_245 = tpu.vector_load %arg8[%get3A_243, %get3A_244] {strides = array<i32>} : memref<16x1024xf32, #tpu.memory_space<vmem>>, vector<16xf32>,
        %get3A_246 = arith.index_cast %add3A_174 : i32 to index
        %get3A_247 = arith.constant 112 : index
        %get3A_248 = tpu.vector_load %arg10[%get3A_246, %get3A_247] {strides = array<i32>} : memref<16x1024xf32, #tpu.memory_space<vmem>>, vector<16xf32>,
        %add3A_249 = arith.addf %get3A_245, %get3A_248 : vector<16xf32>
        %swap3A_250 = arith.index_cast %add3A_174 : i32 to index
        %swap3A_251 = arith.constant 112 : index
        %swap3A_252 = tpu.vector_load %arg12[%swap3A_250, %swap3A_251] {strides = array<i32>} : memref<16x1024xf32, #tpu.memory_space<vmem>>, vector<16xf32>,
        tpu.vector_store %arg12[%swap3A_250, %swap3A_251], %add3A_249 {strides = array<i32>} : memref<16x1024xf32, #tpu.memory_space<vmem>>, vector<16xf32>,
        %get3A_253 = arith.index_cast %add3A_174 : i32 to index
        %get3A_254 = arith.constant 128 : index
        %get3A_255 = tpu.vector_load %arg8[%get3A_253, %get3A_254] {strides = array<i32>} : memref<16x1024xf32, #tpu.memory_space<vmem>>, vector<16xf32>,
        %get3A_256 = arith.index_cast %add3A_174 : i32 to index
        %get3A_257 = arith.constant 128 : index
        %get3A_258 = tpu.vector_load %arg10[%get3A_256, %get3A_257] {strides = array<i32>} : memref<16x1024xf32, #tpu.memory_space<vmem>>, vector<16xf32>,
        %add3A_259 = arith.addf %get3A_255, %get3A_258 : vector<16xf32>
        %swap3A_260 = arith.index_cast %add3A_174 : i32 to index
        %swap3A_261 = arith.constant 128 : index
        %swap3A_262 = tpu.vector_load %arg12[%swap3A_260, %swap3A_261] {strides = array<i32>} : memref<16x1024xf32, #tpu.memory_space<vmem>>, vector<16xf32>,
        tpu.vector_store %arg12[%swap3A_260, %swap3A_261], %add3A_259 {strides = array<i32>} : memref<16x1024xf32, #tpu.memory_space<vmem>>, vector<16xf32>,
        %get3A_263 = arith.index_cast %add3A_174 : i32 to index
        %get3A_264 = arith.constant 144 : index
        %get3A_265 = tpu.vector_load %arg8[%get3A_263, %get3A_264] {strides = array<i32>} : memref<16x1024xf32, #tpu.memory_space<vmem>>, vector<16xf32>,
        %get3A_266 = arith.index_cast %add3A_174 : i32 to index
        %get3A_267 = arith.constant 144 : index
        %get3A_268 = tpu.vector_load %arg10[%get3A_266, %get3A_267] {strides = array<i32>} : memref<16x1024xf32, #tpu.memory_space<vmem>>, vector<16xf32>,
        %add3A_269 = arith.addf %get3A_265, %get3A_268 : vector<16xf32>
        %swap3A_270 = arith.index_cast %add3A_174 : i32 to index
        %swap3A_271 = arith.constant 144 : index
        %swap3A_272 = tpu.vector_load %arg12[%swap3A_270, %swap3A_271] {strides = array<i32>} : memref<16x1024xf32, #tpu.memory_space<vmem>>, vector<16xf32>,
        tpu.vector_store %arg12[%swap3A_270, %swap3A_271], %add3A_269 {strides = array<i32>} : memref<16x1024xf32, #tpu.memory_space<vmem>>, vector<16xf32>,
        %get3A_273 = arith.index_cast %add3A_174 : i32 to index
        %get3A_274 = arith.constant 160 : index
        %get3A_275 = tpu.vector_load %arg8[%get3A_273, %get3A_274] {strides = array<i32>} : memref<16x1024xf32, #tpu.memory_space<vmem>>, vector<16xf32>,
        %get3A_276 = arith.index_cast %add3A_174 : i32 to index
        %get3A_277 = arith.constant 160 : index
        %get3A_278 = tpu.vector_load %arg10[%get3A_276, %get3A_277] {strides = array<i32>} : memref<16x1024xf32, #tpu.memory_space<vmem>>, vector<16xf32>,
        %add3A_279 = arith.addf %get3A_275, %get3A_278 : vector<16xf32>
        %swap3A_280 = arith.index_cast %add3A_174 : i32 to index
        %swap3A_281 = arith.constant 160 : index
        %swap3A_282 = tpu.vector_load %arg12[%swap3A_280, %swap3A_281] {strides = array<i32>} : memref<16x1024xf32, #tpu.memory_space<vmem>>, vector<16xf32>,
        tpu.vector_store %arg12[%swap3A_280, %swap3A_281], %add3A_279 {strides = array<i32>} : memref<16x1024xf32, #tpu.memory_space<vmem>>, vector<16xf32>,
        %get3A_283 = arith.index_cast %add3A_174 : i32 to index
        %get3A_284 = arith.constant 176 : index
        %get3A_285 = tpu.vector_load %arg8[%get3A_283, %get3A_284] {strides = array<i32>} : memref<16x1024xf32, #tpu.memory_space<vmem>>, vector<16xf32>,
        %get3A_286 = arith.index_cast %add3A_174 : i32 to index
        %get3A_287 = arith.constant 176 : index
        %get3A_288 = tpu.vector_load %arg10[%get3A_286, %get3A_287] {strides = array<i32>} : memref<16x1024xf32, #tpu.memory_space<vmem>>, vector<16xf32>,
        %add3A_289 = arith.addf %get3A_285, %get3A_288 : vector<16xf32>
        %swap3A_290 = arith.index_cast %add3A_174 : i32 to index
        %swap3A_291 = arith.constant 176 : index
        %swap3A_292 = tpu.vector_load %arg12[%swap3A_290, %swap3A_291] {strides = array<i32>} : memref<16x1024xf32, #tpu.memory_space<vmem>>, vector<16xf32>,
        tpu.vector_store %arg12[%swap3A_290, %swap3A_291], %add3A_289 {strides = array<i32>} : memref<16x1024xf32, #tpu.memory_space<vmem>>, vector<16xf32>,
        %get3A_293 = arith.index_cast %add3A_174 : i32 to index
        %get3A_294 = arith.constant 192 : index
        %get3A_295 = tpu.vector_load %arg8[%get3A_293, %get3A_294] {strides = array<i32>} : memref<16x1024xf32, #tpu.memory_space<vmem>>, vector<16xf32>,
        %get3A_296 = arith.index_cast %add3A_174 : i32 to index
        %get3A_297 = arith.constant 192 : index
        %get3A_298 = tpu.vector_load %arg10[%get3A_296, %get3A_297] {strides = array<i32>} : memref<16x1024xf32, #tpu.memory_space<vmem>>, vector<16xf32>,
        %add3A_299 = arith.addf %get3A_295, %get3A_298 : vector<16xf32>
        %swap3A_300 = arith.index_cast %add3A_174 : i32 to index
        %swap3A_301 = arith.constant 192 : index
        %swap3A_302 = tpu.vector_load %arg12[%swap3A_300, %swap3A_301] {strides = array<i32>} : memref<16x1024xf32, #tpu.memory_space<vmem>>, vector<16xf32>,
        tpu.vector_store %arg12[%swap3A_300, %swap3A_301], %add3A_299 {strides = array<i32>} : memref<16x1024xf32, #tpu.memory_space<vmem>>, vector<16xf32>,
        %get3A_303 = arith.index_cast %add3A_174 : i32 to index
        %get3A_304 = arith.constant 208 : index
        %get3A_305 = tpu.vector_load %arg8[%get3A_303, %get3A_304] {strides = array<i32>} : memref<16x1024xf32, #tpu.memory_space<vmem>>, vector<16xf32>,
        %get3A_306 = arith.index_cast %add3A_174 : i32 to index
        %get3A_307 = arith.constant 208 : index
        %get3A_308 = tpu.vector_load %arg10[%get3A_306, %get3A_307] {strides = array<i32>} : memref<16x1024xf32, #tpu.memory_space<vmem>>, vector<16xf32>,
        %add3A_309 = arith.addf %get3A_305, %get3A_308 : vector<16xf32>
        %swap3A_310 = arith.index_cast %add3A_174 : i32 to index
        %swap3A_311 = arith.constant 208 : index
        %swap3A_312 = tpu.vector_load %arg12[%swap3A_310, %swap3A_311] {strides = array<i32>} : memref<16x1024xf32, #tpu.memory_space<vmem>>, vector<16xf32>,
        tpu.vector_store %arg12[%swap3A_310, %swap3A_311], %add3A_309 {strides = array<i32>} : memref<16x1024xf32, #tpu.memory_space<vmem>>, vector<16xf32>,
        %get3A_313 = arith.index_cast %add3A_174 : i32 to index
        %get3A_314 = arith.constant 224 : index
        %get3A_315 = tpu.vector_load %arg8[%get3A_313, %get3A_314] {strides = array<i32>} : memref<16x1024xf32, #tpu.memory_space<vmem>>, vector<16xf32>,
        %get3A_316 = arith.index_cast %add3A_174 : i32 to index
        %get3A_317 = arith.constant 224 : index
        %get3A_318 = tpu.vector_load %arg10[%get3A_316, %get3A_317] {strides = array<i32>} : memref<16x1024xf32, #tpu.memory_space<vmem>>, vector<16xf32>,
        %add3A_319 = arith.addf %get3A_315, %get3A_318 : vector<16xf32>
        %swap3A_320 = arith.index_cast %add3A_174 : i32 to index
        %swap3A_321 = arith.constant 224 : index
        %swap3A_322 = tpu.vector_load %arg12[%swap3A_320, %swap3A_321] {strides = array<i32>} : memref<16x1024xf32, #tpu.memory_space<vmem>>, vector<16xf32>,
        tpu.vector_store %arg12[%swap3A_320, %swap3A_321], %add3A_319 {strides = array<i32>} : memref<16x1024xf32, #tpu.memory_space<vmem>>, vector<16xf32>,
        %get3A_323 = arith.index_cast %add3A_174 : i32 to index
        %get3A_324 = arith.constant 240 : index
        %get3A_325 = tpu.vector_load %arg8[%get3A_323, %get3A_324] {strides = array<i32>} : memref<16x1024xf32, #tpu.memory_space<vmem>>, vector<16xf32>,
        %get3A_326 = arith.index_cast %add3A_174 : i32 to index
        %get3A_327 = arith.constant 240 : index
        %get3A_328 = tpu.vector_load %arg10[%get3A_326, %get3A_327] {strides = array<i32>} : memref<16x1024xf32, #tpu.memory_space<vmem>>, vector<16xf32>,
        %add3A_329 = arith.addf %get3A_325, %get3A_328 : vector<16xf32>
        %swap3A_330 = arith.index_cast %add3A_174 : i32 to index
        %swap3A_331 = arith.constant 240 : index
        %swap3A_332 = tpu.vector_load %arg12[%swap3A_330, %swap3A_331] {strides = array<i32>} : memref<16x1024xf32, #tpu.memory_space<vmem>>, vector<16xf32>,
        tpu.vector_store %arg12[%swap3A_330, %swap3A_331], %add3A_329 {strides = array<i32>} : memref<16x1024xf32, #tpu.memory_space<vmem>>, vector<16xf32>,
        %get3A_333 = arith.index_cast %add3A_174 : i32 to index
        %get3A_334 = arith.constant 256 : index
        %get3A_335 = tpu.vector_load %arg8[%get3A_333, %get3A_334] {strides = array<i32>} : memref<16x1024xf32, #tpu.memory_space<vmem>>, vector<16xf32>,
        %get3A_336 = arith.index_cast %add3A_174 : i32 to index
        %get3A_337 = arith.constant 256 : index
        %get3A_338 = tpu.vector_load %arg10[%get3A_336, %get3A_337] {strides = array<i32>} : memref<16x1024xf32, #tpu.memory_space<vmem>>, vector<16xf32>,
        %add3A_339 = arith.addf %get3A_335, %get3A_338 : vector<16xf32>
        %swap3A_340 = arith.index_cast %add3A_174 : i32 to index
        %swap3A_341 = arith.constant 256 : index
        %swap3A_342 = tpu.vector_load %arg12[%swap3A_340, %swap3A_341] {strides = array<i32>} : memref<16x1024xf32, #tpu.memory_space<vmem>>, vector<16xf32>,
        tpu.vector_store %arg12[%swap3A_340, %swap3A_341], %add3A_339 {strides = array<i32>} : memref<16x1024xf32, #tpu.memory_space<vmem>>, vector<16xf32>,
        %get3A_343 = arith.index_cast %add3A_174 : i32 to index
        %get3A_344 = arith.constant 272 : index
        %get3A_345 = tpu.vector_load %arg8[%get3A_343, %get3A_344] {strides = array<i32>} : memref<16x1024xf32, #tpu.memory_space<vmem>>, vector<16xf32>,
        %get3A_346 = arith.index_cast %add3A_174 : i32 to index
        %get3A_347 = arith.constant 272 : index
        %get3A_348 = tpu.vector_load %arg10[%get3A_346, %get3A_347] {strides = array<i32>} : memref<16x1024xf32, #tpu.memory_space<vmem>>, vector<16xf32>,
        %add3A_349 = arith.addf %get3A_345, %get3A_348 : vector<16xf32>
        %swap3A_350 = arith.index_cast %add3A_174 : i32 to index
        %swap3A_351 = arith.constant 272 : index
        %swap3A_352 = tpu.vector_load %arg12[%swap3A_350, %swap3A_351] {strides = array<i32>} : memref<16x1024xf32, #tpu.memory_space<vmem>>, vector<16xf32>,
        tpu.vector_store %arg12[%swap3A_350, %swap3A_351], %add3A_349 {strides = array<i32>} : memref<16x1024xf32, #tpu.memory_space<vmem>>, vector<16xf32>,
        %get3A_353 = arith.index_cast %add3A_174 : i32 to index
        %get3A_354 = arith.constant 288 : index
        %get3A_355 = tpu.vector_load %arg8[%get3A_353, %get3A_354] {strides = array<i32>} : memref<16x1024xf32, #tpu.memory_space<vmem>>, vector<16xf32>,
        %get3A_356 = arith.index_cast %add3A_174 : i32 to index
        %get3A_357 = arith.constant 288 : index
        %get3A_358 = tpu.vector_load %arg10[%get3A_356, %get3A_357] {strides = array<i32>} : memref<16x1024xf32, #tpu.memory_space<vmem>>, vector<16xf32>,
        %add3A_359 = arith.addf %get3A_355, %get3A_358 : vector<16xf32>
        %swap3A_360 = arith.index_cast %add3A_174 : i32 to index
        %swap3A_361 = arith.constant 288 : index
        %swap3A_362 = tpu.vector_load %arg12[%swap3A_360, %swap3A_361] {strides = array<i32>} : memref<16x1024xf32, #tpu.memory_space<vmem>>, vector<16xf32>,
        tpu.vector_store %arg12[%swap3A_360, %swap3A_361], %add3A_359 {strides = array<i32>} : memref<16x1024xf32, #tpu.memory_space<vmem>>, vector<16xf32>,
        %get3A_363 = arith.index_cast %add3A_174 : i32 to index
        %get3A_364 = arith.constant 304 : index
        %get3A_365 = tpu.vector_load %arg8[%get3A_363, %get3A_364] {strides = array<i32>} : memref<16x1024xf32, #tpu.memory_space<vmem>>, vector<16xf32>,
        %get3A_366 = arith.index_cast %add3A_174 : i32 to index
        %get3A_367 = arith.constant 304 : index
        %get3A_368 = tpu.vector_load %arg10[%get3A_366, %get3A_367] {strides = array<i32>} : memref<16x1024xf32, #tpu.memory_space<vmem>>, vector<16xf32>,
        %add3A_369 = arith.addf %get3A_365, %get3A_368 : vector<16xf32>
        %swap3A_370 = arith.index_cast %add3A_174 : i32 to index
        %swap3A_371 = arith.constant 304 : index
        %swap3A_372 = tpu.vector_load %arg12[%swap3A_370, %swap3A_371] {strides = array<i32>} : memref<16x1024xf32, #tpu.memory_space<vmem>>, vector<16xf32>,
        tpu.vector_store %arg12[%swap3A_370, %swap3A_371], %add3A_369 {strides = array<i32>} : memref<16x1024xf32, #tpu.memory_space<vmem>>, vector<16xf32>,
        %get3A_373 = arith.index_cast %add3A_174 : i32 to index
        %get3A_374 = arith.constant 320 : index
        %get3A_375 = tpu.vector_load %arg8[%get3A_373, %get3A_374] {strides = array<i32>} : memref<16x1024xf32, #tpu.memory_space<vmem>>, vector<16xf32>,
        %get3A_376 = arith.index_cast %add3A_174 : i32 to index
        %get3A_377 = arith.constant 320 : index
        %get3A_378 = tpu.vector_load %arg10[%get3A_376, %get3A_377] {strides = array<i32>} : memref<16x1024xf32, #tpu.memory_space<vmem>>, vector<16xf32>,
        %add3A_379 = arith.addf %get3A_375, %get3A_378 : vector<16xf32>
        %swap3A_380 = arith.index_cast %add3A_174 : i32 to index
        %swap3A_381 = arith.constant 320 : index
        %swap3A_382 = tpu.vector_load %arg12[%swap3A_380, %swap3A_381] {strides = array<i32>} : memref<16x1024xf32, #tpu.memory_space<vmem>>, vector<16xf32>,
        tpu.vector_store %arg12[%swap3A_380, %swap3A_381], %add3A_379 {strides = array<i32>} : memref<16x1024xf32, #tpu.memory_space<vmem>>, vector<16xf32>,
        %get3A_383 = arith.index_cast %add3A_174 : i32 to index
        %get3A_384 = arith.constant 336 : index
        %get3A_385 = tpu.vector_load %arg8[%get3A_383, %get3A_384] {strides = array<i32>} : memref<16x1024xf32, #tpu.memory_space<vmem>>, vector<16xf32>,
        %get3A_386 = arith.index_cast %add3A_174 : i32 to index
        %get3A_387 = arith.constant 336 : index
        %get3A_388 = tpu.vector_load %arg10[%get3A_386, %get3A_387] {strides = array<i32>} : memref<16x1024xf32, #tpu.memory_space<vmem>>, vector<16xf32>,
        %add3A_389 = arith.addf %get3A_385, %get3A_388 : vector<16xf32>
        %swap3A_390 = arith.index_cast %add3A_174 : i32 to index
        %swap3A_391 = arith.constant 336 : index
        %swap3A_392 = tpu.vector_load %arg12[%swap3A_390, %swap3A_391] {strides = array<i32>} : memref<16x1024xf32, #tpu.memory_space<vmem>>, vector<16xf32>,
        tpu.vector_store %arg12[%swap3A_390, %swap3A_391], %add3A_389 {strides = array<i32>} : memref<16x1024xf32, #tpu.memory_space<vmem>>, vector<16xf32>,
        %get3A_393 = arith.index_cast %add3A_174 : i32 to index
        %get3A_394 = arith.constant 352 : index
        %get3A_395 = tpu.vector_load %arg8[%get3A_393, %get3A_394] {strides = array<i32>} : memref<16x1024xf32, #tpu.memory_space<vmem>>, vector<16xf32>,
        %get3A_396 = arith.index_cast %add3A_174 : i32 to index
        %get3A_397 = arith.constant 352 : index
        %get3A_398 = tpu.vector_load %arg10[%get3A_396, %get3A_397] {strides = array<i32>} : memref<16x1024xf32, #tpu.memory_space<vmem>>, vector<16xf32>,
        %add3A_399 = arith.addf %get3A_395, %get3A_398 : vector<16xf32>
        %swap3A_400 = arith.index_cast %add3A_174 : i32 to index
        %swap3A_401 = arith.constant 352 : index
        %swap3A_402 = tpu.vector_load %arg12[%swap3A_400, %swap3A_401] {strides = array<i32>} : memref<16x1024xf32, #tpu.memory_space<vmem>>, vector<16xf32>,
        tpu.vector_store %arg12[%swap3A_400, %swap3A_401], %add3A_399 {strides = array<i32>} : memref<16x1024xf32, #tpu.memory_space<vmem>>, vector<16xf32>,
        %get3A_403 = arith.index_cast %add3A_174 : i32 to index
        %get3A_404 = arith.constant 368 : index
        %get3A_405 = tpu.vector_load %arg8[%get3A_403, %get3A_404] {strides = array<i32>} : memref<16x1024xf32, #tpu.memory_space<vmem>>, vector<16xf32>,
        %get3A_406 = arith.index_cast %add3A_174 : i32 to index
        %get3A_407 = arith.constant 368 : index
        %get3A_408 = tpu.vector_load %arg10[%get3A_406, %get3A_407] {strides = array<i32>} : memref<16x1024xf32, #tpu.memory_space<vmem>>, vector<16xf32>,
        %add3A_409 = arith.addf %get3A_405, %get3A_408 : vector<16xf32>
        %swap3A_410 = arith.index_cast %add3A_174 : i32 to index
        %swap3A_411 = arith.constant 368 : index
        %swap3A_412 = tpu.vector_load %arg12[%swap3A_410, %swap3A_411] {strides = array<i32>} : memref<16x1024xf32, #tpu.memory_space<vmem>>, vector<16xf32>,
        tpu.vector_store %arg12[%swap3A_410, %swap3A_411], %add3A_409 {strides = array<i32>} : memref<16x1024xf32, #tpu.memory_space<vmem>>, vector<16xf32>,
        %get3A_413 = arith.index_cast %add3A_174 : i32 to index
        %get3A_414 = arith.constant 384 : index
        %get3A_415 = tpu.vector_load %arg8[%get3A_413, %get3A_414] {strides = array<i32>} : memref<16x1024xf32, #tpu.memory_space<vmem>>, vector<16xf32>,
        %get3A_416 = arith.index_cast %add3A_174 : i32 to index
        %get3A_417 = arith.constant 384 : index
        %get3A_418 = tpu.vector_load %arg10[%get3A_416, %get3A_417] {strides = array<i32>} : memref<16x1024xf32, #tpu.memory_space<vmem>>, vector<16xf32>,
        %add3A_419 = arith.addf %get3A_415, %get3A_418 : vector<16xf32>
        %swap3A_420 = arith.index_cast %add3A_174 : i32 to index
        %swap3A_421 = arith.constant 384 : index
        %swap3A_422 = tpu.vector_load %arg12[%swap3A_420, %swap3A_421] {strides = array<i32>} : memref<16x1024xf32, #tpu.memory_space<vmem>>, vector<16xf32>,
        tpu.vector_store %arg12[%swap3A_420, %swap3A_421], %add3A_419 {strides = array<i32>} : memref<16x1024xf32, #tpu.memory_space<vmem>>, vector<16xf32>,
        %get3A_423 = arith.index_cast %add3A_174 : i32 to index
        %get3A_424 = arith.constant 400 : index
        %get3A_425 = tpu.vector_load %arg8[%get3A_423, %get3A_424] {strides = array<i32>} : memref<16x1024xf32, #tpu.memory_space<vmem>>, vector<16xf32>,
        %get3A_426 = arith.index_cast %add3A_174 : i32 to index
        %get3A_427 = arith.constant 400 : index
        %get3A_428 = tpu.vector_load %arg10[%get3A_426, %get3A_427] {strides = array<i32>} : memref<16x1024xf32, #tpu.memory_space<vmem>>, vector<16xf32>,
        %add3A_429 = arith.addf %get3A_425, %get3A_428 : vector<16xf32>
        %swap3A_430 = arith.index_cast %add3A_174 : i32 to index
        %swap3A_431 = arith.constant 400 : index
        %swap3A_432 = tpu.vector_load %arg12[%swap3A_430, %swap3A_431] {strides = array<i32>} : memref<16x1024xf32, #tpu.memory_space<vmem>>, vector<16xf32>,
        tpu.vector_store %arg12[%swap3A_430, %swap3A_431], %add3A_429 {strides = array<i32>} : memref<16x1024xf32, #tpu.memory_space<vmem>>, vector<16xf32>,
        %get3A_433 = arith.index_cast %add3A_174 : i32 to index
        %get3A_434 = arith.constant 416 : index
        %get3A_435 = tpu.vector_load %arg8[%get3A_433, %get3A_434] {strides = array<i32>} : memref<16x1024xf32, #tpu.memory_space<vmem>>, vector<16xf32>,
        %get3A_436 = arith.index_cast %add3A_174 : i32 to index
        %get3A_437 = arith.constant 416 : index
        %get3A_438 = tpu.vector_load %arg10[%get3A_436, %get3A_437] {strides = array<i32>} : memref<16x1024xf32, #tpu.memory_space<vmem>>, vector<16xf32>,
        %add3A_439 = arith.addf %get3A_435, %get3A_438 : vector<16xf32>
        %swap3A_440 = arith.index_cast %add3A_174 : i32 to index
        %swap3A_441 = arith.constant 416 : index
        %swap3A_442 = tpu.vector_load %arg12[%swap3A_440, %swap3A_441] {strides = array<i32>} : memref<16x1024xf32, #tpu.memory_space<vmem>>, vector<16xf32>,
        tpu.vector_store %arg12[%swap3A_440, %swap3A_441], %add3A_439 {strides = array<i32>} : memref<16x1024xf32, #tpu.memory_space<vmem>>, vector<16xf32>,
        %get3A_443 = arith.index_cast %add3A_174 : i32 to index
        %get3A_444 = arith.constant 432 : index
        %get3A_445 = tpu.vector_load %arg8[%get3A_443, %get3A_444] {strides = array<i32>} : memref<16x1024xf32, #tpu.memory_space<vmem>>, vector<16xf32>,
        %get3A_446 = arith.index_cast %add3A_174 : i32 to index
        %get3A_447 = arith.constant 432 : index
        %get3A_448 = tpu.vector_load %arg10[%get3A_446, %get3A_447] {strides = array<i32>} : memref<16x1024xf32, #tpu.memory_space<vmem>>, vector<16xf32>,
        %add3A_449 = arith.addf %get3A_445, %get3A_448 : vector<16xf32>
        %swap3A_450 = arith.index_cast %add3A_174 : i32 to index
        %swap3A_451 = arith.constant 432 : index
        %swap3A_452 = tpu.vector_load %arg12[%swap3A_450, %swap3A_451] {strides = array<i32>} : memref<16x1024xf32, #tpu.memory_space<vmem>>, vector<16xf32>,
        tpu.vector_store %arg12[%swap3A_450, %swap3A_451], %add3A_449 {strides = array<i32>} : memref<16x1024xf32, #tpu.memory_space<vmem>>, vector<16xf32>,
        %get3A_453 = arith.index_cast %add3A_174 : i32 to index
        %get3A_454 = arith.constant 448 : index
        %get3A_455 = tpu.vector_load %arg8[%get3A_453, %get3A_454] {strides = array<i32>} : memref<16x1024xf32, #tpu.memory_space<vmem>>, vector<16xf32>,
        %get3A_456 = arith.index_cast %add3A_174 : i32 to index
        %get3A_457 = arith.constant 448 : index
        %get3A_458 = tpu.vector_load %arg10[%get3A_456, %get3A_457] {strides = array<i32>} : memref<16x1024xf32, #tpu.memory_space<vmem>>, vector<16xf32>,
        %add3A_459 = arith.addf %get3A_455, %get3A_458 : vector<16xf32>
        %swap3A_460 = arith.index_cast %add3A_174 : i32 to index
        %swap3A_461 = arith.constant 448 : index
        %swap3A_462 = tpu.vector_load %arg12[%swap3A_460, %swap3A_461] {strides = array<i32>} : memref<16x1024xf32, #tpu.memory_space<vmem>>, vector<16xf32>,
        tpu.vector_store %arg12[%swap3A_460, %swap3A_461], %add3A_459 {strides = array<i32>} : memref<16x1024xf32, #tpu.memory_space<vmem>>, vector<16xf32>,
        %get3A_463 = arith.index_cast %add3A_174 : i32 to index
        %get3A_464 = arith.constant 464 : index
        %get3A_465 = tpu.vector_load %arg8[%get3A_463, %get3A_464] {strides = array<i32>} : memref<16x1024xf32, #tpu.memory_space<vmem>>, vector<16xf32>,
        %get3A_466 = arith.index_cast %add3A_174 : i32 to index
        %get3A_467 = arith.constant 464 : index
        %get3A_468 = tpu.vector_load %arg10[%get3A_466, %get3A_467] {strides = array<i32>} : memref<16x1024xf32, #tpu.memory_space<vmem>>, vector<16xf32>,
        %add3A_469 = arith.addf %get3A_465, %get3A_468 : vector<16xf32>
        %swap3A_470 = arith.index_cast %add3A_174 : i32 to index
        %swap3A_471 = arith.constant 464 : index
        %swap3A_472 = tpu.vector_load %arg12[%swap3A_470, %swap3A_471] {strides = array<i32>} : memref<16x1024xf32, #tpu.memory_space<vmem>>, vector<16xf32>,
        tpu.vector_store %arg12[%swap3A_470, %swap3A_471], %add3A_469 {strides = array<i32>} : memref<16x1024xf32, #tpu.memory_space<vmem>>, vector<16xf32>,
        %get3A_473 = arith.index_cast %add3A_174 : i32 to index
        %get3A_474 = arith.constant 480 : index
        %get3A_475 = tpu.vector_load %arg8[%get3A_473, %get3A_474] {strides = array<i32>} : memref<16x1024xf32, #tpu.memory_space<vmem>>, vector<16xf32>,
        %get3A_476 = arith.index_cast %add3A_174 : i32 to index
        %get3A_477 = arith.constant 480 : index
        %get3A_478 = tpu.vector_load %arg10[%get3A_476, %get3A_477] {strides = array<i32>} : memref<16x1024xf32, #tpu.memory_space<vmem>>, vector<16xf32>,
        %add3A_479 = arith.addf %get3A_475, %get3A_478 : vector<16xf32>
        %swap3A_480 = arith.index_cast %add3A_174 : i32 to index
        %swap3A_481 = arith.constant 480 : index
        %swap3A_482 = tpu.vector_load %arg12[%swap3A_480, %swap3A_481] {strides = array<i32>} : memref<16x1024xf32, #tpu.memory_space<vmem>>, vector<16xf32>,
        tpu.vector_store %arg12[%swap3A_480, %swap3A_481], %add3A_479 {strides = array<i32>} : memref<16x1024xf32, #tpu.memory_space<vmem>>, vector<16xf32>,
        %get3A_483 = arith.index_cast %add3A_174 : i32 to index
        %get3A_484 = arith.constant 496 : index
        %get3A_485 = tpu.vector_load %arg8[%get3A_483, %get3A_484] {strides = array<i32>} : memref<16x1024xf32, #tpu.memory_space<vmem>>, vector<16xf32>,
        %get3A_486 = arith.index_cast %add3A_174 : i32 to index
        %get3A_487 = arith.constant 496 : index
        %get3A_488 = tpu.vector_load %arg10[%get3A_486, %get3A_487] {strides = array<i32>} : memref<16x1024xf32, #tpu.memory_space<vmem>>, vector<16xf32>,
        %add3A_489 = arith.addf %get3A_485, %get3A_488 : vector<16xf32>
        %swap3A_490 = arith.index_cast %add3A_174 : i32 to index
        %swap3A_491 = arith.constant 496 : index
        %swap3A_492 = tpu.vector_load %arg12[%swap3A_490, %swap3A_491] {strides = array<i32>} : memref<16x1024xf32, #tpu.memory_space<vmem>>, vector<16xf32>,
        tpu.vector_store %arg12[%swap3A_490, %swap3A_491], %add3A_489 {strides = array<i32>} : memref<16x1024xf32, #tpu.memory_space<vmem>>, vector<16xf32>,
        %get3A_493 = arith.index_cast %add3A_174 : i32 to index
        %get3A_494 = arith.constant 512 : index
        %get3A_495 = tpu.vector_load %arg8[%get3A_493, %get3A_494] {strides = array<i32>} : memref<16x1024xf32, #tpu.memory_space<vmem>>, vector<16xf32>,
        %get3A_496 = arith.index_cast %add3A_174 : i32 to index
        %get3A_497 = arith.constant 512 : index
        %get3A_498 = tpu.vector_load %arg10[%get3A_496, %get3A_497] {strides = array<i32>} : memref<16x1024xf32, #tpu.memory_space<vmem>>, vector<16xf32>,
        %add3A_499 = arith.addf %get3A_495, %get3A_498 : vector<16xf32>
        %swap3A_500 = arith.index_cast %add3A_174 : i32 to index
        %swap3A_501 = arith.constant 512 : index
        %swap3A_502 = tpu.vector_load %arg12[%swap3A_500, %swap3A_501] {strides = array<i32>} : memref<16x1024xf32, #tpu.memory_space<vmem>>, vector<16xf32>,
        tpu.vector_store %arg12[%swap3A_500, %swap3A_501], %add3A_499 {strides = array<i32>} : memref<16x1024xf32, #tpu.memory_space<vmem>>, vector<16xf32>,
        %get3A_503 = arith.index_cast %add3A_174 : i32 to index
        %get3A_504 = arith.constant 528 : index
        %get3A_505 = tpu.vector_load %arg8[%get3A_503, %get3A_504] {strides = array<i32>} : memref<16x1024xf32, #tpu.memory_space<vmem>>, vector<16xf32>,
        %get3A_506 = arith.index_cast %add3A_174 : i32 to index
        %get3A_507 = arith.constant 528 : index
        %get3A_508 = tpu.vector_load %arg10[%get3A_506, %get3A_507] {strides = array<i32>} : memref<16x1024xf32, #tpu.memory_space<vmem>>, vector<16xf32>,
        %add3A_509 = arith.addf %get3A_505, %get3A_508 : vector<16xf32>
        %swap3A_510 = arith.index_cast %add3A_174 : i32 to index
        %swap3A_511 = arith.constant 528 : index
        %swap3A_512 = tpu.vector_load %arg12[%swap3A_510, %swap3A_511] {strides = array<i32>} : memref<16x1024xf32, #tpu.memory_space<vmem>>, vector<16xf32>,
        tpu.vector_store %arg12[%swap3A_510, %swap3A_511], %add3A_509 {strides = array<i32>} : memref<16x1024xf32, #tpu.memory_space<vmem>>, vector<16xf32>,
        %get3A_513 = arith.index_cast %add3A_174 : i32 to index
        %get3A_514 = arith.constant 544 : index
        %get3A_515 = tpu.vector_load %arg8[%get3A_513, %get3A_514] {strides = array<i32>} : memref<16x1024xf32, #tpu.memory_space<vmem>>, vector<16xf32>,
        %get3A_516 = arith.index_cast %add3A_174 : i32 to index
        %get3A_517 = arith.constant 544 : index
        %get3A_518 = tpu.vector_load %arg10[%get3A_516, %get3A_517] {strides = array<i32>} : memref<16x1024xf32, #tpu.memory_space<vmem>>, vector<16xf32>,
        %add3A_519 = arith.addf %get3A_515, %get3A_518 : vector<16xf32>
        %swap3A_520 = arith.index_cast %add3A_174 : i32 to index
        %swap3A_521 = arith.constant 544 : index
        %swap3A_522 = tpu.vector_load %arg12[%swap3A_520, %swap3A_521] {strides = array<i32>} : memref<16x1024xf32, #tpu.memory_space<vmem>>, vector<16xf32>,
        tpu.vector_store %arg12[%swap3A_520, %swap3A_521], %add3A_519 {strides = array<i32>} : memref<16x1024xf32, #tpu.memory_space<vmem>>, vector<16xf32>,
        %get3A_523 = arith.index_cast %add3A_174 : i32 to index
        %get3A_524 = arith.constant 560 : index
        %get3A_525 = tpu.vector_load %arg8[%get3A_523, %get3A_524] {strides = array<i32>} : memref<16x1024xf32, #tpu.memory_space<vmem>>, vector<16xf32>,
        %get3A_526 = arith.index_cast %add3A_174 : i32 to index
        %get3A_527 = arith.constant 560 : index
        %get3A_528 = tpu.vector_load %arg10[%get3A_526, %get3A_527] {strides = array<i32>} : memref<16x1024xf32, #tpu.memory_space<vmem>>, vector<16xf32>,
        %add3A_529 = arith.addf %get3A_525, %get3A_528 : vector<16xf32>
        %swap3A_530 = arith.index_cast %add3A_174 : i32 to index
        %swap3A_531 = arith.constant 560 : index
        %swap3A_532 = tpu.vector_load %arg12[%swap3A_530, %swap3A_531] {strides = array<i32>} : memref<16x1024xf32, #tpu.memory_space<vmem>>, vector<16xf32>,
        tpu.vector_store %arg12[%swap3A_530, %swap3A_531], %add3A_529 {strides = array<i32>} : memref<16x1024xf32, #tpu.memory_space<vmem>>, vector<16xf32>,
        %get3A_533 = arith.index_cast %add3A_174 : i32 to index
        %get3A_534 = arith.constant 576 : index
        %get3A_535 = tpu.vector_load %arg8[%get3A_533, %get3A_534] {strides = array<i32>} : memref<16x1024xf32, #tpu.memory_space<vmem>>, vector<16xf32>,
        %get3A_536 = arith.index_cast %add3A_174 : i32 to index
        %get3A_537 = arith.constant 576 : index
        %get3A_538 = tpu.vector_load %arg10[%get3A_536, %get3A_537] {strides = array<i32>} : memref<16x1024xf32, #tpu.memory_space<vmem>>, vector<16xf32>,
        %add3A_539 = arith.addf %get3A_535, %get3A_538 : vector<16xf32>
        %swap3A_540 = arith.index_cast %add3A_174 : i32 to index
        %swap3A_541 = arith.constant 576 : index
        %swap3A_542 = tpu.vector_load %arg12[%swap3A_540, %swap3A_541] {strides = array<i32>} : memref<16x1024xf32, #tpu.memory_space<vmem>>, vector<16xf32>,
        tpu.vector_store %arg12[%swap3A_540, %swap3A_541], %add3A_539 {strides = array<i32>} : memref<16x1024xf32, #tpu.memory_space<vmem>>, vector<16xf32>,
        %get3A_543 = arith.index_cast %add3A_174 : i32 to index
        %get3A_544 = arith.constant 592 : index
        %get3A_545 = tpu.vector_load %arg8[%get3A_543, %get3A_544] {strides = array<i32>} : memref<16x1024xf32, #tpu.memory_space<vmem>>, vector<16xf32>,
        %get3A_546 = arith.index_cast %add3A_174 : i32 to index
        %get3A_547 = arith.constant 592 : index
        %get3A_548 = tpu.vector_load %arg10[%get3A_546, %get3A_547] {strides = array<i32>} : memref<16x1024xf32, #tpu.memory_space<vmem>>, vector<16xf32>,
        %add3A_549 = arith.addf %get3A_545, %get3A_548 : vector<16xf32>
        %swap3A_550 = arith.index_cast %add3A_174 : i32 to index
        %swap3A_551 = arith.constant 592 : index
        %swap3A_552 = tpu.vector_load %arg12[%swap3A_550, %swap3A_551] {strides = array<i32>} : memref<16x1024xf32, #tpu.memory_space<vmem>>, vector<16xf32>,
        tpu.vector_store %arg12[%swap3A_550, %swap3A_551], %add3A_549 {strides = array<i32>} : memref<16x1024xf32, #tpu.memory_space<vmem>>, vector<16xf32>,
        %get3A_553 = arith.index_cast %add3A_174 : i32 to index
        %get3A_554 = arith.constant 608 : index
        %get3A_555 = tpu.vector_load %arg8[%get3A_553, %get3A_554] {strides = array<i32>} : memref<16x1024xf32, #tpu.memory_space<vmem>>, vector<16xf32>,
        %get3A_556 = arith.index_cast %add3A_174 : i32 to index
        %get3A_557 = arith.constant 608 : index
        %get3A_558 = tpu.vector_load %arg10[%get3A_556, %get3A_557] {strides = array<i32>} : memref<16x1024xf32, #tpu.memory_space<vmem>>, vector<16xf32>,
        %add3A_559 = arith.addf %get3A_555, %get3A_558 : vector<16xf32>
        %swap3A_560 = arith.index_cast %add3A_174 : i32 to index
        %swap3A_561 = arith.constant 608 : index
        %swap3A_562 = tpu.vector_load %arg12[%swap3A_560, %swap3A_561] {strides = array<i32>} : memref<16x1024xf32, #tpu.memory_space<vmem>>, vector<16xf32>,
        tpu.vector_store %arg12[%swap3A_560, %swap3A_561], %add3A_559 {strides = array<i32>} : memref<16x1024xf32, #tpu.memory_space<vmem>>, vector<16xf32>,
        %get3A_563 = arith.index_cast %add3A_174 : i32 to index
        %get3A_564 = arith.constant 624 : index
        %get3A_565 = tpu.vector_load %arg8[%get3A_563, %get3A_564] {strides = array<i32>} : memref<16x1024xf32, #tpu.memory_space<vmem>>, vector<16xf32>,
        %get3A_566 = arith.index_cast %add3A_174 : i32 to index
        %get3A_567 = arith.constant 624 : index
        %get3A_568 = tpu.vector_load %arg10[%get3A_566, %get3A_567] {strides = array<i32>} : memref<16x1024xf32, #tpu.memory_space<vmem>>, vector<16xf32>,
        %add3A_569 = arith.addf %get3A_565, %get3A_568 : vector<16xf32>
        %swap3A_570 = arith.index_cast %add3A_174 : i32 to index
        %swap3A_571 = arith.constant 624 : index
        %swap3A_572 = tpu.vector_load %arg12[%swap3A_570, %swap3A_571] {strides = array<i32>} : memref<16x1024xf32, #tpu.memory_space<vmem>>, vector<16xf32>,
        tpu.vector_store %arg12[%swap3A_570, %swap3A_571], %add3A_569 {strides = array<i32>} : memref<16x1024xf32, #tpu.memory_space<vmem>>, vector<16xf32>,
        %get3A_573 = arith.index_cast %add3A_174 : i32 to index
        %get3A_574 = arith.constant 640 : index
        %get3A_575 = tpu.vector_load %arg8[%get3A_573, %get3A_574] {strides = array<i32>} : memref<16x1024xf32, #tpu.memory_space<vmem>>, vector<16xf32>,
        %get3A_576 = arith.index_cast %add3A_174 : i32 to index
        %get3A_577 = arith.constant 640 : index
        %get3A_578 = tpu.vector_load %arg10[%get3A_576, %get3A_577] {strides = array<i32>} : memref<16x1024xf32, #tpu.memory_space<vmem>>, vector<16xf32>,
        %add3A_579 = arith.addf %get3A_575, %get3A_578 : vector<16xf32>
        %swap3A_580 = arith.index_cast %add3A_174 : i32 to index
        %swap3A_581 = arith.constant 640 : index
        %swap3A_582 = tpu.vector_load %arg12[%swap3A_580, %swap3A_581] {strides = array<i32>} : memref<16x1024xf32, #tpu.memory_space<vmem>>, vector<16xf32>,
        tpu.vector_store %arg12[%swap3A_580, %swap3A_581], %add3A_579 {strides = array<i32>} : memref<16x1024xf32, #tpu.memory_space<vmem>>, vector<16xf32>,
        %get3A_583 = arith.index_cast %add3A_174 : i32 to index
        %get3A_584 = arith.constant 656 : index
        %get3A_585 = tpu.vector_load %arg8[%get3A_583, %get3A_584] {strides = array<i32>} : memref<16x1024xf32, #tpu.memory_space<vmem>>, vector<16xf32>,
        %get3A_586 = arith.index_cast %add3A_174 : i32 to index
        %get3A_587 = arith.constant 656 : index
        %get3A_588 = tpu.vector_load %arg10[%get3A_586, %get3A_587] {strides = array<i32>} : memref<16x1024xf32, #tpu.memory_space<vmem>>, vector<16xf32>,
        %add3A_589 = arith.addf %get3A_585, %get3A_588 : vector<16xf32>
        %swap3A_590 = arith.index_cast %add3A_174 : i32 to index
        %swap3A_591 = arith.constant 656 : index
        %swap3A_592 = tpu.vector_load %arg12[%swap3A_590, %swap3A_591] {strides = array<i32>} : memref<16x1024xf32, #tpu.memory_space<vmem>>, vector<16xf32>,
        tpu.vector_store %arg12[%swap3A_590, %swap3A_591], %add3A_589 {strides = array<i32>} : memref<16x1024xf32, #tpu.memory_space<vmem>>, vector<16xf32>,
        %get3A_593 = arith.index_cast %add3A_174 : i32 to index
        %get3A_594 = arith.constant 672 : index
        %get3A_595 = tpu.vector_load %arg8[%get3A_593, %get3A_594] {strides = array<i32>} : memref<16x1024xf32, #tpu.memory_space<vmem>>, vector<16xf32>,
        %get3A_596 = arith.index_cast %add3A_174 : i32 to index
        %get3A_597 = arith.constant 672 : index
        %get3A_598 = tpu.vector_load %arg10[%get3A_596, %get3A_597] {strides = array<i32>} : memref<16x1024xf32, #tpu.memory_space<vmem>>, vector<16xf32>,
        %add3A_599 = arith.addf %get3A_595, %get3A_598 : vector<16xf32>
        %swap3A_600 = arith.index_cast %add3A_174 : i32 to index
        %swap3A_601 = arith.constant 672 : index
        %swap3A_602 = tpu.vector_load %arg12[%swap3A_600, %swap3A_601] {strides = array<i32>} : memref<16x1024xf32, #tpu.memory_space<vmem>>, vector<16xf32>,
        tpu.vector_store %arg12[%swap3A_600, %swap3A_601], %add3A_599 {strides = array<i32>} : memref<16x1024xf32, #tpu.memory_space<vmem>>, vector<16xf32>,
        %get3A_603 = arith.index_cast %add3A_174 : i32 to index
        %get3A_604 = arith.constant 688 : index
        %get3A_605 = tpu.vector_load %arg8[%get3A_603, %get3A_604] {strides = array<i32>} : memref<16x1024xf32, #tpu.memory_space<vmem>>, vector<16xf32>,
        %get3A_606 = arith.index_cast %add3A_174 : i32 to index
        %get3A_607 = arith.constant 688 : index
        %get3A_608 = tpu.vector_load %arg10[%get3A_606, %get3A_607] {strides = array<i32>} : memref<16x1024xf32, #tpu.memory_space<vmem>>, vector<16xf32>,
        %add3A_609 = arith.addf %get3A_605, %get3A_608 : vector<16xf32>
        %swap3A_610 = arith.index_cast %add3A_174 : i32 to index
        %swap3A_611 = arith.constant 688 : index
        %swap3A_612 = tpu.vector_load %arg12[%swap3A_610, %swap3A_611] {strides = array<i32>} : memref<16x1024xf32, #tpu.memory_space<vmem>>, vector<16xf32>,
        tpu.vector_store %arg12[%swap3A_610, %swap3A_611], %add3A_609 {strides = array<i32>} : memref<16x1024xf32, #tpu.memory_space<vmem>>, vector<16xf32>,
        %get3A_613 = arith.index_cast %add3A_174 : i32 to index
        %get3A_614 = arith.constant 704 : index
        %get3A_615 = tpu.vector_load %arg8[%get3A_613, %get3A_614] {strides = array<i32>} : memref<16x1024xf32, #tpu.memory_space<vmem>>, vector<16xf32>,
        %get3A_616 = arith.index_cast %add3A_174 : i32 to index
        %get3A_617 = arith.constant 704 : index
        %get3A_618 = tpu.vector_load %arg10[%get3A_616, %get3A_617] {strides = array<i32>} : memref<16x1024xf32, #tpu.memory_space<vmem>>, vector<16xf32>,
        %add3A_619 = arith.addf %get3A_615, %get3A_618 : vector<16xf32>
        %swap3A_620 = arith.index_cast %add3A_174 : i32 to index
        %swap3A_621 = arith.constant 704 : index
        %swap3A_622 = tpu.vector_load %arg12[%swap3A_620, %swap3A_621] {strides = array<i32>} : memref<16x1024xf32, #tpu.memory_space<vmem>>, vector<16xf32>,
        tpu.vector_store %arg12[%swap3A_620, %swap3A_621], %add3A_619 {strides = array<i32>} : memref<16x1024xf32, #tpu.memory_space<vmem>>, vector<16xf32>,
        %get3A_623 = arith.index_cast %add3A_174 : i32 to index
        %get3A_624 = arith.constant 720 : index
        %get3A_625 = tpu.vector_load %arg8[%get3A_623, %get3A_624] {strides = array<i32>} : memref<16x1024xf32, #tpu.memory_space<vmem>>, vector<16xf32>,
        %get3A_626 = arith.index_cast %add3A_174 : i32 to index
        %get3A_627 = arith.constant 720 : index
        %get3A_628 = tpu.vector_load %arg10[%get3A_626, %get3A_627] {strides = array<i32>} : memref<16x1024xf32, #tpu.memory_space<vmem>>, vector<16xf32>,
        %add3A_629 = arith.addf %get3A_625, %get3A_628 : vector<16xf32>
        %swap3A_630 = arith.index_cast %add3A_174 : i32 to index
        %swap3A_631 = arith.constant 720 : index
        %swap3A_632 = tpu.vector_load %arg12[%swap3A_630, %swap3A_631] {strides = array<i32>} : memref<16x1024xf32, #tpu.memory_space<vmem>>, vector<16xf32>,
        tpu.vector_store %arg12[%swap3A_630, %swap3A_631], %add3A_629 {strides = array<i32>} : memref<16x1024xf32, #tpu.memory_space<vmem>>, vector<16xf32>,
        %get3A_633 = arith.index_cast %add3A_174 : i32 to index
        %get3A_634 = arith.constant 736 : index
        %get3A_635 = tpu.vector_load %arg8[%get3A_633, %get3A_634] {strides = array<i32>} : memref<16x1024xf32, #tpu.memory_space<vmem>>, vector<16xf32>,
        %get3A_636 = arith.index_cast %add3A_174 : i32 to index
        %get3A_637 = arith.constant 736 : index
        %get3A_638 = tpu.vector_load %arg10[%get3A_636, %get3A_637] {strides = array<i32>} : memref<16x1024xf32, #tpu.memory_space<vmem>>, vector<16xf32>,
        %add3A_639 = arith.addf %get3A_635, %get3A_638 : vector<16xf32>
        %swap3A_640 = arith.index_cast %add3A_174 : i32 to index
        %swap3A_641 = arith.constant 736 : index
        %swap3A_642 = tpu.vector_load %arg12[%swap3A_640, %swap3A_641] {strides = array<i32>} : memref<16x1024xf32, #tpu.memory_space<vmem>>, vector<16xf32>,
        tpu.vector_store %arg12[%swap3A_640, %swap3A_641], %add3A_639 {strides = array<i32>} : memref<16x1024xf32, #tpu.memory_space<vmem>>, vector<16xf32>,
        %get3A_643 = arith.index_cast %add3A_174 : i32 to index
        %get3A_644 = arith.constant 752 : index
        %get3A_645 = tpu.vector_load %arg8[%get3A_643, %get3A_644] {strides = array<i32>} : memref<16x1024xf32, #tpu.memory_space<vmem>>, vector<16xf32>,
        %get3A_646 = arith.index_cast %add3A_174 : i32 to index
        %get3A_647 = arith.constant 752 : index
        %get3A_648 = tpu.vector_load %arg10[%get3A_646, %get3A_647] {strides = array<i32>} : memref<16x1024xf32, #tpu.memory_space<vmem>>, vector<16xf32>,
        %add3A_649 = arith.addf %get3A_645, %get3A_648 : vector<16xf32>
        %swap3A_650 = arith.index_cast %add3A_174 : i32 to index
        %swap3A_651 = arith.constant 752 : index
        %swap3A_652 = tpu.vector_load %arg12[%swap3A_650, %swap3A_651] {strides = array<i32>} : memref<16x1024xf32, #tpu.memory_space<vmem>>, vector<16xf32>,
        tpu.vector_store %arg12[%swap3A_650, %swap3A_651], %add3A_649 {strides = array<i32>} : memref<16x1024xf32, #tpu.memory_space<vmem>>, vector<16xf32>,
        %get3A_653 = arith.index_cast %add3A_174 : i32 to index
        %get3A_654 = arith.constant 768 : index
        %get3A_655 = tpu.vector_load %arg8[%get3A_653, %get3A_654] {strides = array<i32>} : memref<16x1024xf32, #tpu.memory_space<vmem>>, vector<16xf32>,
        %get3A_656 = arith.index_cast %add3A_174 : i32 to index
        %get3A_657 = arith.constant 768 : index
        %get3A_658 = tpu.vector_load %arg10[%get3A_656, %get3A_657] {strides = array<i32>} : memref<16x1024xf32, #tpu.memory_space<vmem>>, vector<16xf32>,
        %add3A_659 = arith.addf %get3A_655, %get3A_658 : vector<16xf32>
        %swap3A_660 = arith.index_cast %add3A_174 : i32 to index
        %swap3A_661 = arith.constant 768 : index
        %swap3A_662 = tpu.vector_load %arg12[%swap3A_660, %swap3A_661] {strides = array<i32>} : memref<16x1024xf32, #tpu.memory_space<vmem>>, vector<16xf32>,
        tpu.vector_store %arg12[%swap3A_660, %swap3A_661], %add3A_659 {strides = array<i32>} : memref<16x1024xf32, #tpu.memory_space<vmem>>, vector<16xf32>,
        %get3A_663 = arith.index_cast %add3A_174 : i32 to index
        %get3A_664 = arith.constant 784 : index
        %get3A_665 = tpu.vector_load %arg8[%get3A_663, %get3A_664] {strides = array<i32>} : memref<16x1024xf32, #tpu.memory_space<vmem>>, vector<16xf32>,
        %get3A_666 = arith.index_cast %add3A_174 : i32 to index
        %get3A_667 = arith.constant 784 : index
        %get3A_668 = tpu.vector_load %arg10[%get3A_666, %get3A_667] {strides = array<i32>} : memref<16x1024xf32, #tpu.memory_space<vmem>>, vector<16xf32>,
        %add3A_669 = arith.addf %get3A_665, %get3A_668 : vector<16xf32>
        %swap3A_670 = arith.index_cast %add3A_174 : i32 to index
        %swap3A_671 = arith.constant 784 : index
        %swap3A_672 = tpu.vector_load %arg12[%swap3A_670, %swap3A_671] {strides = array<i32>} : memref<16x1024xf32, #tpu.memory_space<vmem>>, vector<16xf32>,
        tpu.vector_store %arg12[%swap3A_670, %swap3A_671], %add3A_669 {strides = array<i32>} : memref<16x1024xf32, #tpu.memory_space<vmem>>, vector<16xf32>,
        %get3A_673 = arith.index_cast %add3A_174 : i32 to index
        %get3A_674 = arith.constant 800 : index
        %get3A_675 = tpu.vector_load %arg8[%get3A_673, %get3A_674] {strides = array<i32>} : memref<16x1024xf32, #tpu.memory_space<vmem>>, vector<16xf32>,
        %get3A_676 = arith.index_cast %add3A_174 : i32 to index
        %get3A_677 = arith.constant 800 : index
        %get3A_678 = tpu.vector_load %arg10[%get3A_676, %get3A_677] {strides = array<i32>} : memref<16x1024xf32, #tpu.memory_space<vmem>>, vector<16xf32>,
        %add3A_679 = arith.addf %get3A_675, %get3A_678 : vector<16xf32>
        %swap3A_680 = arith.index_cast %add3A_174 : i32 to index
        %swap3A_681 = arith.constant 800 : index
        %swap3A_682 = tpu.vector_load %arg12[%swap3A_680, %swap3A_681] {strides = array<i32>} : memref<16x1024xf32, #tpu.memory_space<vmem>>, vector<16xf32>,
        tpu.vector_store %arg12[%swap3A_680, %swap3A_681], %add3A_679 {strides = array<i32>} : memref<16x1024xf32, #tpu.memory_space<vmem>>, vector<16xf32>,
        %get3A_683 = arith.index_cast %add3A_174 : i32 to index
        %get3A_684 = arith.constant 816 : index
        %get3A_685 = tpu.vector_load %arg8[%get3A_683, %get3A_684] {strides = array<i32>} : memref<16x1024xf32, #tpu.memory_space<vmem>>, vector<16xf32>,
        %get3A_686 = arith.index_cast %add3A_174 : i32 to index
        %get3A_687 = arith.constant 816 : index
        %get3A_688 = tpu.vector_load %arg10[%get3A_686, %get3A_687] {strides = array<i32>} : memref<16x1024xf32, #tpu.memory_space<vmem>>, vector<16xf32>,
        %add3A_689 = arith.addf %get3A_685, %get3A_688 : vector<16xf32>
        %swap3A_690 = arith.index_cast %add3A_174 : i32 to index
        %swap3A_691 = arith.constant 816 : index
        %swap3A_692 = tpu.vector_load %arg12[%swap3A_690, %swap3A_691] {strides = array<i32>} : memref<16x1024xf32, #tpu.memory_space<vmem>>, vector<16xf32>,
        tpu.vector_store %arg12[%swap3A_690, %swap3A_691], %add3A_689 {strides = array<i32>} : memref<16x1024xf32, #tpu.memory_space<vmem>>, vector<16xf32>,
        %get3A_693 = arith.index_cast %add3A_174 : i32 to index
        %get3A_694 = arith.constant 832 : index
        %get3A_695 = tpu.vector_load %arg8[%get3A_693, %get3A_694] {strides = array<i32>} : memref<16x1024xf32, #tpu.memory_space<vmem>>, vector<16xf32>,
        %get3A_696 = arith.index_cast %add3A_174 : i32 to index
        %get3A_697 = arith.constant 832 : index
        %get3A_698 = tpu.vector_load %arg10[%get3A_696, %get3A_697] {strides = array<i32>} : memref<16x1024xf32, #tpu.memory_space<vmem>>, vector<16xf32>,
        %add3A_699 = arith.addf %get3A_695, %get3A_698 : vector<16xf32>
        %swap3A_700 = arith.index_cast %add3A_174 : i32 to index
        %swap3A_701 = arith.constant 832 : index
        %swap3A_702 = tpu.vector_load %arg12[%swap3A_700, %swap3A_701] {strides = array<i32>} : memref<16x1024xf32, #tpu.memory_space<vmem>>, vector<16xf32>,
        tpu.vector_store %arg12[%swap3A_700, %swap3A_701], %add3A_699 {strides = array<i32>} : memref<16x1024xf32, #tpu.memory_space<vmem>>, vector<16xf32>,
        %get3A_703 = arith.index_cast %add3A_174 : i32 to index
        %get3A_704 = arith.constant 848 : index
        %get3A_705 = tpu.vector_load %arg8[%get3A_703, %get3A_704] {strides = array<i32>} : memref<16x1024xf32, #tpu.memory_space<vmem>>, vector<16xf32>,
        %get3A_706 = arith.index_cast %add3A_174 : i32 to index
        %get3A_707 = arith.constant 848 : index
        %get3A_708 = tpu.vector_load %arg10[%get3A_706, %get3A_707] {strides = array<i32>} : memref<16x1024xf32, #tpu.memory_space<vmem>>, vector<16xf32>,
        %add3A_709 = arith.addf %get3A_705, %get3A_708 : vector<16xf32>
        %swap3A_710 = arith.index_cast %add3A_174 : i32 to index
        %swap3A_711 = arith.constant 848 : index
        %swap3A_712 = tpu.vector_load %arg12[%swap3A_710, %swap3A_711] {strides = array<i32>} : memref<16x1024xf32, #tpu.memory_space<vmem>>, vector<16xf32>,
        tpu.vector_store %arg12[%swap3A_710, %swap3A_711], %add3A_709 {strides = array<i32>} : memref<16x1024xf32, #tpu.memory_space<vmem>>, vector<16xf32>,
        %get3A_713 = arith.index_cast %add3A_174 : i32 to index
        %get3A_714 = arith.constant 864 : index
        %get3A_715 = tpu.vector_load %arg8[%get3A_713, %get3A_714] {strides = array<i32>} : memref<16x1024xf32, #tpu.memory_space<vmem>>, vector<16xf32>,
        %get3A_716 = arith.index_cast %add3A_174 : i32 to index
        %get3A_717 = arith.constant 864 : index
        %get3A_718 = tpu.vector_load %arg10[%get3A_716, %get3A_717] {strides = array<i32>} : memref<16x1024xf32, #tpu.memory_space<vmem>>, vector<16xf32>,
        %add3A_719 = arith.addf %get3A_715, %get3A_718 : vector<16xf32>
        %swap3A_720 = arith.index_cast %add3A_174 : i32 to index
        %swap3A_721 = arith.constant 864 : index
        %swap3A_722 = tpu.vector_load %arg12[%swap3A_720, %swap3A_721] {strides = array<i32>} : memref<16x1024xf32, #tpu.memory_space<vmem>>, vector<16xf32>,
        tpu.vector_store %arg12[%swap3A_720, %swap3A_721], %add3A_719 {strides = array<i32>} : memref<16x1024xf32, #tpu.memory_space<vmem>>, vector<16xf32>,
        %get3A_723 = arith.index_cast %add3A_174 : i32 to index
        %get3A_724 = arith.constant 880 : index
        %get3A_725 = tpu.vector_load %arg8[%get3A_723, %get3A_724] {strides = array<i32>} : memref<16x1024xf32, #tpu.memory_space<vmem>>, vector<16xf32>,
        %get3A_726 = arith.index_cast %add3A_174 : i32 to index
        %get3A_727 = arith.constant 880 : index
        %get3A_728 = tpu.vector_load %arg10[%get3A_726, %get3A_727] {strides = array<i32>} : memref<16x1024xf32, #tpu.memory_space<vmem>>, vector<16xf32>,
        %add3A_729 = arith.addf %get3A_725, %get3A_728 : vector<16xf32>
        %swap3A_730 = arith.index_cast %add3A_174 : i32 to index
        %swap3A_731 = arith.constant 880 : index
        %swap3A_732 = tpu.vector_load %arg12[%swap3A_730, %swap3A_731] {strides = array<i32>} : memref<16x1024xf32, #tpu.memory_space<vmem>>, vector<16xf32>,
        tpu.vector_store %arg12[%swap3A_730, %swap3A_731], %add3A_729 {strides = array<i32>} : memref<16x1024xf32, #tpu.memory_space<vmem>>, vector<16xf32>,
        %get3A_733 = arith.index_cast %add3A_174 : i32 to index
        %get3A_734 = arith.constant 896 : index
        %get3A_735 = tpu.vector_load %arg8[%get3A_733, %get3A_734] {strides = array<i32>} : memref<16x1024xf32, #tpu.memory_space<vmem>>, vector<16xf32>,
        %get3A_736 = arith.index_cast %add3A_174 : i32 to index
        %get3A_737 = arith.constant 896 : index
        %get3A_738 = tpu.vector_load %arg10[%get3A_736, %get3A_737] {strides = array<i32>} : memref<16x1024xf32, #tpu.memory_space<vmem>>, vector<16xf32>,
        %add3A_739 = arith.addf %get3A_735, %get3A_738 : vector<16xf32>
        %swap3A_740 = arith.index_cast %add3A_174 : i32 to index
        %swap3A_741 = arith.constant 896 : index
        %swap3A_742 = tpu.vector_load %arg12[%swap3A_740, %swap3A_741] {strides = array<i32>} : memref<16x1024xf32, #tpu.memory_space<vmem>>, vector<16xf32>,
        tpu.vector_store %arg12[%swap3A_740, %swap3A_741], %add3A_739 {strides = array<i32>} : memref<16x1024xf32, #tpu.memory_space<vmem>>, vector<16xf32>,
        %get3A_743 = arith.index_cast %add3A_174 : i32 to index
        %get3A_744 = arith.constant 912 : index
        %get3A_745 = tpu.vector_load %arg8[%get3A_743, %get3A_744] {strides = array<i32>} : memref<16x1024xf32, #tpu.memory_space<vmem>>, vector<16xf32>,
        %get3A_746 = arith.index_cast %add3A_174 : i32 to index
        %get3A_747 = arith.constant 912 : index
        %get3A_748 = tpu.vector_load %arg10[%get3A_746, %get3A_747] {strides = array<i32>} : memref<16x1024xf32, #tpu.memory_space<vmem>>, vector<16xf32>,
        %add3A_749 = arith.addf %get3A_745, %get3A_748 : vector<16xf32>
        %swap3A_750 = arith.index_cast %add3A_174 : i32 to index
        %swap3A_751 = arith.constant 912 : index
        %swap3A_752 = tpu.vector_load %arg12[%swap3A_750, %swap3A_751] {strides = array<i32>} : memref<16x1024xf32, #tpu.memory_space<vmem>>, vector<16xf32>,
        tpu.vector_store %arg12[%swap3A_750, %swap3A_751], %add3A_749 {strides = array<i32>} : memref<16x1024xf32, #tpu.memory_space<vmem>>, vector<16xf32>,
        %get3A_753 = arith.index_cast %add3A_174 : i32 to index
        %get3A_754 = arith.constant 928 : index
        %get3A_755 = tpu.vector_load %arg8[%get3A_753, %get3A_754] {strides = array<i32>} : memref<16x1024xf32, #tpu.memory_space<vmem>>, vector<16xf32>,
        %get3A_756 = arith.index_cast %add3A_174 : i32 to index
        %get3A_757 = arith.constant 928 : index
        %get3A_758 = tpu.vector_load %arg10[%get3A_756, %get3A_757] {strides = array<i32>} : memref<16x1024xf32, #tpu.memory_space<vmem>>, vector<16xf32>,
        %add3A_759 = arith.addf %get3A_755, %get3A_758 : vector<16xf32>
        %swap3A_760 = arith.index_cast %add3A_174 : i32 to index
        %swap3A_761 = arith.constant 928 : index
        %swap3A_762 = tpu.vector_load %arg12[%swap3A_760, %swap3A_761] {strides = array<i32>} : memref<16x1024xf32, #tpu.memory_space<vmem>>, vector<16xf32>,
        tpu.vector_store %arg12[%swap3A_760, %swap3A_761], %add3A_759 {strides = array<i32>} : memref<16x1024xf32, #tpu.memory_space<vmem>>, vector<16xf32>,
        %get3A_763 = arith.index_cast %add3A_174 : i32 to index
        %get3A_764 = arith.constant 944 : index
        %get3A_765 = tpu.vector_load %arg8[%get3A_763, %get3A_764] {strides = array<i32>} : memref<16x1024xf32, #tpu.memory_space<vmem>>, vector<16xf32>,
        %get3A_766 = arith.index_cast %add3A_174 : i32 to index
        %get3A_767 = arith.constant 944 : index
        %get3A_768 = tpu.vector_load %arg10[%get3A_766, %get3A_767] {strides = array<i32>} : memref<16x1024xf32, #tpu.memory_space<vmem>>, vector<16xf32>,
        %add3A_769 = arith.addf %get3A_765, %get3A_768 : vector<16xf32>
        %swap3A_770 = arith.index_cast %add3A_174 : i32 to index
        %swap3A_771 = arith.constant 944 : index
        %swap3A_772 = tpu.vector_load %arg12[%swap3A_770, %swap3A_771] {strides = array<i32>} : memref<16x1024xf32, #tpu.memory_space<vmem>>, vector<16xf32>,
        tpu.vector_store %arg12[%swap3A_770, %swap3A_771], %add3A_769 {strides = array<i32>} : memref<16x1024xf32, #tpu.memory_space<vmem>>, vector<16xf32>,
        %get3A_773 = arith.index_cast %add3A_174 : i32 to index
        %get3A_774 = arith.constant 960 : index
        %get3A_775 = tpu.vector_load %arg8[%get3A_773, %get3A_774] {strides = array<i32>} : memref<16x1024xf32, #tpu.memory_space<vmem>>, vector<16xf32>,
        %get3A_776 = arith.index_cast %add3A_174 : i32 to index
        %get3A_777 = arith.constant 960 : index
        %get3A_778 = tpu.vector_load %arg10[%get3A_776, %get3A_777] {strides = array<i32>} : memref<16x1024xf32, #tpu.memory_space<vmem>>, vector<16xf32>,
        %add3A_779 = arith.addf %get3A_775, %get3A_778 : vector<16xf32>
        %swap3A_780 = arith.index_cast %add3A_174 : i32 to index
        %swap3A_781 = arith.constant 960 : index
        %swap3A_782 = tpu.vector_load %arg12[%swap3A_780, %swap3A_781] {strides = array<i32>} : memref<16x1024xf32, #tpu.memory_space<vmem>>, vector<16xf32>,
        tpu.vector_store %arg12[%swap3A_780, %swap3A_781], %add3A_779 {strides = array<i32>} : memref<16x1024xf32, #tpu.memory_space<vmem>>, vector<16xf32>,
        %get3A_783 = arith.index_cast %add3A_174 : i32 to index
        %get3A_784 = arith.constant 976 : index
        %get3A_785 = tpu.vector_load %arg8[%get3A_783, %get3A_784] {strides = array<i32>} : memref<16x1024xf32, #tpu.memory_space<vmem>>, vector<16xf32>,
        %get3A_786 = arith.index_cast %add3A_174 : i32 to index
        %get3A_787 = arith.constant 976 : index
        %get3A_788 = tpu.vector_load %arg10[%get3A_786, %get3A_787] {strides = array<i32>} : memref<16x1024xf32, #tpu.memory_space<vmem>>, vector<16xf32>,
        %add3A_789 = arith.addf %get3A_785, %get3A_788 : vector<16xf32>
        %swap3A_790 = arith.index_cast %add3A_174 : i32 to index
        %swap3A_791 = arith.constant 976 : index
        %swap3A_792 = tpu.vector_load %arg12[%swap3A_790, %swap3A_791] {strides = array<i32>} : memref<16x1024xf32, #tpu.memory_space<vmem>>, vector<16xf32>,
        tpu.vector_store %arg12[%swap3A_790, %swap3A_791], %add3A_789 {strides = array<i32>} : memref<16x1024xf32, #tpu.memory_space<vmem>>, vector<16xf32>,
        %get3A_793 = arith.index_cast %add3A_174 : i32 to index
        %get3A_794 = arith.constant 992 : index
        %get3A_795 = tpu.vector_load %arg8[%get3A_793, %get3A_794] {strides = array<i32>} : memref<16x1024xf32, #tpu.memory_space<vmem>>, vector<16xf32>,
        %get3A_796 = arith.index_cast %add3A_174 : i32 to index
        %get3A_797 = arith.constant 992 : index
        %get3A_798 = tpu.vector_load %arg10[%get3A_796, %get3A_797] {strides = array<i32>} : memref<16x1024xf32, #tpu.memory_space<vmem>>, vector<16xf32>,
        %add3A_799 = arith.addf %get3A_795, %get3A_798 : vector<16xf32>
        %swap3A_800 = arith.index_cast %add3A_174 : i32 to index
        %swap3A_801 = arith.constant 992 : index
        %swap3A_802 = tpu.vector_load %arg12[%swap3A_800, %swap3A_801] {strides = array<i32>} : memref<16x1024xf32, #tpu.memory_space<vmem>>, vector<16xf32>,
        tpu.vector_store %arg12[%swap3A_800, %swap3A_801], %add3A_799 {strides = array<i32>} : memref<16x1024xf32, #tpu.memory_space<vmem>>, vector<16xf32>,
        %get3A_803 = arith.index_cast %add3A_174 : i32 to index
        %get3A_804 = arith.constant 1008 : index
        %get3A_805 = tpu.vector_load %arg8[%get3A_803, %get3A_804] {strides = array<i32>} : memref<16x1024xf32, #tpu.memory_space<vmem>>, vector<16xf32>,
        %get3A_806 = arith.index_cast %add3A_174 : i32 to index
        %get3A_807 = arith.constant 1008 : index
        %get3A_808 = tpu.vector_load %arg10[%get3A_806, %get3A_807] {strides = array<i32>} : memref<16x1024xf32, #tpu.memory_space<vmem>>, vector<16xf32>,
        %add3A_809 = arith.addf %get3A_805, %get3A_808 : vector<16xf32>
        %swap3A_810 = arith.index_cast %add3A_174 : i32 to index
        %swap3A_811 = arith.constant 1008 : index
        %swap3A_812 = tpu.vector_load %arg12[%swap3A_810, %swap3A_811] {strides = array<i32>} : memref<16x1024xf32, #tpu.memory_space<vmem>>, vector<16xf32>,
        tpu.vector_store %arg12[%swap3A_810, %swap3A_811], %add3A_809 {strides = array<i32>} : memref<16x1024xf32, #tpu.memory_space<vmem>>, vector<16xf32>,
      }
      %scan3A_110 = arith.constant 16 : i32
      %mul3A_111 = arith.constant 16 : i32
      %mul3A_112 = arith.muli %add3A_88, %mul3A_111 : i32
      %add3A_113 = arith.addi %mul3A_32, %mul3A_112 : i32
      %dma_start3A_114 = arith.constant 0 : i32
      %dma_start3A_115 = tpu.memref_slice %arg5[%select_n3A, %add3A_113, %dma_start3A_114] : memref<4x4096x1024xf32, #tpu.memory_space<hbm>> -> memref<1x16x1024xf32, #tpu.memory_space<hbm>>
      %dma_start3A_116 = tpu.memref_squeeze %dma_start3A_115 : memref<1x16x1024xf32, #tpu.memory_space<hbm>> -> memref<16x1024xf32, #tpu.memory_space<hbm>>
      %dma_start3A_117 = arith.constant 0 : i32
      %dma_start3A_118 = tpu.memref_slice %arg5[%select_n3A, %add3A_113, %dma_start3A_117] : memref<4x4096x1024xf32, #tpu.memory_space<hbm>> -> memref<1x16x1024xf32, #tpu.memory_space<hbm>>
      %dma_start3A_119 = tpu.memref_squeeze %dma_start3A_118 : memref<1x16x1024xf32, #tpu.memory_space<hbm>> -> memref<16x1024xf32, #tpu.memory_space<hbm>>
      tpu.enqueue_dma source(%arg12 : memref<16x1024xf32, #tpu.memory_space<vmem>>) target(%dma_start3A_119 : memref<16x1024xf32, #tpu.memory_space<hbm>>) target_semaphore(%arg18 : memref<!tpu.dma_semaphore, #tpu.memory_space<semaphore_mem>>)
      %add3A_120 = arith.constant 2 : i32
      %add3A_121 = arith.addi %add3A_88, %add3A_120 : i32
      %lt3A_122 = arith.constant 32 : i32
      %lt3A_123 = arith.cmpi slt, %add3A_121, %lt3A_122 : i32
      %convert_element_type3A_124 = arith.extui %lt3A_123 : i1 to i32
      %cond3A_125 = arith.constant 0 : i32
      %cond3A_126 = arith.cmpi ne, %convert_element_type3A_124, %cond3A_125 : i32
      scf.if %cond3A_126 {
        %add3A_170 = arith.constant 2 : i32
        %add3A_171 = arith.addi %add3A_88, %add3A_170 : i32
        %mul3A_172 = arith.constant 16 : i32
        %mul3A_173 = arith.muli %add3A_171, %mul3A_172 : i32
        %dma_start3A_174 = tpu.memref_slice %arg6[%mul3A_173] : memref<512xi32, #tpu.memory_space<vmem>> -> memref<16xi32, #tpu.memory_space<vmem>>
        %dma_start3A_175 = arith.constant 0 : i32
        %dma_start3A_176 = arith.constant 0 : i32
        %dma_start3A_177 = tpu.memref_slice %arg2[%dma_start3A_175, %dma_start3A_176] : memref<8192x1024xf32, #tpu.memory_space<hbm>> -> memref<8192x1024xf32, #tpu.memory_space<hbm>>
        tpu.enqueue_indirect_dma source(%dma_start3A_177 : memref<8192x1024xf32, #tpu.memory_space<hbm>>) target(%arg8 : memref<16x1024xf32, #tpu.memory_space<vmem>>) offsets(%dma_start3A_174 : memref<16xi32, #tpu.memory_space<vmem>>) semaphore(%arg14 : memref<!tpu.dma_semaphore, #tpu.memory_space<semaphore_mem>>)
        %mul3A_178 = arith.constant 16 : i32
        %mul3A_179 = arith.muli %add3A_171, %mul3A_178 : i32
        %add3A_180 = arith.addi %mul3A_32, %mul3A_179 : i32
        %dma_start3A_181 = arith.constant 0 : i32
        %dma_start3A_182 = tpu.memref_slice %arg4[%select_n3A, %add3A_180, %dma_start3A_181] : memref<4x4096x1024xf32, #tpu.memory_space<hbm>> -> memref<1x16x1024xf32, #tpu.memory_space<hbm>>
        %dma_start3A_183 = tpu.memref_squeeze %dma_start3A_182 : memref<1x16x1024xf32, #tpu.memory_space<hbm>> -> memref<16x1024xf32, #tpu.memory_space<hbm>>
        %dma_start3A_184 = arith.constant 0 : i32
        %dma_start3A_185 = tpu.memref_slice %arg4[%select_n3A, %add3A_180, %dma_start3A_184] : memref<4x4096x1024xf32, #tpu.memory_space<hbm>> -> memref<1x16x1024xf32, #tpu.memory_space<hbm>>
        %dma_start3A_186 = tpu.memref_squeeze %dma_start3A_185 : memref<1x16x1024xf32, #tpu.memory_space<hbm>> -> memref<16x1024xf32, #tpu.memory_space<hbm>>
        tpu.enqueue_dma source(%dma_start3A_186 : memref<16x1024xf32, #tpu.memory_space<hbm>>) target(%arg10 : memref<16x1024xf32, #tpu.memory_space<vmem>>) target_semaphore(%arg16 : memref<!tpu.dma_semaphore, #tpu.memory_space<semaphore_mem>>)
      } else {
      }
      %add3A_127 = arith.constant 1 : i32
      %add3A_128 = arith.addi %add3A_86, %add3A_127 : i32
      %mul3A_129 = arith.constant 16 : i32
      %mul3A_130 = arith.muli %add3A_128, %mul3A_129 : i32
      %dma_wait3A_131 = tpu.memref_slice %arg6[%mul3A_130] : memref<512xi32, #tpu.memory_space<vmem>> -> memref<16xi32, #tpu.memory_space<vmem>>
      %dma_wait3A_132 = arith.constant 0 : i32
      %dma_wait3A_133 = arith.constant 0 : i32
      %dma_wait3A_134 = tpu.memref_slice %arg2[%dma_wait3A_132, %dma_wait3A_133] : memref<8192x1024xf32, #tpu.memory_space<hbm>> -> memref<8192x1024xf32, #tpu.memory_space<hbm>>
      tpu.wait_indirect_dma semaphore(%arg15 : memref<!tpu.dma_semaphore, #tpu.memory_space<semaphore_mem>>) src(%dma_wait3A_134 : memref<8192x1024xf32, #tpu.memory_space<hbm>>) dst(%arg9 : memref<16x1024xf32, #tpu.memory_space<vmem>>)
      %mul3A_135 = arith.constant 16 : i32
      %mul3A_136 = arith.muli %add3A_128, %mul3A_135 : i32
      %add3A_137 = arith.addi %mul3A_32, %mul3A_136 : i32
      %dma_wait3A_138 = arith.constant 0 : i32
      %dma_wait3A_139 = tpu.memref_slice %arg4[%select_n3A, %add3A_137, %dma_wait3A_138] : memref<4x4096x1024xf32, #tpu.memory_space<hbm>> -> memref<1x16x1024xf32, #tpu.memory_space<hbm>>
      %dma_wait3A_140 = tpu.memref_squeeze %dma_wait3A_139 : memref<1x16x1024xf32, #tpu.memory_space<hbm>> -> memref<16x1024xf32, #tpu.memory_space<hbm>>
      %dma_wait3A_141 = arith.constant 0 : i32
      %dma_wait3A_142 = tpu.memref_slice %arg4[%select_n3A, %add3A_137, %dma_wait3A_141] : memref<4x4096x1024xf32, #tpu.memory_space<hbm>> -> memref<1x16x1024xf32, #tpu.memory_space<hbm>>
      %dma_wait3A_143 = tpu.memref_squeeze %dma_wait3A_142 : memref<1x16x1024xf32, #tpu.memory_space<hbm>> -> memref<16x1024xf32, #tpu.memory_space<hbm>>
      tpu.wait_dma2 semaphore(%arg17 : memref<!tpu.dma_semaphore, #tpu.memory_space<semaphore_mem>>) src(%dma_wait3A_143 : memref<16x1024xf32, #tpu.memory_space<hbm>>) dst(%arg11 : memref<16x1024xf32, #tpu.memory_space<vmem>>)
      %gt3A_144 = arith.constant 0 : i32
      %gt3A_145 = arith.cmpi sgt, %add3A_86, %gt3A_144 : i32
      %convert_element_type3A_146 = arith.extui %gt3A_145 : i1 to i32
      %cond3A_147 = arith.constant 0 : i32
      %cond3A_148 = arith.cmpi ne, %convert_element_type3A_146, %cond3A_147 : i32
      scf.if %cond3A_148 {
        %sub3A_170 = arith.constant 2 : i32
        %sub3A_171 = arith.subi %add3A_128, %sub3A_170 : i32
        %mul3A_172 = arith.constant 16 : i32
        %mul3A_173 = arith.muli %sub3A_171, %mul3A_172 : i32
        %add3A_174 = arith.addi %mul3A_32, %mul3A_173 : i32
        %dma_wait3A_175 = arith.constant 0 : i32
        %dma_wait3A_176 = tpu.memref_slice %arg5[%select_n3A, %add3A_174, %dma_wait3A_175] : memref<4x4096x1024xf32, #tpu.memory_space<hbm>> -> memref<1x16x1024xf32, #tpu.memory_space<hbm>>
        %dma_wait3A_177 = tpu.memref_squeeze %dma_wait3A_176 : memref<1x16x1024xf32, #tpu.memory_space<hbm>> -> memref<16x1024xf32, #tpu.memory_space<hbm>>
        %dma_wait3A_178 = arith.constant 0 : i32
        %dma_wait3A_179 = tpu.memref_slice %arg5[%select_n3A, %add3A_174, %dma_wait3A_178] : memref<4x4096x1024xf32, #tpu.memory_space<hbm>> -> memref<1x16x1024xf32, #tpu.memory_space<hbm>>
        %dma_wait3A_180 = tpu.memref_squeeze %dma_wait3A_179 : memref<1x16x1024xf32, #tpu.memory_space<hbm>> -> memref<16x1024xf32, #tpu.memory_space<hbm>>
        tpu.wait_dma2 semaphore(%arg19 : memref<!tpu.dma_semaphore, #tpu.memory_space<semaphore_mem>>) src(%arg13 : memref<16x1024xf32, #tpu.memory_space<vmem>>) dst(%dma_wait3A_180 : memref<16x1024xf32, #tpu.memory_space<hbm>>)
      } else {
      }
      %scan3A_149 = arith.constant 0 : i32
      %scan3A_150 = arith.constant 16 : i32
      %scan3A_151 = arith.addi %scan3A_149, %scan3A_150 : i32
      %scan3A_152 = arith.constant 1 : i32
      scf.for %scan3A_170 = %scan3A_149 to %scan3A_151 step %scan3A_152  : i32 {
        %mul3A_171 = arith.constant 1 : i32
        %mul3A_172 = arith.muli %scan3A_170, %mul3A_171 : i32
        %add3A_173 = arith.constant 0 : i32
        %add3A_174 = arith.addi %add3A_173, %mul3A_172 : i32
        %get3A = arith.index_cast %add3A_174 : i32 to index
        %get3A_175 = arith.constant 0 : index
        %get3A_176 = tpu.vector_load %arg9[%get3A, %get3A_175] {strides = array<i32>} : memref<16x1024xf32, #tpu.memory_space<vmem>>, vector<16xf32>,
        %get3A_177 = arith.index_cast %add3A_174 : i32 to index
        %get3A_178 = arith.constant 0 : index
        %get3A_179 = tpu.vector_load %arg11[%get3A_177, %get3A_178] {strides = array<i32>} : memref<16x1024xf32, #tpu.memory_space<vmem>>, vector<16xf32>,
        %add3A_180 = arith.addf %get3A_176, %get3A_179 : vector<16xf32>
        %swap3A = arith.index_cast %add3A_174 : i32 to index
        %swap3A_181 = arith.constant 0 : index
        %swap3A_182 = tpu.vector_load %arg13[%swap3A, %swap3A_181] {strides = array<i32>} : memref<16x1024xf32, #tpu.memory_space<vmem>>, vector<16xf32>,
        tpu.vector_store %arg13[%swap3A, %swap3A_181], %add3A_180 {strides = array<i32>} : memref<16x1024xf32, #tpu.memory_space<vmem>>, vector<16xf32>,
        %get3A_183 = arith.index_cast %add3A_174 : i32 to index
        %get3A_184 = arith.constant 16 : index
        %get3A_185 = tpu.vector_load %arg9[%get3A_183, %get3A_184] {strides = array<i32>} : memref<16x1024xf32, #tpu.memory_space<vmem>>, vector<16xf32>,
        %get3A_186 = arith.index_cast %add3A_174 : i32 to index
        %get3A_187 = arith.constant 16 : index
        %get3A_188 = tpu.vector_load %arg11[%get3A_186, %get3A_187] {strides = array<i32>} : memref<16x1024xf32, #tpu.memory_space<vmem>>, vector<16xf32>,
        %add3A_189 = arith.addf %get3A_185, %get3A_188 : vector<16xf32>
        %swap3A_190 = arith.index_cast %add3A_174 : i32 to index
        %swap3A_191 = arith.constant 16 : index
        %swap3A_192 = tpu.vector_load %arg13[%swap3A_190, %swap3A_191] {strides = array<i32>} : memref<16x1024xf32, #tpu.memory_space<vmem>>, vector<16xf32>,
        tpu.vector_store %arg13[%swap3A_190, %swap3A_191], %add3A_189 {strides = array<i32>} : memref<16x1024xf32, #tpu.memory_space<vmem>>, vector<16xf32>,
        %get3A_193 = arith.index_cast %add3A_174 : i32 to index
        %get3A_194 = arith.constant 32 : index
        %get3A_195 = tpu.vector_load %arg9[%get3A_193, %get3A_194] {strides = array<i32>} : memref<16x1024xf32, #tpu.memory_space<vmem>>, vector<16xf32>,
        %get3A_196 = arith.index_cast %add3A_174 : i32 to index
        %get3A_197 = arith.constant 32 : index
        %get3A_198 = tpu.vector_load %arg11[%get3A_196, %get3A_197] {strides = array<i32>} : memref<16x1024xf32, #tpu.memory_space<vmem>>, vector<16xf32>,
        %add3A_199 = arith.addf %get3A_195, %get3A_198 : vector<16xf32>
        %swap3A_200 = arith.index_cast %add3A_174 : i32 to index
        %swap3A_201 = arith.constant 32 : index
        %swap3A_202 = tpu.vector_load %arg13[%swap3A_200, %swap3A_201] {strides = array<i32>} : memref<16x1024xf32, #tpu.memory_space<vmem>>, vector<16xf32>,
        tpu.vector_store %arg13[%swap3A_200, %swap3A_201], %add3A_199 {strides = array<i32>} : memref<16x1024xf32, #tpu.memory_space<vmem>>, vector<16xf32>,
        %get3A_203 = arith.index_cast %add3A_174 : i32 to index
        %get3A_204 = arith.constant 48 : index
        %get3A_205 = tpu.vector_load %arg9[%get3A_203, %get3A_204] {strides = array<i32>} : memref<16x1024xf32, #tpu.memory_space<vmem>>, vector<16xf32>,
        %get3A_206 = arith.index_cast %add3A_174 : i32 to index
        %get3A_207 = arith.constant 48 : index
        %get3A_208 = tpu.vector_load %arg11[%get3A_206, %get3A_207] {strides = array<i32>} : memref<16x1024xf32, #tpu.memory_space<vmem>>, vector<16xf32>,
        %add3A_209 = arith.addf %get3A_205, %get3A_208 : vector<16xf32>
        %swap3A_210 = arith.index_cast %add3A_174 : i32 to index
        %swap3A_211 = arith.constant 48 : index
        %swap3A_212 = tpu.vector_load %arg13[%swap3A_210, %swap3A_211] {strides = array<i32>} : memref<16x1024xf32, #tpu.memory_space<vmem>>, vector<16xf32>,
        tpu.vector_store %arg13[%swap3A_210, %swap3A_211], %add3A_209 {strides = array<i32>} : memref<16x1024xf32, #tpu.memory_space<vmem>>, vector<16xf32>,
        %get3A_213 = arith.index_cast %add3A_174 : i32 to index
        %get3A_214 = arith.constant 64 : index
        %get3A_215 = tpu.vector_load %arg9[%get3A_213, %get3A_214] {strides = array<i32>} : memref<16x1024xf32, #tpu.memory_space<vmem>>, vector<16xf32>,
        %get3A_216 = arith.index_cast %add3A_174 : i32 to index
        %get3A_217 = arith.constant 64 : index
        %get3A_218 = tpu.vector_load %arg11[%get3A_216, %get3A_217] {strides = array<i32>} : memref<16x1024xf32, #tpu.memory_space<vmem>>, vector<16xf32>,
        %add3A_219 = arith.addf %get3A_215, %get3A_218 : vector<16xf32>
        %swap3A_220 = arith.index_cast %add3A_174 : i32 to index
        %swap3A_221 = arith.constant 64 : index
        %swap3A_222 = tpu.vector_load %arg13[%swap3A_220, %swap3A_221] {strides = array<i32>} : memref<16x1024xf32, #tpu.memory_space<vmem>>, vector<16xf32>,
        tpu.vector_store %arg13[%swap3A_220, %swap3A_221], %add3A_219 {strides = array<i32>} : memref<16x1024xf32, #tpu.memory_space<vmem>>, vector<16xf32>,
        %get3A_223 = arith.index_cast %add3A_174 : i32 to index
        %get3A_224 = arith.constant 80 : index
        %get3A_225 = tpu.vector_load %arg9[%get3A_223, %get3A_224] {strides = array<i32>} : memref<16x1024xf32, #tpu.memory_space<vmem>>, vector<16xf32>,
        %get3A_226 = arith.index_cast %add3A_174 : i32 to index
        %get3A_227 = arith.constant 80 : index
        %get3A_228 = tpu.vector_load %arg11[%get3A_226, %get3A_227] {strides = array<i32>} : memref<16x1024xf32, #tpu.memory_space<vmem>>, vector<16xf32>,
        %add3A_229 = arith.addf %get3A_225, %get3A_228 : vector<16xf32>
        %swap3A_230 = arith.index_cast %add3A_174 : i32 to index
        %swap3A_231 = arith.constant 80 : index
        %swap3A_232 = tpu.vector_load %arg13[%swap3A_230, %swap3A_231] {strides = array<i32>} : memref<16x1024xf32, #tpu.memory_space<vmem>>, vector<16xf32>,
        tpu.vector_store %arg13[%swap3A_230, %swap3A_231], %add3A_229 {strides = array<i32>} : memref<16x1024xf32, #tpu.memory_space<vmem>>, vector<16xf32>,
        %get3A_233 = arith.index_cast %add3A_174 : i32 to index
        %get3A_234 = arith.constant 96 : index
        %get3A_235 = tpu.vector_load %arg9[%get3A_233, %get3A_234] {strides = array<i32>} : memref<16x1024xf32, #tpu.memory_space<vmem>>, vector<16xf32>,
        %get3A_236 = arith.index_cast %add3A_174 : i32 to index
        %get3A_237 = arith.constant 96 : index
        %get3A_238 = tpu.vector_load %arg11[%get3A_236, %get3A_237] {strides = array<i32>} : memref<16x1024xf32, #tpu.memory_space<vmem>>, vector<16xf32>,
        %add3A_239 = arith.addf %get3A_235, %get3A_238 : vector<16xf32>
        %swap3A_240 = arith.index_cast %add3A_174 : i32 to index
        %swap3A_241 = arith.constant 96 : index
        %swap3A_242 = tpu.vector_load %arg13[%swap3A_240, %swap3A_241] {strides = array<i32>} : memref<16x1024xf32, #tpu.memory_space<vmem>>, vector<16xf32>,
        tpu.vector_store %arg13[%swap3A_240, %swap3A_241], %add3A_239 {strides = array<i32>} : memref<16x1024xf32, #tpu.memory_space<vmem>>, vector<16xf32>,
        %get3A_243 = arith.index_cast %add3A_174 : i32 to index
        %get3A_244 = arith.constant 112 : index
        %get3A_245 = tpu.vector_load %arg9[%get3A_243, %get3A_244] {strides = array<i32>} : memref<16x1024xf32, #tpu.memory_space<vmem>>, vector<16xf32>,
        %get3A_246 = arith.index_cast %add3A_174 : i32 to index
        %get3A_247 = arith.constant 112 : index
        %get3A_248 = tpu.vector_load %arg11[%get3A_246, %get3A_247] {strides = array<i32>} : memref<16x1024xf32, #tpu.memory_space<vmem>>, vector<16xf32>,
        %add3A_249 = arith.addf %get3A_245, %get3A_248 : vector<16xf32>
        %swap3A_250 = arith.index_cast %add3A_174 : i32 to index
        %swap3A_251 = arith.constant 112 : index
        %swap3A_252 = tpu.vector_load %arg13[%swap3A_250, %swap3A_251] {strides = array<i32>} : memref<16x1024xf32, #tpu.memory_space<vmem>>, vector<16xf32>,
        tpu.vector_store %arg13[%swap3A_250, %swap3A_251], %add3A_249 {strides = array<i32>} : memref<16x1024xf32, #tpu.memory_space<vmem>>, vector<16xf32>,
        %get3A_253 = arith.index_cast %add3A_174 : i32 to index
        %get3A_254 = arith.constant 128 : index
        %get3A_255 = tpu.vector_load %arg9[%get3A_253, %get3A_254] {strides = array<i32>} : memref<16x1024xf32, #tpu.memory_space<vmem>>, vector<16xf32>,
        %get3A_256 = arith.index_cast %add3A_174 : i32 to index
        %get3A_257 = arith.constant 128 : index
        %get3A_258 = tpu.vector_load %arg11[%get3A_256, %get3A_257] {strides = array<i32>} : memref<16x1024xf32, #tpu.memory_space<vmem>>, vector<16xf32>,
        %add3A_259 = arith.addf %get3A_255, %get3A_258 : vector<16xf32>
        %swap3A_260 = arith.index_cast %add3A_174 : i32 to index
        %swap3A_261 = arith.constant 128 : index
        %swap3A_262 = tpu.vector_load %arg13[%swap3A_260, %swap3A_261] {strides = array<i32>} : memref<16x1024xf32, #tpu.memory_space<vmem>>, vector<16xf32>,
        tpu.vector_store %arg13[%swap3A_260, %swap3A_261], %add3A_259 {strides = array<i32>} : memref<16x1024xf32, #tpu.memory_space<vmem>>, vector<16xf32>,
        %get3A_263 = arith.index_cast %add3A_174 : i32 to index
        %get3A_264 = arith.constant 144 : index
        %get3A_265 = tpu.vector_load %arg9[%get3A_263, %get3A_264] {strides = array<i32>} : memref<16x1024xf32, #tpu.memory_space<vmem>>, vector<16xf32>,
        %get3A_266 = arith.index_cast %add3A_174 : i32 to index
        %get3A_267 = arith.constant 144 : index
        %get3A_268 = tpu.vector_load %arg11[%get3A_266, %get3A_267] {strides = array<i32>} : memref<16x1024xf32, #tpu.memory_space<vmem>>, vector<16xf32>,
        %add3A_269 = arith.addf %get3A_265, %get3A_268 : vector<16xf32>
        %swap3A_270 = arith.index_cast %add3A_174 : i32 to index
        %swap3A_271 = arith.constant 144 : index
        %swap3A_272 = tpu.vector_load %arg13[%swap3A_270, %swap3A_271] {strides = array<i32>} : memref<16x1024xf32, #tpu.memory_space<vmem>>, vector<16xf32>,
        tpu.vector_store %arg13[%swap3A_270, %swap3A_271], %add3A_269 {strides = array<i32>} : memref<16x1024xf32, #tpu.memory_space<vmem>>, vector<16xf32>,
        %get3A_273 = arith.index_cast %add3A_174 : i32 to index
        %get3A_274 = arith.constant 160 : index
        %get3A_275 = tpu.vector_load %arg9[%get3A_273, %get3A_274] {strides = array<i32>} : memref<16x1024xf32, #tpu.memory_space<vmem>>, vector<16xf32>,
        %get3A_276 = arith.index_cast %add3A_174 : i32 to index
        %get3A_277 = arith.constant 160 : index
        %get3A_278 = tpu.vector_load %arg11[%get3A_276, %get3A_277] {strides = array<i32>} : memref<16x1024xf32, #tpu.memory_space<vmem>>, vector<16xf32>,
        %add3A_279 = arith.addf %get3A_275, %get3A_278 : vector<16xf32>
        %swap3A_280 = arith.index_cast %add3A_174 : i32 to index
        %swap3A_281 = arith.constant 160 : index
        %swap3A_282 = tpu.vector_load %arg13[%swap3A_280, %swap3A_281] {strides = array<i32>} : memref<16x1024xf32, #tpu.memory_space<vmem>>, vector<16xf32>,
        tpu.vector_store %arg13[%swap3A_280, %swap3A_281], %add3A_279 {strides = array<i32>} : memref<16x1024xf32, #tpu.memory_space<vmem>>, vector<16xf32>,
        %get3A_283 = arith.index_cast %add3A_174 : i32 to index
        %get3A_284 = arith.constant 176 : index
        %get3A_285 = tpu.vector_load %arg9[%get3A_283, %get3A_284] {strides = array<i32>} : memref<16x1024xf32, #tpu.memory_space<vmem>>, vector<16xf32>,
        %get3A_286 = arith.index_cast %add3A_174 : i32 to index
        %get3A_287 = arith.constant 176 : index
        %get3A_288 = tpu.vector_load %arg11[%get3A_286, %get3A_287] {strides = array<i32>} : memref<16x1024xf32, #tpu.memory_space<vmem>>, vector<16xf32>,
        %add3A_289 = arith.addf %get3A_285, %get3A_288 : vector<16xf32>
        %swap3A_290 = arith.index_cast %add3A_174 : i32 to index
        %swap3A_291 = arith.constant 176 : index
        %swap3A_292 = tpu.vector_load %arg13[%swap3A_290, %swap3A_291] {strides = array<i32>} : memref<16x1024xf32, #tpu.memory_space<vmem>>, vector<16xf32>,
        tpu.vector_store %arg13[%swap3A_290, %swap3A_291], %add3A_289 {strides = array<i32>} : memref<16x1024xf32, #tpu.memory_space<vmem>>, vector<16xf32>,
        %get3A_293 = arith.index_cast %add3A_174 : i32 to index
        %get3A_294 = arith.constant 192 : index
        %get3A_295 = tpu.vector_load %arg9[%get3A_293, %get3A_294] {strides = array<i32>} : memref<16x1024xf32, #tpu.memory_space<vmem>>, vector<16xf32>,
        %get3A_296 = arith.index_cast %add3A_174 : i32 to index
        %get3A_297 = arith.constant 192 : index
        %get3A_298 = tpu.vector_load %arg11[%get3A_296, %get3A_297] {strides = array<i32>} : memref<16x1024xf32, #tpu.memory_space<vmem>>, vector<16xf32>,
        %add3A_299 = arith.addf %get3A_295, %get3A_298 : vector<16xf32>
        %swap3A_300 = arith.index_cast %add3A_174 : i32 to index
        %swap3A_301 = arith.constant 192 : index
        %swap3A_302 = tpu.vector_load %arg13[%swap3A_300, %swap3A_301] {strides = array<i32>} : memref<16x1024xf32, #tpu.memory_space<vmem>>, vector<16xf32>,
        tpu.vector_store %arg13[%swap3A_300, %swap3A_301], %add3A_299 {strides = array<i32>} : memref<16x1024xf32, #tpu.memory_space<vmem>>, vector<16xf32>,
        %get3A_303 = arith.index_cast %add3A_174 : i32 to index
        %get3A_304 = arith.constant 208 : index
        %get3A_305 = tpu.vector_load %arg9[%get3A_303, %get3A_304] {strides = array<i32>} : memref<16x1024xf32, #tpu.memory_space<vmem>>, vector<16xf32>,
        %get3A_306 = arith.index_cast %add3A_174 : i32 to index
        %get3A_307 = arith.constant 208 : index
        %get3A_308 = tpu.vector_load %arg11[%get3A_306, %get3A_307] {strides = array<i32>} : memref<16x1024xf32, #tpu.memory_space<vmem>>, vector<16xf32>,
        %add3A_309 = arith.addf %get3A_305, %get3A_308 : vector<16xf32>
        %swap3A_310 = arith.index_cast %add3A_174 : i32 to index
        %swap3A_311 = arith.constant 208 : index
        %swap3A_312 = tpu.vector_load %arg13[%swap3A_310, %swap3A_311] {strides = array<i32>} : memref<16x1024xf32, #tpu.memory_space<vmem>>, vector<16xf32>,
        tpu.vector_store %arg13[%swap3A_310, %swap3A_311], %add3A_309 {strides = array<i32>} : memref<16x1024xf32, #tpu.memory_space<vmem>>, vector<16xf32>,
        %get3A_313 = arith.index_cast %add3A_174 : i32 to index
        %get3A_314 = arith.constant 224 : index
        %get3A_315 = tpu.vector_load %arg9[%get3A_313, %get3A_314] {strides = array<i32>} : memref<16x1024xf32, #tpu.memory_space<vmem>>, vector<16xf32>,
        %get3A_316 = arith.index_cast %add3A_174 : i32 to index
        %get3A_317 = arith.constant 224 : index
        %get3A_318 = tpu.vector_load %arg11[%get3A_316, %get3A_317] {strides = array<i32>} : memref<16x1024xf32, #tpu.memory_space<vmem>>, vector<16xf32>,
        %add3A_319 = arith.addf %get3A_315, %get3A_318 : vector<16xf32>
        %swap3A_320 = arith.index_cast %add3A_174 : i32 to index
        %swap3A_321 = arith.constant 224 : index
        %swap3A_322 = tpu.vector_load %arg13[%swap3A_320, %swap3A_321] {strides = array<i32>} : memref<16x1024xf32, #tpu.memory_space<vmem>>, vector<16xf32>,
        tpu.vector_store %arg13[%swap3A_320, %swap3A_321], %add3A_319 {strides = array<i32>} : memref<16x1024xf32, #tpu.memory_space<vmem>>, vector<16xf32>,
        %get3A_323 = arith.index_cast %add3A_174 : i32 to index
        %get3A_324 = arith.constant 240 : index
        %get3A_325 = tpu.vector_load %arg9[%get3A_323, %get3A_324] {strides = array<i32>} : memref<16x1024xf32, #tpu.memory_space<vmem>>, vector<16xf32>,
        %get3A_326 = arith.index_cast %add3A_174 : i32 to index
        %get3A_327 = arith.constant 240 : index
        %get3A_328 = tpu.vector_load %arg11[%get3A_326, %get3A_327] {strides = array<i32>} : memref<16x1024xf32, #tpu.memory_space<vmem>>, vector<16xf32>,
        %add3A_329 = arith.addf %get3A_325, %get3A_328 : vector<16xf32>
        %swap3A_330 = arith.index_cast %add3A_174 : i32 to index
        %swap3A_331 = arith.constant 240 : index
        %swap3A_332 = tpu.vector_load %arg13[%swap3A_330, %swap3A_331] {strides = array<i32>} : memref<16x1024xf32, #tpu.memory_space<vmem>>, vector<16xf32>,
        tpu.vector_store %arg13[%swap3A_330, %swap3A_331], %add3A_329 {strides = array<i32>} : memref<16x1024xf32, #tpu.memory_space<vmem>>, vector<16xf32>,
        %get3A_333 = arith.index_cast %add3A_174 : i32 to index
        %get3A_334 = arith.constant 256 : index
        %get3A_335 = tpu.vector_load %arg9[%get3A_333, %get3A_334] {strides = array<i32>} : memref<16x1024xf32, #tpu.memory_space<vmem>>, vector<16xf32>,
        %get3A_336 = arith.index_cast %add3A_174 : i32 to index
        %get3A_337 = arith.constant 256 : index
        %get3A_338 = tpu.vector_load %arg11[%get3A_336, %get3A_337] {strides = array<i32>} : memref<16x1024xf32, #tpu.memory_space<vmem>>, vector<16xf32>,
        %add3A_339 = arith.addf %get3A_335, %get3A_338 : vector<16xf32>
        %swap3A_340 = arith.index_cast %add3A_174 : i32 to index
        %swap3A_341 = arith.constant 256 : index
        %swap3A_342 = tpu.vector_load %arg13[%swap3A_340, %swap3A_341] {strides = array<i32>} : memref<16x1024xf32, #tpu.memory_space<vmem>>, vector<16xf32>,
        tpu.vector_store %arg13[%swap3A_340, %swap3A_341], %add3A_339 {strides = array<i32>} : memref<16x1024xf32, #tpu.memory_space<vmem>>, vector<16xf32>,
        %get3A_343 = arith.index_cast %add3A_174 : i32 to index
        %get3A_344 = arith.constant 272 : index
        %get3A_345 = tpu.vector_load %arg9[%get3A_343, %get3A_344] {strides = array<i32>} : memref<16x1024xf32, #tpu.memory_space<vmem>>, vector<16xf32>,
        %get3A_346 = arith.index_cast %add3A_174 : i32 to index
        %get3A_347 = arith.constant 272 : index
        %get3A_348 = tpu.vector_load %arg11[%get3A_346, %get3A_347] {strides = array<i32>} : memref<16x1024xf32, #tpu.memory_space<vmem>>, vector<16xf32>,
        %add3A_349 = arith.addf %get3A_345, %get3A_348 : vector<16xf32>
        %swap3A_350 = arith.index_cast %add3A_174 : i32 to index
        %swap3A_351 = arith.constant 272 : index
        %swap3A_352 = tpu.vector_load %arg13[%swap3A_350, %swap3A_351] {strides = array<i32>} : memref<16x1024xf32, #tpu.memory_space<vmem>>, vector<16xf32>,
        tpu.vector_store %arg13[%swap3A_350, %swap3A_351], %add3A_349 {strides = array<i32>} : memref<16x1024xf32, #tpu.memory_space<vmem>>, vector<16xf32>,
        %get3A_353 = arith.index_cast %add3A_174 : i32 to index
        %get3A_354 = arith.constant 288 : index
        %get3A_355 = tpu.vector_load %arg9[%get3A_353, %get3A_354] {strides = array<i32>} : memref<16x1024xf32, #tpu.memory_space<vmem>>, vector<16xf32>,
        %get3A_356 = arith.index_cast %add3A_174 : i32 to index
        %get3A_357 = arith.constant 288 : index
        %get3A_358 = tpu.vector_load %arg11[%get3A_356, %get3A_357] {strides = array<i32>} : memref<16x1024xf32, #tpu.memory_space<vmem>>, vector<16xf32>,
        %add3A_359 = arith.addf %get3A_355, %get3A_358 : vector<16xf32>
        %swap3A_360 = arith.index_cast %add3A_174 : i32 to index
        %swap3A_361 = arith.constant 288 : index
        %swap3A_362 = tpu.vector_load %arg13[%swap3A_360, %swap3A_361] {strides = array<i32>} : memref<16x1024xf32, #tpu.memory_space<vmem>>, vector<16xf32>,
        tpu.vector_store %arg13[%swap3A_360, %swap3A_361], %add3A_359 {strides = array<i32>} : memref<16x1024xf32, #tpu.memory_space<vmem>>, vector<16xf32>,
        %get3A_363 = arith.index_cast %add3A_174 : i32 to index
        %get3A_364 = arith.constant 304 : index
        %get3A_365 = tpu.vector_load %arg9[%get3A_363, %get3A_364] {strides = array<i32>} : memref<16x1024xf32, #tpu.memory_space<vmem>>, vector<16xf32>,
        %get3A_366 = arith.index_cast %add3A_174 : i32 to index
        %get3A_367 = arith.constant 304 : index
        %get3A_368 = tpu.vector_load %arg11[%get3A_366, %get3A_367] {strides = array<i32>} : memref<16x1024xf32, #tpu.memory_space<vmem>>, vector<16xf32>,
        %add3A_369 = arith.addf %get3A_365, %get3A_368 : vector<16xf32>
        %swap3A_370 = arith.index_cast %add3A_174 : i32 to index
        %swap3A_371 = arith.constant 304 : index
        %swap3A_372 = tpu.vector_load %arg13[%swap3A_370, %swap3A_371] {strides = array<i32>} : memref<16x1024xf32, #tpu.memory_space<vmem>>, vector<16xf32>,
        tpu.vector_store %arg13[%swap3A_370, %swap3A_371], %add3A_369 {strides = array<i32>} : memref<16x1024xf32, #tpu.memory_space<vmem>>, vector<16xf32>,
        %get3A_373 = arith.index_cast %add3A_174 : i32 to index
        %get3A_374 = arith.constant 320 : index
        %get3A_375 = tpu.vector_load %arg9[%get3A_373, %get3A_374] {strides = array<i32>} : memref<16x1024xf32, #tpu.memory_space<vmem>>, vector<16xf32>,
        %get3A_376 = arith.index_cast %add3A_174 : i32 to index
        %get3A_377 = arith.constant 320 : index
        %get3A_378 = tpu.vector_load %arg11[%get3A_376, %get3A_377] {strides = array<i32>} : memref<16x1024xf32, #tpu.memory_space<vmem>>, vector<16xf32>,
        %add3A_379 = arith.addf %get3A_375, %get3A_378 : vector<16xf32>
        %swap3A_380 = arith.index_cast %add3A_174 : i32 to index
        %swap3A_381 = arith.constant 320 : index
        %swap3A_382 = tpu.vector_load %arg13[%swap3A_380, %swap3A_381] {strides = array<i32>} : memref<16x1024xf32, #tpu.memory_space<vmem>>, vector<16xf32>,
        tpu.vector_store %arg13[%swap3A_380, %swap3A_381], %add3A_379 {strides = array<i32>} : memref<16x1024xf32, #tpu.memory_space<vmem>>, vector<16xf32>,
        %get3A_383 = arith.index_cast %add3A_174 : i32 to index
        %get3A_384 = arith.constant 336 : index
        %get3A_385 = tpu.vector_load %arg9[%get3A_383, %get3A_384] {strides = array<i32>} : memref<16x1024xf32, #tpu.memory_space<vmem>>, vector<16xf32>,
        %get3A_386 = arith.index_cast %add3A_174 : i32 to index
        %get3A_387 = arith.constant 336 : index
        %get3A_388 = tpu.vector_load %arg11[%get3A_386, %get3A_387] {strides = array<i32>} : memref<16x1024xf32, #tpu.memory_space<vmem>>, vector<16xf32>,
        %add3A_389 = arith.addf %get3A_385, %get3A_388 : vector<16xf32>
        %swap3A_390 = arith.index_cast %add3A_174 : i32 to index
        %swap3A_391 = arith.constant 336 : index
        %swap3A_392 = tpu.vector_load %arg13[%swap3A_390, %swap3A_391] {strides = array<i32>} : memref<16x1024xf32, #tpu.memory_space<vmem>>, vector<16xf32>,
        tpu.vector_store %arg13[%swap3A_390, %swap3A_391], %add3A_389 {strides = array<i32>} : memref<16x1024xf32, #tpu.memory_space<vmem>>, vector<16xf32>,
        %get3A_393 = arith.index_cast %add3A_174 : i32 to index
        %get3A_394 = arith.constant 352 : index
        %get3A_395 = tpu.vector_load %arg9[%get3A_393, %get3A_394] {strides = array<i32>} : memref<16x1024xf32, #tpu.memory_space<vmem>>, vector<16xf32>,
        %get3A_396 = arith.index_cast %add3A_174 : i32 to index
        %get3A_397 = arith.constant 352 : index
        %get3A_398 = tpu.vector_load %arg11[%get3A_396, %get3A_397] {strides = array<i32>} : memref<16x1024xf32, #tpu.memory_space<vmem>>, vector<16xf32>,
        %add3A_399 = arith.addf %get3A_395, %get3A_398 : vector<16xf32>
        %swap3A_400 = arith.index_cast %add3A_174 : i32 to index
        %swap3A_401 = arith.constant 352 : index
        %swap3A_402 = tpu.vector_load %arg13[%swap3A_400, %swap3A_401] {strides = array<i32>} : memref<16x1024xf32, #tpu.memory_space<vmem>>, vector<16xf32>,
        tpu.vector_store %arg13[%swap3A_400, %swap3A_401], %add3A_399 {strides = array<i32>} : memref<16x1024xf32, #tpu.memory_space<vmem>>, vector<16xf32>,
        %get3A_403 = arith.index_cast %add3A_174 : i32 to index
        %get3A_404 = arith.constant 368 : index
        %get3A_405 = tpu.vector_load %arg9[%get3A_403, %get3A_404] {strides = array<i32>} : memref<16x1024xf32, #tpu.memory_space<vmem>>, vector<16xf32>,
        %get3A_406 = arith.index_cast %add3A_174 : i32 to index
        %get3A_407 = arith.constant 368 : index
        %get3A_408 = tpu.vector_load %arg11[%get3A_406, %get3A_407] {strides = array<i32>} : memref<16x1024xf32, #tpu.memory_space<vmem>>, vector<16xf32>,
        %add3A_409 = arith.addf %get3A_405, %get3A_408 : vector<16xf32>
        %swap3A_410 = arith.index_cast %add3A_174 : i32 to index
        %swap3A_411 = arith.constant 368 : index
        %swap3A_412 = tpu.vector_load %arg13[%swap3A_410, %swap3A_411] {strides = array<i32>} : memref<16x1024xf32, #tpu.memory_space<vmem>>, vector<16xf32>,
        tpu.vector_store %arg13[%swap3A_410, %swap3A_411], %add3A_409 {strides = array<i32>} : memref<16x1024xf32, #tpu.memory_space<vmem>>, vector<16xf32>,
        %get3A_413 = arith.index_cast %add3A_174 : i32 to index
        %get3A_414 = arith.constant 384 : index
        %get3A_415 = tpu.vector_load %arg9[%get3A_413, %get3A_414] {strides = array<i32>} : memref<16x1024xf32, #tpu.memory_space<vmem>>, vector<16xf32>,
        %get3A_416 = arith.index_cast %add3A_174 : i32 to index
        %get3A_417 = arith.constant 384 : index
        %get3A_418 = tpu.vector_load %arg11[%get3A_416, %get3A_417] {strides = array<i32>} : memref<16x1024xf32, #tpu.memory_space<vmem>>, vector<16xf32>,
        %add3A_419 = arith.addf %get3A_415, %get3A_418 : vector<16xf32>
        %swap3A_420 = arith.index_cast %add3A_174 : i32 to index
        %swap3A_421 = arith.constant 384 : index
        %swap3A_422 = tpu.vector_load %arg13[%swap3A_420, %swap3A_421] {strides = array<i32>} : memref<16x1024xf32, #tpu.memory_space<vmem>>, vector<16xf32>,
        tpu.vector_store %arg13[%swap3A_420, %swap3A_421], %add3A_419 {strides = array<i32>} : memref<16x1024xf32, #tpu.memory_space<vmem>>, vector<16xf32>,
        %get3A_423 = arith.index_cast %add3A_174 : i32 to index
        %get3A_424 = arith.constant 400 : index
        %get3A_425 = tpu.vector_load %arg9[%get3A_423, %get3A_424] {strides = array<i32>} : memref<16x1024xf32, #tpu.memory_space<vmem>>, vector<16xf32>,
        %get3A_426 = arith.index_cast %add3A_174 : i32 to index
        %get3A_427 = arith.constant 400 : index
        %get3A_428 = tpu.vector_load %arg11[%get3A_426, %get3A_427] {strides = array<i32>} : memref<16x1024xf32, #tpu.memory_space<vmem>>, vector<16xf32>,
        %add3A_429 = arith.addf %get3A_425, %get3A_428 : vector<16xf32>
        %swap3A_430 = arith.index_cast %add3A_174 : i32 to index
        %swap3A_431 = arith.constant 400 : index
        %swap3A_432 = tpu.vector_load %arg13[%swap3A_430, %swap3A_431] {strides = array<i32>} : memref<16x1024xf32, #tpu.memory_space<vmem>>, vector<16xf32>,
        tpu.vector_store %arg13[%swap3A_430, %swap3A_431], %add3A_429 {strides = array<i32>} : memref<16x1024xf32, #tpu.memory_space<vmem>>, vector<16xf32>,
        %get3A_433 = arith.index_cast %add3A_174 : i32 to index
        %get3A_434 = arith.constant 416 : index
        %get3A_435 = tpu.vector_load %arg9[%get3A_433, %get3A_434] {strides = array<i32>} : memref<16x1024xf32, #tpu.memory_space<vmem>>, vector<16xf32>,
        %get3A_436 = arith.index_cast %add3A_174 : i32 to index
        %get3A_437 = arith.constant 416 : index
        %get3A_438 = tpu.vector_load %arg11[%get3A_436, %get3A_437] {strides = array<i32>} : memref<16x1024xf32, #tpu.memory_space<vmem>>, vector<16xf32>,
        %add3A_439 = arith.addf %get3A_435, %get3A_438 : vector<16xf32>
        %swap3A_440 = arith.index_cast %add3A_174 : i32 to index
        %swap3A_441 = arith.constant 416 : index
        %swap3A_442 = tpu.vector_load %arg13[%swap3A_440, %swap3A_441] {strides = array<i32>} : memref<16x1024xf32, #tpu.memory_space<vmem>>, vector<16xf32>,
        tpu.vector_store %arg13[%swap3A_440, %swap3A_441], %add3A_439 {strides = array<i32>} : memref<16x1024xf32, #tpu.memory_space<vmem>>, vector<16xf32>,
        %get3A_443 = arith.index_cast %add3A_174 : i32 to index
        %get3A_444 = arith.constant 432 : index
        %get3A_445 = tpu.vector_load %arg9[%get3A_443, %get3A_444] {strides = array<i32>} : memref<16x1024xf32, #tpu.memory_space<vmem>>, vector<16xf32>,
        %get3A_446 = arith.index_cast %add3A_174 : i32 to index
        %get3A_447 = arith.constant 432 : index
        %get3A_448 = tpu.vector_load %arg11[%get3A_446, %get3A_447] {strides = array<i32>} : memref<16x1024xf32, #tpu.memory_space<vmem>>, vector<16xf32>,
        %add3A_449 = arith.addf %get3A_445, %get3A_448 : vector<16xf32>
        %swap3A_450 = arith.index_cast %add3A_174 : i32 to index
        %swap3A_451 = arith.constant 432 : index
        %swap3A_452 = tpu.vector_load %arg13[%swap3A_450, %swap3A_451] {strides = array<i32>} : memref<16x1024xf32, #tpu.memory_space<vmem>>, vector<16xf32>,
        tpu.vector_store %arg13[%swap3A_450, %swap3A_451], %add3A_449 {strides = array<i32>} : memref<16x1024xf32, #tpu.memory_space<vmem>>, vector<16xf32>,
        %get3A_453 = arith.index_cast %add3A_174 : i32 to index
        %get3A_454 = arith.constant 448 : index
        %get3A_455 = tpu.vector_load %arg9[%get3A_453, %get3A_454] {strides = array<i32>} : memref<16x1024xf32, #tpu.memory_space<vmem>>, vector<16xf32>,
        %get3A_456 = arith.index_cast %add3A_174 : i32 to index
        %get3A_457 = arith.constant 448 : index
        %get3A_458 = tpu.vector_load %arg11[%get3A_456, %get3A_457] {strides = array<i32>} : memref<16x1024xf32, #tpu.memory_space<vmem>>, vector<16xf32>,
        %add3A_459 = arith.addf %get3A_455, %get3A_458 : vector<16xf32>
        %swap3A_460 = arith.index_cast %add3A_174 : i32 to index
        %swap3A_461 = arith.constant 448 : index
        %swap3A_462 = tpu.vector_load %arg13[%swap3A_460, %swap3A_461] {strides = array<i32>} : memref<16x1024xf32, #tpu.memory_space<vmem>>, vector<16xf32>,
        tpu.vector_store %arg13[%swap3A_460, %swap3A_461], %add3A_459 {strides = array<i32>} : memref<16x1024xf32, #tpu.memory_space<vmem>>, vector<16xf32>,
        %get3A_463 = arith.index_cast %add3A_174 : i32 to index
        %get3A_464 = arith.constant 464 : index
        %get3A_465 = tpu.vector_load %arg9[%get3A_463, %get3A_464] {strides = array<i32>} : memref<16x1024xf32, #tpu.memory_space<vmem>>, vector<16xf32>,
        %get3A_466 = arith.index_cast %add3A_174 : i32 to index
        %get3A_467 = arith.constant 464 : index
        %get3A_468 = tpu.vector_load %arg11[%get3A_466, %get3A_467] {strides = array<i32>} : memref<16x1024xf32, #tpu.memory_space<vmem>>, vector<16xf32>,
        %add3A_469 = arith.addf %get3A_465, %get3A_468 : vector<16xf32>
        %swap3A_470 = arith.index_cast %add3A_174 : i32 to index
        %swap3A_471 = arith.constant 464 : index
        %swap3A_472 = tpu.vector_load %arg13[%swap3A_470, %swap3A_471] {strides = array<i32>} : memref<16x1024xf32, #tpu.memory_space<vmem>>, vector<16xf32>,
        tpu.vector_store %arg13[%swap3A_470, %swap3A_471], %add3A_469 {strides = array<i32>} : memref<16x1024xf32, #tpu.memory_space<vmem>>, vector<16xf32>,
        %get3A_473 = arith.index_cast %add3A_174 : i32 to index
        %get3A_474 = arith.constant 480 : index
        %get3A_475 = tpu.vector_load %arg9[%get3A_473, %get3A_474] {strides = array<i32>} : memref<16x1024xf32, #tpu.memory_space<vmem>>, vector<16xf32>,
        %get3A_476 = arith.index_cast %add3A_174 : i32 to index
        %get3A_477 = arith.constant 480 : index
        %get3A_478 = tpu.vector_load %arg11[%get3A_476, %get3A_477] {strides = array<i32>} : memref<16x1024xf32, #tpu.memory_space<vmem>>, vector<16xf32>,
        %add3A_479 = arith.addf %get3A_475, %get3A_478 : vector<16xf32>
        %swap3A_480 = arith.index_cast %add3A_174 : i32 to index
        %swap3A_481 = arith.constant 480 : index
        %swap3A_482 = tpu.vector_load %arg13[%swap3A_480, %swap3A_481] {strides = array<i32>} : memref<16x1024xf32, #tpu.memory_space<vmem>>, vector<16xf32>,
        tpu.vector_store %arg13[%swap3A_480, %swap3A_481], %add3A_479 {strides = array<i32>} : memref<16x1024xf32, #tpu.memory_space<vmem>>, vector<16xf32>,
        %get3A_483 = arith.index_cast %add3A_174 : i32 to index
        %get3A_484 = arith.constant 496 : index
        %get3A_485 = tpu.vector_load %arg9[%get3A_483, %get3A_484] {strides = array<i32>} : memref<16x1024xf32, #tpu.memory_space<vmem>>, vector<16xf32>,
        %get3A_486 = arith.index_cast %add3A_174 : i32 to index
        %get3A_487 = arith.constant 496 : index
        %get3A_488 = tpu.vector_load %arg11[%get3A_486, %get3A_487] {strides = array<i32>} : memref<16x1024xf32, #tpu.memory_space<vmem>>, vector<16xf32>,
        %add3A_489 = arith.addf %get3A_485, %get3A_488 : vector<16xf32>
        %swap3A_490 = arith.index_cast %add3A_174 : i32 to index
        %swap3A_491 = arith.constant 496 : index
        %swap3A_492 = tpu.vector_load %arg13[%swap3A_490, %swap3A_491] {strides = array<i32>} : memref<16x1024xf32, #tpu.memory_space<vmem>>, vector<16xf32>,
        tpu.vector_store %arg13[%swap3A_490, %swap3A_491], %add3A_489 {strides = array<i32>} : memref<16x1024xf32, #tpu.memory_space<vmem>>, vector<16xf32>,
        %get3A_493 = arith.index_cast %add3A_174 : i32 to index
        %get3A_494 = arith.constant 512 : index
        %get3A_495 = tpu.vector_load %arg9[%get3A_493, %get3A_494] {strides = array<i32>} : memref<16x1024xf32, #tpu.memory_space<vmem>>, vector<16xf32>,
        %get3A_496 = arith.index_cast %add3A_174 : i32 to index
        %get3A_497 = arith.constant 512 : index
        %get3A_498 = tpu.vector_load %arg11[%get3A_496, %get3A_497] {strides = array<i32>} : memref<16x1024xf32, #tpu.memory_space<vmem>>, vector<16xf32>,
        %add3A_499 = arith.addf %get3A_495, %get3A_498 : vector<16xf32>
        %swap3A_500 = arith.index_cast %add3A_174 : i32 to index
        %swap3A_501 = arith.constant 512 : index
        %swap3A_502 = tpu.vector_load %arg13[%swap3A_500, %swap3A_501] {strides = array<i32>} : memref<16x1024xf32, #tpu.memory_space<vmem>>, vector<16xf32>,
        tpu.vector_store %arg13[%swap3A_500, %swap3A_501], %add3A_499 {strides = array<i32>} : memref<16x1024xf32, #tpu.memory_space<vmem>>, vector<16xf32>,
        %get3A_503 = arith.index_cast %add3A_174 : i32 to index
        %get3A_504 = arith.constant 528 : index
        %get3A_505 = tpu.vector_load %arg9[%get3A_503, %get3A_504] {strides = array<i32>} : memref<16x1024xf32, #tpu.memory_space<vmem>>, vector<16xf32>,
        %get3A_506 = arith.index_cast %add3A_174 : i32 to index
        %get3A_507 = arith.constant 528 : index
        %get3A_508 = tpu.vector_load %arg11[%get3A_506, %get3A_507] {strides = array<i32>} : memref<16x1024xf32, #tpu.memory_space<vmem>>, vector<16xf32>,
        %add3A_509 = arith.addf %get3A_505, %get3A_508 : vector<16xf32>
        %swap3A_510 = arith.index_cast %add3A_174 : i32 to index
        %swap3A_511 = arith.constant 528 : index
        %swap3A_512 = tpu.vector_load %arg13[%swap3A_510, %swap3A_511] {strides = array<i32>} : memref<16x1024xf32, #tpu.memory_space<vmem>>, vector<16xf32>,
        tpu.vector_store %arg13[%swap3A_510, %swap3A_511], %add3A_509 {strides = array<i32>} : memref<16x1024xf32, #tpu.memory_space<vmem>>, vector<16xf32>,
        %get3A_513 = arith.index_cast %add3A_174 : i32 to index
        %get3A_514 = arith.constant 544 : index
        %get3A_515 = tpu.vector_load %arg9[%get3A_513, %get3A_514] {strides = array<i32>} : memref<16x1024xf32, #tpu.memory_space<vmem>>, vector<16xf32>,
        %get3A_516 = arith.index_cast %add3A_174 : i32 to index
        %get3A_517 = arith.constant 544 : index
        %get3A_518 = tpu.vector_load %arg11[%get3A_516, %get3A_517] {strides = array<i32>} : memref<16x1024xf32, #tpu.memory_space<vmem>>, vector<16xf32>,
        %add3A_519 = arith.addf %get3A_515, %get3A_518 : vector<16xf32>
        %swap3A_520 = arith.index_cast %add3A_174 : i32 to index
        %swap3A_521 = arith.constant 544 : index
        %swap3A_522 = tpu.vector_load %arg13[%swap3A_520, %swap3A_521] {strides = array<i32>} : memref<16x1024xf32, #tpu.memory_space<vmem>>, vector<16xf32>,
        tpu.vector_store %arg13[%swap3A_520, %swap3A_521], %add3A_519 {strides = array<i32>} : memref<16x1024xf32, #tpu.memory_space<vmem>>, vector<16xf32>,
        %get3A_523 = arith.index_cast %add3A_174 : i32 to index
        %get3A_524 = arith.constant 560 : index
        %get3A_525 = tpu.vector_load %arg9[%get3A_523, %get3A_524] {strides = array<i32>} : memref<16x1024xf32, #tpu.memory_space<vmem>>, vector<16xf32>,
        %get3A_526 = arith.index_cast %add3A_174 : i32 to index
        %get3A_527 = arith.constant 560 : index
        %get3A_528 = tpu.vector_load %arg11[%get3A_526, %get3A_527] {strides = array<i32>} : memref<16x1024xf32, #tpu.memory_space<vmem>>, vector<16xf32>,
        %add3A_529 = arith.addf %get3A_525, %get3A_528 : vector<16xf32>
        %swap3A_530 = arith.index_cast %add3A_174 : i32 to index
        %swap3A_531 = arith.constant 560 : index
        %swap3A_532 = tpu.vector_load %arg13[%swap3A_530, %swap3A_531] {strides = array<i32>} : memref<16x1024xf32, #tpu.memory_space<vmem>>, vector<16xf32>,
        tpu.vector_store %arg13[%swap3A_530, %swap3A_531], %add3A_529 {strides = array<i32>} : memref<16x1024xf32, #tpu.memory_space<vmem>>, vector<16xf32>,
        %get3A_533 = arith.index_cast %add3A_174 : i32 to index
        %get3A_534 = arith.constant 576 : index
        %get3A_535 = tpu.vector_load %arg9[%get3A_533, %get3A_534] {strides = array<i32>} : memref<16x1024xf32, #tpu.memory_space<vmem>>, vector<16xf32>,
        %get3A_536 = arith.index_cast %add3A_174 : i32 to index
        %get3A_537 = arith.constant 576 : index
        %get3A_538 = tpu.vector_load %arg11[%get3A_536, %get3A_537] {strides = array<i32>} : memref<16x1024xf32, #tpu.memory_space<vmem>>, vector<16xf32>,
        %add3A_539 = arith.addf %get3A_535, %get3A_538 : vector<16xf32>
        %swap3A_540 = arith.index_cast %add3A_174 : i32 to index
        %swap3A_541 = arith.constant 576 : index
        %swap3A_542 = tpu.vector_load %arg13[%swap3A_540, %swap3A_541] {strides = array<i32>} : memref<16x1024xf32, #tpu.memory_space<vmem>>, vector<16xf32>,
        tpu.vector_store %arg13[%swap3A_540, %swap3A_541], %add3A_539 {strides = array<i32>} : memref<16x1024xf32, #tpu.memory_space<vmem>>, vector<16xf32>,
        %get3A_543 = arith.index_cast %add3A_174 : i32 to index
        %get3A_544 = arith.constant 592 : index
        %get3A_545 = tpu.vector_load %arg9[%get3A_543, %get3A_544] {strides = array<i32>} : memref<16x1024xf32, #tpu.memory_space<vmem>>, vector<16xf32>,
        %get3A_546 = arith.index_cast %add3A_174 : i32 to index
        %get3A_547 = arith.constant 592 : index
        %get3A_548 = tpu.vector_load %arg11[%get3A_546, %get3A_547] {strides = array<i32>} : memref<16x1024xf32, #tpu.memory_space<vmem>>, vector<16xf32>,
        %add3A_549 = arith.addf %get3A_545, %get3A_548 : vector<16xf32>
        %swap3A_550 = arith.index_cast %add3A_174 : i32 to index
        %swap3A_551 = arith.constant 592 : index
        %swap3A_552 = tpu.vector_load %arg13[%swap3A_550, %swap3A_551] {strides = array<i32>} : memref<16x1024xf32, #tpu.memory_space<vmem>>, vector<16xf32>,
        tpu.vector_store %arg13[%swap3A_550, %swap3A_551], %add3A_549 {strides = array<i32>} : memref<16x1024xf32, #tpu.memory_space<vmem>>, vector<16xf32>,
        %get3A_553 = arith.index_cast %add3A_174 : i32 to index
        %get3A_554 = arith.constant 608 : index
        %get3A_555 = tpu.vector_load %arg9[%get3A_553, %get3A_554] {strides = array<i32>} : memref<16x1024xf32, #tpu.memory_space<vmem>>, vector<16xf32>,
        %get3A_556 = arith.index_cast %add3A_174 : i32 to index
        %get3A_557 = arith.constant 608 : index
        %get3A_558 = tpu.vector_load %arg11[%get3A_556, %get3A_557] {strides = array<i32>} : memref<16x1024xf32, #tpu.memory_space<vmem>>, vector<16xf32>,
        %add3A_559 = arith.addf %get3A_555, %get3A_558 : vector<16xf32>
        %swap3A_560 = arith.index_cast %add3A_174 : i32 to index
        %swap3A_561 = arith.constant 608 : index
        %swap3A_562 = tpu.vector_load %arg13[%swap3A_560, %swap3A_561] {strides = array<i32>} : memref<16x1024xf32, #tpu.memory_space<vmem>>, vector<16xf32>,
        tpu.vector_store %arg13[%swap3A_560, %swap3A_561], %add3A_559 {strides = array<i32>} : memref<16x1024xf32, #tpu.memory_space<vmem>>, vector<16xf32>,
        %get3A_563 = arith.index_cast %add3A_174 : i32 to index
        %get3A_564 = arith.constant 624 : index
        %get3A_565 = tpu.vector_load %arg9[%get3A_563, %get3A_564] {strides = array<i32>} : memref<16x1024xf32, #tpu.memory_space<vmem>>, vector<16xf32>,
        %get3A_566 = arith.index_cast %add3A_174 : i32 to index
        %get3A_567 = arith.constant 624 : index
        %get3A_568 = tpu.vector_load %arg11[%get3A_566, %get3A_567] {strides = array<i32>} : memref<16x1024xf32, #tpu.memory_space<vmem>>, vector<16xf32>,
        %add3A_569 = arith.addf %get3A_565, %get3A_568 : vector<16xf32>
        %swap3A_570 = arith.index_cast %add3A_174 : i32 to index
        %swap3A_571 = arith.constant 624 : index
        %swap3A_572 = tpu.vector_load %arg13[%swap3A_570, %swap3A_571] {strides = array<i32>} : memref<16x1024xf32, #tpu.memory_space<vmem>>, vector<16xf32>,
        tpu.vector_store %arg13[%swap3A_570, %swap3A_571], %add3A_569 {strides = array<i32>} : memref<16x1024xf32, #tpu.memory_space<vmem>>, vector<16xf32>,
        %get3A_573 = arith.index_cast %add3A_174 : i32 to index
        %get3A_574 = arith.constant 640 : index
        %get3A_575 = tpu.vector_load %arg9[%get3A_573, %get3A_574] {strides = array<i32>} : memref<16x1024xf32, #tpu.memory_space<vmem>>, vector<16xf32>,
        %get3A_576 = arith.index_cast %add3A_174 : i32 to index
        %get3A_577 = arith.constant 640 : index
        %get3A_578 = tpu.vector_load %arg11[%get3A_576, %get3A_577] {strides = array<i32>} : memref<16x1024xf32, #tpu.memory_space<vmem>>, vector<16xf32>,
        %add3A_579 = arith.addf %get3A_575, %get3A_578 : vector<16xf32>
        %swap3A_580 = arith.index_cast %add3A_174 : i32 to index
        %swap3A_581 = arith.constant 640 : index
        %swap3A_582 = tpu.vector_load %arg13[%swap3A_580, %swap3A_581] {strides = array<i32>} : memref<16x1024xf32, #tpu.memory_space<vmem>>, vector<16xf32>,
        tpu.vector_store %arg13[%swap3A_580, %swap3A_581], %add3A_579 {strides = array<i32>} : memref<16x1024xf32, #tpu.memory_space<vmem>>, vector<16xf32>,
        %get3A_583 = arith.index_cast %add3A_174 : i32 to index
        %get3A_584 = arith.constant 656 : index
        %get3A_585 = tpu.vector_load %arg9[%get3A_583, %get3A_584] {strides = array<i32>} : memref<16x1024xf32, #tpu.memory_space<vmem>>, vector<16xf32>,
        %get3A_586 = arith.index_cast %add3A_174 : i32 to index
        %get3A_587 = arith.constant 656 : index
        %get3A_588 = tpu.vector_load %arg11[%get3A_586, %get3A_587] {strides = array<i32>} : memref<16x1024xf32, #tpu.memory_space<vmem>>, vector<16xf32>,
        %add3A_589 = arith.addf %get3A_585, %get3A_588 : vector<16xf32>
        %swap3A_590 = arith.index_cast %add3A_174 : i32 to index
        %swap3A_591 = arith.constant 656 : index
        %swap3A_592 = tpu.vector_load %arg13[%swap3A_590, %swap3A_591] {strides = array<i32>} : memref<16x1024xf32, #tpu.memory_space<vmem>>, vector<16xf32>,
        tpu.vector_store %arg13[%swap3A_590, %swap3A_591], %add3A_589 {strides = array<i32>} : memref<16x1024xf32, #tpu.memory_space<vmem>>, vector<16xf32>,
        %get3A_593 = arith.index_cast %add3A_174 : i32 to index
        %get3A_594 = arith.constant 672 : index
        %get3A_595 = tpu.vector_load %arg9[%get3A_593, %get3A_594] {strides = array<i32>} : memref<16x1024xf32, #tpu.memory_space<vmem>>, vector<16xf32>,
        %get3A_596 = arith.index_cast %add3A_174 : i32 to index
        %get3A_597 = arith.constant 672 : index
        %get3A_598 = tpu.vector_load %arg11[%get3A_596, %get3A_597] {strides = array<i32>} : memref<16x1024xf32, #tpu.memory_space<vmem>>, vector<16xf32>,
        %add3A_599 = arith.addf %get3A_595, %get3A_598 : vector<16xf32>
        %swap3A_600 = arith.index_cast %add3A_174 : i32 to index
        %swap3A_601 = arith.constant 672 : index
        %swap3A_602 = tpu.vector_load %arg13[%swap3A_600, %swap3A_601] {strides = array<i32>} : memref<16x1024xf32, #tpu.memory_space<vmem>>, vector<16xf32>,
        tpu.vector_store %arg13[%swap3A_600, %swap3A_601], %add3A_599 {strides = array<i32>} : memref<16x1024xf32, #tpu.memory_space<vmem>>, vector<16xf32>,
        %get3A_603 = arith.index_cast %add3A_174 : i32 to index
        %get3A_604 = arith.constant 688 : index
        %get3A_605 = tpu.vector_load %arg9[%get3A_603, %get3A_604] {strides = array<i32>} : memref<16x1024xf32, #tpu.memory_space<vmem>>, vector<16xf32>,
        %get3A_606 = arith.index_cast %add3A_174 : i32 to index
        %get3A_607 = arith.constant 688 : index
        %get3A_608 = tpu.vector_load %arg11[%get3A_606, %get3A_607] {strides = array<i32>} : memref<16x1024xf32, #tpu.memory_space<vmem>>, vector<16xf32>,
        %add3A_609 = arith.addf %get3A_605, %get3A_608 : vector<16xf32>
        %swap3A_610 = arith.index_cast %add3A_174 : i32 to index
        %swap3A_611 = arith.constant 688 : index
        %swap3A_612 = tpu.vector_load %arg13[%swap3A_610, %swap3A_611] {strides = array<i32>} : memref<16x1024xf32, #tpu.memory_space<vmem>>, vector<16xf32>,
        tpu.vector_store %arg13[%swap3A_610, %swap3A_611], %add3A_609 {strides = array<i32>} : memref<16x1024xf32, #tpu.memory_space<vmem>>, vector<16xf32>,
        %get3A_613 = arith.index_cast %add3A_174 : i32 to index
        %get3A_614 = arith.constant 704 : index
        %get3A_615 = tpu.vector_load %arg9[%get3A_613, %get3A_614] {strides = array<i32>} : memref<16x1024xf32, #tpu.memory_space<vmem>>, vector<16xf32>,
        %get3A_616 = arith.index_cast %add3A_174 : i32 to index
        %get3A_617 = arith.constant 704 : index
        %get3A_618 = tpu.vector_load %arg11[%get3A_616, %get3A_617] {strides = array<i32>} : memref<16x1024xf32, #tpu.memory_space<vmem>>, vector<16xf32>,
        %add3A_619 = arith.addf %get3A_615, %get3A_618 : vector<16xf32>
        %swap3A_620 = arith.index_cast %add3A_174 : i32 to index
        %swap3A_621 = arith.constant 704 : index
        %swap3A_622 = tpu.vector_load %arg13[%swap3A_620, %swap3A_621] {strides = array<i32>} : memref<16x1024xf32, #tpu.memory_space<vmem>>, vector<16xf32>,
        tpu.vector_store %arg13[%swap3A_620, %swap3A_621], %add3A_619 {strides = array<i32>} : memref<16x1024xf32, #tpu.memory_space<vmem>>, vector<16xf32>,
        %get3A_623 = arith.index_cast %add3A_174 : i32 to index
        %get3A_624 = arith.constant 720 : index
        %get3A_625 = tpu.vector_load %arg9[%get3A_623, %get3A_624] {strides = array<i32>} : memref<16x1024xf32, #tpu.memory_space<vmem>>, vector<16xf32>,
        %get3A_626 = arith.index_cast %add3A_174 : i32 to index
        %get3A_627 = arith.constant 720 : index
        %get3A_628 = tpu.vector_load %arg11[%get3A_626, %get3A_627] {strides = array<i32>} : memref<16x1024xf32, #tpu.memory_space<vmem>>, vector<16xf32>,
        %add3A_629 = arith.addf %get3A_625, %get3A_628 : vector<16xf32>
        %swap3A_630 = arith.index_cast %add3A_174 : i32 to index
        %swap3A_631 = arith.constant 720 : index
        %swap3A_632 = tpu.vector_load %arg13[%swap3A_630, %swap3A_631] {strides = array<i32>} : memref<16x1024xf32, #tpu.memory_space<vmem>>, vector<16xf32>,
        tpu.vector_store %arg13[%swap3A_630, %swap3A_631], %add3A_629 {strides = array<i32>} : memref<16x1024xf32, #tpu.memory_space<vmem>>, vector<16xf32>,
        %get3A_633 = arith.index_cast %add3A_174 : i32 to index
        %get3A_634 = arith.constant 736 : index
        %get3A_635 = tpu.vector_load %arg9[%get3A_633, %get3A_634] {strides = array<i32>} : memref<16x1024xf32, #tpu.memory_space<vmem>>, vector<16xf32>,
        %get3A_636 = arith.index_cast %add3A_174 : i32 to index
        %get3A_637 = arith.constant 736 : index
        %get3A_638 = tpu.vector_load %arg11[%get3A_636, %get3A_637] {strides = array<i32>} : memref<16x1024xf32, #tpu.memory_space<vmem>>, vector<16xf32>,
        %add3A_639 = arith.addf %get3A_635, %get3A_638 : vector<16xf32>
        %swap3A_640 = arith.index_cast %add3A_174 : i32 to index
        %swap3A_641 = arith.constant 736 : index
        %swap3A_642 = tpu.vector_load %arg13[%swap3A_640, %swap3A_641] {strides = array<i32>} : memref<16x1024xf32, #tpu.memory_space<vmem>>, vector<16xf32>,
        tpu.vector_store %arg13[%swap3A_640, %swap3A_641], %add3A_639 {strides = array<i32>} : memref<16x1024xf32, #tpu.memory_space<vmem>>, vector<16xf32>,
        %get3A_643 = arith.index_cast %add3A_174 : i32 to index
        %get3A_644 = arith.constant 752 : index
        %get3A_645 = tpu.vector_load %arg9[%get3A_643, %get3A_644] {strides = array<i32>} : memref<16x1024xf32, #tpu.memory_space<vmem>>, vector<16xf32>,
        %get3A_646 = arith.index_cast %add3A_174 : i32 to index
        %get3A_647 = arith.constant 752 : index
        %get3A_648 = tpu.vector_load %arg11[%get3A_646, %get3A_647] {strides = array<i32>} : memref<16x1024xf32, #tpu.memory_space<vmem>>, vector<16xf32>,
        %add3A_649 = arith.addf %get3A_645, %get3A_648 : vector<16xf32>
        %swap3A_650 = arith.index_cast %add3A_174 : i32 to index
        %swap3A_651 = arith.constant 752 : index
        %swap3A_652 = tpu.vector_load %arg13[%swap3A_650, %swap3A_651] {strides = array<i32>} : memref<16x1024xf32, #tpu.memory_space<vmem>>, vector<16xf32>,
        tpu.vector_store %arg13[%swap3A_650, %swap3A_651], %add3A_649 {strides = array<i32>} : memref<16x1024xf32, #tpu.memory_space<vmem>>, vector<16xf32>,
        %get3A_653 = arith.index_cast %add3A_174 : i32 to index
        %get3A_654 = arith.constant 768 : index
        %get3A_655 = tpu.vector_load %arg9[%get3A_653, %get3A_654] {strides = array<i32>} : memref<16x1024xf32, #tpu.memory_space<vmem>>, vector<16xf32>,
        %get3A_656 = arith.index_cast %add3A_174 : i32 to index
        %get3A_657 = arith.constant 768 : index
        %get3A_658 = tpu.vector_load %arg11[%get3A_656, %get3A_657] {strides = array<i32>} : memref<16x1024xf32, #tpu.memory_space<vmem>>, vector<16xf32>,
        %add3A_659 = arith.addf %get3A_655, %get3A_658 : vector<16xf32>
        %swap3A_660 = arith.index_cast %add3A_174 : i32 to index
        %swap3A_661 = arith.constant 768 : index
        %swap3A_662 = tpu.vector_load %arg13[%swap3A_660, %swap3A_661] {strides = array<i32>} : memref<16x1024xf32, #tpu.memory_space<vmem>>, vector<16xf32>,
        tpu.vector_store %arg13[%swap3A_660, %swap3A_661], %add3A_659 {strides = array<i32>} : memref<16x1024xf32, #tpu.memory_space<vmem>>, vector<16xf32>,
        %get3A_663 = arith.index_cast %add3A_174 : i32 to index
        %get3A_664 = arith.constant 784 : index
        %get3A_665 = tpu.vector_load %arg9[%get3A_663, %get3A_664] {strides = array<i32>} : memref<16x1024xf32, #tpu.memory_space<vmem>>, vector<16xf32>,
        %get3A_666 = arith.index_cast %add3A_174 : i32 to index
        %get3A_667 = arith.constant 784 : index
        %get3A_668 = tpu.vector_load %arg11[%get3A_666, %get3A_667] {strides = array<i32>} : memref<16x1024xf32, #tpu.memory_space<vmem>>, vector<16xf32>,
        %add3A_669 = arith.addf %get3A_665, %get3A_668 : vector<16xf32>
        %swap3A_670 = arith.index_cast %add3A_174 : i32 to index
        %swap3A_671 = arith.constant 784 : index
        %swap3A_672 = tpu.vector_load %arg13[%swap3A_670, %swap3A_671] {strides = array<i32>} : memref<16x1024xf32, #tpu.memory_space<vmem>>, vector<16xf32>,
        tpu.vector_store %arg13[%swap3A_670, %swap3A_671], %add3A_669 {strides = array<i32>} : memref<16x1024xf32, #tpu.memory_space<vmem>>, vector<16xf32>,
        %get3A_673 = arith.index_cast %add3A_174 : i32 to index
        %get3A_674 = arith.constant 800 : index
        %get3A_675 = tpu.vector_load %arg9[%get3A_673, %get3A_674] {strides = array<i32>} : memref<16x1024xf32, #tpu.memory_space<vmem>>, vector<16xf32>,
        %get3A_676 = arith.index_cast %add3A_174 : i32 to index
        %get3A_677 = arith.constant 800 : index
        %get3A_678 = tpu.vector_load %arg11[%get3A_676, %get3A_677] {strides = array<i32>} : memref<16x1024xf32, #tpu.memory_space<vmem>>, vector<16xf32>,
        %add3A_679 = arith.addf %get3A_675, %get3A_678 : vector<16xf32>
        %swap3A_680 = arith.index_cast %add3A_174 : i32 to index
        %swap3A_681 = arith.constant 800 : index
        %swap3A_682 = tpu.vector_load %arg13[%swap3A_680, %swap3A_681] {strides = array<i32>} : memref<16x1024xf32, #tpu.memory_space<vmem>>, vector<16xf32>,
        tpu.vector_store %arg13[%swap3A_680, %swap3A_681], %add3A_679 {strides = array<i32>} : memref<16x1024xf32, #tpu.memory_space<vmem>>, vector<16xf32>,
        %get3A_683 = arith.index_cast %add3A_174 : i32 to index
        %get3A_684 = arith.constant 816 : index
        %get3A_685 = tpu.vector_load %arg9[%get3A_683, %get3A_684] {strides = array<i32>} : memref<16x1024xf32, #tpu.memory_space<vmem>>, vector<16xf32>,
        %get3A_686 = arith.index_cast %add3A_174 : i32 to index
        %get3A_687 = arith.constant 816 : index
        %get3A_688 = tpu.vector_load %arg11[%get3A_686, %get3A_687] {strides = array<i32>} : memref<16x1024xf32, #tpu.memory_space<vmem>>, vector<16xf32>,
        %add3A_689 = arith.addf %get3A_685, %get3A_688 : vector<16xf32>
        %swap3A_690 = arith.index_cast %add3A_174 : i32 to index
        %swap3A_691 = arith.constant 816 : index
        %swap3A_692 = tpu.vector_load %arg13[%swap3A_690, %swap3A_691] {strides = array<i32>} : memref<16x1024xf32, #tpu.memory_space<vmem>>, vector<16xf32>,
        tpu.vector_store %arg13[%swap3A_690, %swap3A_691], %add3A_689 {strides = array<i32>} : memref<16x1024xf32, #tpu.memory_space<vmem>>, vector<16xf32>,
        %get3A_693 = arith.index_cast %add3A_174 : i32 to index
        %get3A_694 = arith.constant 832 : index
        %get3A_695 = tpu.vector_load %arg9[%get3A_693, %get3A_694] {strides = array<i32>} : memref<16x1024xf32, #tpu.memory_space<vmem>>, vector<16xf32>,
        %get3A_696 = arith.index_cast %add3A_174 : i32 to index
        %get3A_697 = arith.constant 832 : index
        %get3A_698 = tpu.vector_load %arg11[%get3A_696, %get3A_697] {strides = array<i32>} : memref<16x1024xf32, #tpu.memory_space<vmem>>, vector<16xf32>,
        %add3A_699 = arith.addf %get3A_695, %get3A_698 : vector<16xf32>
        %swap3A_700 = arith.index_cast %add3A_174 : i32 to index
        %swap3A_701 = arith.constant 832 : index
        %swap3A_702 = tpu.vector_load %arg13[%swap3A_700, %swap3A_701] {strides = array<i32>} : memref<16x1024xf32, #tpu.memory_space<vmem>>, vector<16xf32>,
        tpu.vector_store %arg13[%swap3A_700, %swap3A_701], %add3A_699 {strides = array<i32>} : memref<16x1024xf32, #tpu.memory_space<vmem>>, vector<16xf32>,
        %get3A_703 = arith.index_cast %add3A_174 : i32 to index
        %get3A_704 = arith.constant 848 : index
        %get3A_705 = tpu.vector_load %arg9[%get3A_703, %get3A_704] {strides = array<i32>} : memref<16x1024xf32, #tpu.memory_space<vmem>>, vector<16xf32>,
        %get3A_706 = arith.index_cast %add3A_174 : i32 to index
        %get3A_707 = arith.constant 848 : index
        %get3A_708 = tpu.vector_load %arg11[%get3A_706, %get3A_707] {strides = array<i32>} : memref<16x1024xf32, #tpu.memory_space<vmem>>, vector<16xf32>,
        %add3A_709 = arith.addf %get3A_705, %get3A_708 : vector<16xf32>
        %swap3A_710 = arith.index_cast %add3A_174 : i32 to index
        %swap3A_711 = arith.constant 848 : index
        %swap3A_712 = tpu.vector_load %arg13[%swap3A_710, %swap3A_711] {strides = array<i32>} : memref<16x1024xf32, #tpu.memory_space<vmem>>, vector<16xf32>,
        tpu.vector_store %arg13[%swap3A_710, %swap3A_711], %add3A_709 {strides = array<i32>} : memref<16x1024xf32, #tpu.memory_space<vmem>>, vector<16xf32>,
        %get3A_713 = arith.index_cast %add3A_174 : i32 to index
        %get3A_714 = arith.constant 864 : index
        %get3A_715 = tpu.vector_load %arg9[%get3A_713, %get3A_714] {strides = array<i32>} : memref<16x1024xf32, #tpu.memory_space<vmem>>, vector<16xf32>,
        %get3A_716 = arith.index_cast %add3A_174 : i32 to index
        %get3A_717 = arith.constant 864 : index
        %get3A_718 = tpu.vector_load %arg11[%get3A_716, %get3A_717] {strides = array<i32>} : memref<16x1024xf32, #tpu.memory_space<vmem>>, vector<16xf32>,
        %add3A_719 = arith.addf %get3A_715, %get3A_718 : vector<16xf32>
        %swap3A_720 = arith.index_cast %add3A_174 : i32 to index
        %swap3A_721 = arith.constant 864 : index
        %swap3A_722 = tpu.vector_load %arg13[%swap3A_720, %swap3A_721] {strides = array<i32>} : memref<16x1024xf32, #tpu.memory_space<vmem>>, vector<16xf32>,
        tpu.vector_store %arg13[%swap3A_720, %swap3A_721], %add3A_719 {strides = array<i32>} : memref<16x1024xf32, #tpu.memory_space<vmem>>, vector<16xf32>,
        %get3A_723 = arith.index_cast %add3A_174 : i32 to index
        %get3A_724 = arith.constant 880 : index
        %get3A_725 = tpu.vector_load %arg9[%get3A_723, %get3A_724] {strides = array<i32>} : memref<16x1024xf32, #tpu.memory_space<vmem>>, vector<16xf32>,
        %get3A_726 = arith.index_cast %add3A_174 : i32 to index
        %get3A_727 = arith.constant 880 : index
        %get3A_728 = tpu.vector_load %arg11[%get3A_726, %get3A_727] {strides = array<i32>} : memref<16x1024xf32, #tpu.memory_space<vmem>>, vector<16xf32>,
        %add3A_729 = arith.addf %get3A_725, %get3A_728 : vector<16xf32>
        %swap3A_730 = arith.index_cast %add3A_174 : i32 to index
        %swap3A_731 = arith.constant 880 : index
        %swap3A_732 = tpu.vector_load %arg13[%swap3A_730, %swap3A_731] {strides = array<i32>} : memref<16x1024xf32, #tpu.memory_space<vmem>>, vector<16xf32>,
        tpu.vector_store %arg13[%swap3A_730, %swap3A_731], %add3A_729 {strides = array<i32>} : memref<16x1024xf32, #tpu.memory_space<vmem>>, vector<16xf32>,
        %get3A_733 = arith.index_cast %add3A_174 : i32 to index
        %get3A_734 = arith.constant 896 : index
        %get3A_735 = tpu.vector_load %arg9[%get3A_733, %get3A_734] {strides = array<i32>} : memref<16x1024xf32, #tpu.memory_space<vmem>>, vector<16xf32>,
        %get3A_736 = arith.index_cast %add3A_174 : i32 to index
        %get3A_737 = arith.constant 896 : index
        %get3A_738 = tpu.vector_load %arg11[%get3A_736, %get3A_737] {strides = array<i32>} : memref<16x1024xf32, #tpu.memory_space<vmem>>, vector<16xf32>,
        %add3A_739 = arith.addf %get3A_735, %get3A_738 : vector<16xf32>
        %swap3A_740 = arith.index_cast %add3A_174 : i32 to index
        %swap3A_741 = arith.constant 896 : index
        %swap3A_742 = tpu.vector_load %arg13[%swap3A_740, %swap3A_741] {strides = array<i32>} : memref<16x1024xf32, #tpu.memory_space<vmem>>, vector<16xf32>,
        tpu.vector_store %arg13[%swap3A_740, %swap3A_741], %add3A_739 {strides = array<i32>} : memref<16x1024xf32, #tpu.memory_space<vmem>>, vector<16xf32>,
        %get3A_743 = arith.index_cast %add3A_174 : i32 to index
        %get3A_744 = arith.constant 912 : index
        %get3A_745 = tpu.vector_load %arg9[%get3A_743, %get3A_744] {strides = array<i32>} : memref<16x1024xf32, #tpu.memory_space<vmem>>, vector<16xf32>,
        %get3A_746 = arith.index_cast %add3A_174 : i32 to index
        %get3A_747 = arith.constant 912 : index
        %get3A_748 = tpu.vector_load %arg11[%get3A_746, %get3A_747] {strides = array<i32>} : memref<16x1024xf32, #tpu.memory_space<vmem>>, vector<16xf32>,
        %add3A_749 = arith.addf %get3A_745, %get3A_748 : vector<16xf32>
        %swap3A_750 = arith.index_cast %add3A_174 : i32 to index
        %swap3A_751 = arith.constant 912 : index
        %swap3A_752 = tpu.vector_load %arg13[%swap3A_750, %swap3A_751] {strides = array<i32>} : memref<16x1024xf32, #tpu.memory_space<vmem>>, vector<16xf32>,
        tpu.vector_store %arg13[%swap3A_750, %swap3A_751], %add3A_749 {strides = array<i32>} : memref<16x1024xf32, #tpu.memory_space<vmem>>, vector<16xf32>,
        %get3A_753 = arith.index_cast %add3A_174 : i32 to index
        %get3A_754 = arith.constant 928 : index
        %get3A_755 = tpu.vector_load %arg9[%get3A_753, %get3A_754] {strides = array<i32>} : memref<16x1024xf32, #tpu.memory_space<vmem>>, vector<16xf32>,
        %get3A_756 = arith.index_cast %add3A_174 : i32 to index
        %get3A_757 = arith.constant 928 : index
        %get3A_758 = tpu.vector_load %arg11[%get3A_756, %get3A_757] {strides = array<i32>} : memref<16x1024xf32, #tpu.memory_space<vmem>>, vector<16xf32>,
        %add3A_759 = arith.addf %get3A_755, %get3A_758 : vector<16xf32>
        %swap3A_760 = arith.index_cast %add3A_174 : i32 to index
        %swap3A_761 = arith.constant 928 : index
        %swap3A_762 = tpu.vector_load %arg13[%swap3A_760, %swap3A_761] {strides = array<i32>} : memref<16x1024xf32, #tpu.memory_space<vmem>>, vector<16xf32>,
        tpu.vector_store %arg13[%swap3A_760, %swap3A_761], %add3A_759 {strides = array<i32>} : memref<16x1024xf32, #tpu.memory_space<vmem>>, vector<16xf32>,
        %get3A_763 = arith.index_cast %add3A_174 : i32 to index
        %get3A_764 = arith.constant 944 : index
        %get3A_765 = tpu.vector_load %arg9[%get3A_763, %get3A_764] {strides = array<i32>} : memref<16x1024xf32, #tpu.memory_space<vmem>>, vector<16xf32>,
        %get3A_766 = arith.index_cast %add3A_174 : i32 to index
        %get3A_767 = arith.constant 944 : index
        %get3A_768 = tpu.vector_load %arg11[%get3A_766, %get3A_767] {strides = array<i32>} : memref<16x1024xf32, #tpu.memory_space<vmem>>, vector<16xf32>,
        %add3A_769 = arith.addf %get3A_765, %get3A_768 : vector<16xf32>
        %swap3A_770 = arith.index_cast %add3A_174 : i32 to index
        %swap3A_771 = arith.constant 944 : index
        %swap3A_772 = tpu.vector_load %arg13[%swap3A_770, %swap3A_771] {strides = array<i32>} : memref<16x1024xf32, #tpu.memory_space<vmem>>, vector<16xf32>,
        tpu.vector_store %arg13[%swap3A_770, %swap3A_771], %add3A_769 {strides = array<i32>} : memref<16x1024xf32, #tpu.memory_space<vmem>>, vector<16xf32>,
        %get3A_773 = arith.index_cast %add3A_174 : i32 to index
        %get3A_774 = arith.constant 960 : index
        %get3A_775 = tpu.vector_load %arg9[%get3A_773, %get3A_774] {strides = array<i32>} : memref<16x1024xf32, #tpu.memory_space<vmem>>, vector<16xf32>,
        %get3A_776 = arith.index_cast %add3A_174 : i32 to index
        %get3A_777 = arith.constant 960 : index
        %get3A_778 = tpu.vector_load %arg11[%get3A_776, %get3A_777] {strides = array<i32>} : memref<16x1024xf32, #tpu.memory_space<vmem>>, vector<16xf32>,
        %add3A_779 = arith.addf %get3A_775, %get3A_778 : vector<16xf32>
        %swap3A_780 = arith.index_cast %add3A_174 : i32 to index
        %swap3A_781 = arith.constant 960 : index
        %swap3A_782 = tpu.vector_load %arg13[%swap3A_780, %swap3A_781] {strides = array<i32>} : memref<16x1024xf32, #tpu.memory_space<vmem>>, vector<16xf32>,
        tpu.vector_store %arg13[%swap3A_780, %swap3A_781], %add3A_779 {strides = array<i32>} : memref<16x1024xf32, #tpu.memory_space<vmem>>, vector<16xf32>,
        %get3A_783 = arith.index_cast %add3A_174 : i32 to index
        %get3A_784 = arith.constant 976 : index
        %get3A_785 = tpu.vector_load %arg9[%get3A_783, %get3A_784] {strides = array<i32>} : memref<16x1024xf32, #tpu.memory_space<vmem>>, vector<16xf32>,
        %get3A_786 = arith.index_cast %add3A_174 : i32 to index
        %get3A_787 = arith.constant 976 : index
        %get3A_788 = tpu.vector_load %arg11[%get3A_786, %get3A_787] {strides = array<i32>} : memref<16x1024xf32, #tpu.memory_space<vmem>>, vector<16xf32>,
        %add3A_789 = arith.addf %get3A_785, %get3A_788 : vector<16xf32>
        %swap3A_790 = arith.index_cast %add3A_174 : i32 to index
        %swap3A_791 = arith.constant 976 : index
        %swap3A_792 = tpu.vector_load %arg13[%swap3A_790, %swap3A_791] {strides = array<i32>} : memref<16x1024xf32, #tpu.memory_space<vmem>>, vector<16xf32>,
        tpu.vector_store %arg13[%swap3A_790, %swap3A_791], %add3A_789 {strides = array<i32>} : memref<16x1024xf32, #tpu.memory_space<vmem>>, vector<16xf32>,
        %get3A_793 = arith.index_cast %add3A_174 : i32 to index
        %get3A_794 = arith.constant 992 : index
        %get3A_795 = tpu.vector_load %arg9[%get3A_793, %get3A_794] {strides = array<i32>} : memref<16x1024xf32, #tpu.memory_space<vmem>>, vector<16xf32>,
        %get3A_796 = arith.index_cast %add3A_174 : i32 to index
        %get3A_797 = arith.constant 992 : index
        %get3A_798 = tpu.vector_load %arg11[%get3A_796, %get3A_797] {strides = array<i32>} : memref<16x1024xf32, #tpu.memory_space<vmem>>, vector<16xf32>,
        %add3A_799 = arith.addf %get3A_795, %get3A_798 : vector<16xf32>
        %swap3A_800 = arith.index_cast %add3A_174 : i32 to index
        %swap3A_801 = arith.constant 992 : index
        %swap3A_802 = tpu.vector_load %arg13[%swap3A_800, %swap3A_801] {strides = array<i32>} : memref<16x1024xf32, #tpu.memory_space<vmem>>, vector<16xf32>,
        tpu.vector_store %arg13[%swap3A_800, %swap3A_801], %add3A_799 {strides = array<i32>} : memref<16x1024xf32, #tpu.memory_space<vmem>>, vector<16xf32>,
        %get3A_803 = arith.index_cast %add3A_174 : i32 to index
        %get3A_804 = arith.constant 1008 : index
        %get3A_805 = tpu.vector_load %arg9[%get3A_803, %get3A_804] {strides = array<i32>} : memref<16x1024xf32, #tpu.memory_space<vmem>>, vector<16xf32>,
        %get3A_806 = arith.index_cast %add3A_174 : i32 to index
        %get3A_807 = arith.constant 1008 : index
        %get3A_808 = tpu.vector_load %arg11[%get3A_806, %get3A_807] {strides = array<i32>} : memref<16x1024xf32, #tpu.memory_space<vmem>>, vector<16xf32>,
        %add3A_809 = arith.addf %get3A_805, %get3A_808 : vector<16xf32>
        %swap3A_810 = arith.index_cast %add3A_174 : i32 to index
        %swap3A_811 = arith.constant 1008 : index
        %swap3A_812 = tpu.vector_load %arg13[%swap3A_810, %swap3A_811] {strides = array<i32>} : memref<16x1024xf32, #tpu.memory_space<vmem>>, vector<16xf32>,
        tpu.vector_store %arg13[%swap3A_810, %swap3A_811], %add3A_809 {strides = array<i32>} : memref<16x1024xf32, #tpu.memory_space<vmem>>, vector<16xf32>,
      }
      %scan3A_153 = arith.constant 16 : i32
      %mul3A_154 = arith.constant 16 : i32
      %mul3A_155 = arith.muli %add3A_128, %mul3A_154 : i32
      %add3A_156 = arith.addi %mul3A_32, %mul3A_155 : i32
      %dma_start3A_157 = arith.constant 0 : i32
      %dma_start3A_158 = tpu.memref_slice %arg5[%select_n3A, %add3A_156, %dma_start3A_157] : memref<4x4096x1024xf32, #tpu.memory_space<hbm>> -> memref<1x16x1024xf32, #tpu.memory_space<hbm>>
      %dma_start3A_159 = tpu.memref_squeeze %dma_start3A_158 : memref<1x16x1024xf32, #tpu.memory_space<hbm>> -> memref<16x1024xf32, #tpu.memory_space<hbm>>
      %dma_start3A_160 = arith.constant 0 : i32
      %dma_start3A_161 = tpu.memref_slice %arg5[%select_n3A, %add3A_156, %dma_start3A_160] : memref<4x4096x1024xf32, #tpu.memory_space<hbm>> -> memref<1x16x1024xf32, #tpu.memory_space<hbm>>
      %dma_start3A_162 = tpu.memref_squeeze %dma_start3A_161 : memref<1x16x1024xf32, #tpu.memory_space<hbm>> -> memref<16x1024xf32, #tpu.memory_space<hbm>>
      tpu.enqueue_dma source(%arg13 : memref<16x1024xf32, #tpu.memory_space<vmem>>) target(%dma_start3A_162 : memref<16x1024xf32, #tpu.memory_space<hbm>>) target_semaphore(%arg19 : memref<!tpu.dma_semaphore, #tpu.memory_space<semaphore_mem>>)
      %add3A_163 = arith.constant 2 : i32
      %add3A_164 = arith.addi %add3A_128, %add3A_163 : i32
      %lt3A_165 = arith.constant 32 : i32
      %lt3A_166 = arith.cmpi slt, %add3A_164, %lt3A_165 : i32
      %convert_element_type3A_167 = arith.extui %lt3A_166 : i1 to i32
      %cond3A_168 = arith.constant 0 : i32
      %cond3A_169 = arith.cmpi ne, %convert_element_type3A_167, %cond3A_168 : i32
      scf.if %cond3A_169 {
        %add3A_170 = arith.constant 2 : i32
        %add3A_171 = arith.addi %add3A_128, %add3A_170 : i32
        %mul3A_172 = arith.constant 16 : i32
        %mul3A_173 = arith.muli %add3A_171, %mul3A_172 : i32
        %dma_start3A_174 = tpu.memref_slice %arg6[%mul3A_173] : memref<512xi32, #tpu.memory_space<vmem>> -> memref<16xi32, #tpu.memory_space<vmem>>
        %dma_start3A_175 = arith.constant 0 : i32
        %dma_start3A_176 = arith.constant 0 : i32
        %dma_start3A_177 = tpu.memref_slice %arg2[%dma_start3A_175, %dma_start3A_176] : memref<8192x1024xf32, #tpu.memory_space<hbm>> -> memref<8192x1024xf32, #tpu.memory_space<hbm>>
        tpu.enqueue_indirect_dma source(%dma_start3A_177 : memref<8192x1024xf32, #tpu.memory_space<hbm>>) target(%arg9 : memref<16x1024xf32, #tpu.memory_space<vmem>>) offsets(%dma_start3A_174 : memref<16xi32, #tpu.memory_space<vmem>>) semaphore(%arg15 : memref<!tpu.dma_semaphore, #tpu.memory_space<semaphore_mem>>)
        %mul3A_178 = arith.constant 16 : i32
        %mul3A_179 = arith.muli %add3A_171, %mul3A_178 : i32
        %add3A_180 = arith.addi %mul3A_32, %mul3A_179 : i32
        %dma_start3A_181 = arith.constant 0 : i32
        %dma_start3A_182 = tpu.memref_slice %arg4[%select_n3A, %add3A_180, %dma_start3A_181] : memref<4x4096x1024xf32, #tpu.memory_space<hbm>> -> memref<1x16x1024xf32, #tpu.memory_space<hbm>>
        %dma_start3A_183 = tpu.memref_squeeze %dma_start3A_182 : memref<1x16x1024xf32, #tpu.memory_space<hbm>> -> memref<16x1024xf32, #tpu.memory_space<hbm>>
        %dma_start3A_184 = arith.constant 0 : i32
        %dma_start3A_185 = tpu.memref_slice %arg4[%select_n3A, %add3A_180, %dma_start3A_184] : memref<4x4096x1024xf32, #tpu.memory_space<hbm>> -> memref<1x16x1024xf32, #tpu.memory_space<hbm>>
        %dma_start3A_186 = tpu.memref_squeeze %dma_start3A_185 : memref<1x16x1024xf32, #tpu.memory_space<hbm>> -> memref<16x1024xf32, #tpu.memory_space<hbm>>
        tpu.enqueue_dma source(%dma_start3A_186 : memref<16x1024xf32, #tpu.memory_space<hbm>>) target(%arg11 : memref<16x1024xf32, #tpu.memory_space<vmem>>) target_semaphore(%arg17 : memref<!tpu.dma_semaphore, #tpu.memory_space<semaphore_mem>>)
      } else {
      }
    }
    %scan3A_66 = arith.constant 16 : i32
    %add3A_67 = arith.constant 480 : i32
    %add3A_68 = arith.addi %mul3A_32, %add3A_67 : i32
    %dma_wait3A = arith.constant 0 : i32
    %dma_wait3A_69 = tpu.memref_slice %arg5[%select_n3A, %add3A_68, %dma_wait3A] : memref<4x4096x1024xf32, #tpu.memory_space<hbm>> -> memref<1x16x1024xf32, #tpu.memory_space<hbm>>
    %dma_wait3A_70 = tpu.memref_squeeze %dma_wait3A_69 : memref<1x16x1024xf32, #tpu.memory_space<hbm>> -> memref<16x1024xf32, #tpu.memory_space<hbm>>
    %dma_wait3A_71 = arith.constant 0 : i32
    %dma_wait3A_72 = tpu.memref_slice %arg5[%select_n3A, %add3A_68, %dma_wait3A_71] : memref<4x4096x1024xf32, #tpu.memory_space<hbm>> -> memref<1x16x1024xf32, #tpu.memory_space<hbm>>
    %dma_wait3A_73 = tpu.memref_squeeze %dma_wait3A_72 : memref<1x16x1024xf32, #tpu.memory_space<hbm>> -> memref<16x1024xf32, #tpu.memory_space<hbm>>
    tpu.wait_dma2 semaphore(%arg18 : memref<!tpu.dma_semaphore, #tpu.memory_space<semaphore_mem>>) src(%arg12 : memref<16x1024xf32, #tpu.memory_space<vmem>>) dst(%dma_wait3A_73 : memref<16x1024xf32, #tpu.memory_space<hbm>>)
    %add3A_74 = arith.constant 496 : i32
    %add3A_75 = arith.addi %mul3A_32, %add3A_74 : i32
    %dma_wait3A_76 = arith.constant 0 : i32
    %dma_wait3A_77 = tpu.memref_slice %arg5[%select_n3A, %add3A_75, %dma_wait3A_76] : memref<4x4096x1024xf32, #tpu.memory_space<hbm>> -> memref<1x16x1024xf32, #tpu.memory_space<hbm>>
    %dma_wait3A_78 = tpu.memref_squeeze %dma_wait3A_77 : memref<1x16x1024xf32, #tpu.memory_space<hbm>> -> memref<16x1024xf32, #tpu.memory_space<hbm>>
    %dma_wait3A_79 = arith.constant 0 : i32
    %dma_wait3A_80 = tpu.memref_slice %arg5[%select_n3A, %add3A_75, %dma_wait3A_79] : memref<4x4096x1024xf32, #tpu.memory_space<hbm>> -> memref<1x16x1024xf32, #tpu.memory_space<hbm>>
    %dma_wait3A_81 = tpu.memref_squeeze %dma_wait3A_80 : memref<1x16x1024xf32, #tpu.memory_space<hbm>> -> memref<16x1024xf32, #tpu.memory_space<hbm>>
    tpu.wait_dma2 semaphore(%arg19 : memref<!tpu.dma_semaphore, #tpu.memory_space<semaphore_mem>>) src(%arg13 : memref<16x1024xf32, #tpu.memory_space<vmem>>) dst(%dma_wait3A_81 : memref<16x1024xf32, #tpu.memory_space<hbm>>)
    return
  }
}

</mosaic_0001>

<sc_bundles>
// kernel: kernel.3.cloned.1.call-start
scs
__scs_entry_jumppad:
0x0: {  	(pc) =	sbr.rel $0x88, $3  }
0x1: {  	(tag) =	ssettag $0x0;
	lr =	simm.s32 $0x1  }
0x2: {  	[smem:$0x3F9E] =	sst lr;
	_ =	strace $0xD0000000  }
0x3: {  	_ = 	snop  }
0x4: {  	_ = 	snop  }
0x5: {  	_ = 	snop  }
0x6: {  	_ = 	snop  }
0x7: {  	_ = 	snop  }
__scs_overlays_trampoline_lowered:
0x8: {  	[smem:$0x3FAD] =	sst s0  }
0x9: {  	[smem:$0x3FAE] =	sst s1  }
0xa: {  	[smem:$0x3FAF] =	sst s2  }
0xb: {  	[smem:$0x3FB0] =	sst s3  }
0xc: {  	[smem:$0x3FB1] =	sst s4  }
0xd: {  	[smem:$0x3FB2] =	sst s5  }
0xe: {  	[smem:$0x3FB3] =	sst s6  }
0xf: {  	[smem:$0x3FB4] =	sst s7  }
0x10: {  	[smem:$0x3FB5] =	sst s8  }
0x11: {  	[smem:$0x3FB6] =	sst s9;
	s0 =	simm.s32 @!p0 $0x0  }
0x12: {  	s1 =	sld [smem:$0x3F9C];
	s0 =	simm.s32 @p0 $0x1  }
0x13: {  	[smem:$0x3FB7] =	sst s0;
	s0 =	simm.s32 @!p1 $0x0  }
0x14: {  	s2 =	sld [smem:$0x3F9B];
	s0 =	simm.s32 @p1 $0x1  }
0x15: {  	[smem:$0x3FB8] =	sst s0;
	s0 =	simm.s32 @!p2 $0x0  }
0x16: {  	s3 =	sld [smem:$0x3FDB];
	s0 =	simm.s32 @p2 $0x1  }
0x17: {  	s4 =	simm.s32 $0x1BF5;
	[smem:$0x3FBA] =	sst s0  }
0x18: {  	s0 =	sld [smem:$0x3F9D];
	_ =	swait.ge [sflag:s4], $0x0  }
0x19: {  	s7 =	sld [smem:$0x3F9E]  }
0x1a: {  	s8 =	sadd.s32 $0xFFFFE003, lr  }
0x1b: {  	s9 =	sadd.s32 $0xFFFFFEF7, lr;
	s5 =	simm.s32 $0xFFFFFFFF;
	p2 =	slt.u32 s8, $0xFFFFF086  }
0x1c: {  	p1 =	slt.u32 s9, $0xF7A;
	s5 =	simm.s32 @!p2 $0x0  }
0x1d: {  	s5 =	simm.s32 @p1 $0x1;
	p0 =	seq.s32 s7, s2  }
0x1e: {  	s7 =	smul.u32 @!p0 $0xF7A, s2;
	p2 =	seq.s32 @!p0 s5, $0x0  }
0x1f: {  	s9 =	smul.u32 $0xF7A, s1;
	s8 =	simm.s32 @!p0 $0x1BF5;
	p2 =	por !p2, p0  }
0x20: {  	[sflag:s8] =	ssyncset.s32 @!p0 $0xFFFFF086;
	s6 =	sadd.s32 @!p0 s3, s7;
	s7 =	simm.s32 @!p0 $0x108  }
0x21: {  	s3 =	sadd.s32 s3, s9;
	s6 =	sadd.s32 @!p0 $0x88, s6;
	s7 =	simm.s32 @p2 $0x1082  }
0x22: {  	[simem:s7], [sflag:s8] =	dma.local @!p0 [hbm:s6], $0xF7A  }
0x23: {  	s9 =	sor.u32 $0xD0000000, s2;
	s6 =	simm.s32 $0x108;
	_ =	swait.ge @!p0 [sflag:s8], $0x0  }
0x24: {  	s3 =	sadd.s32 $0x88, s3;
	s6 =	simm.s32 @!p1 $0x1082;
	[sflag:s4] =	ssyncset.s32 $0xFFFFF086  }
0x25: {  	[simem:s6], [sflag:s4] =	dma.local [hbm:s3], $0xF7A  }
0x26: {  	[smem:$0x3F9E] =	sst s1;
	(tag) =	ssettag s2;
	_ =	strace s9  }
0x27: {  	s1 =	sld [smem:$0x3FAE]  }
0x28: {  	s2 =	sld [smem:$0x3FAF]  }
0x29: {  	s4 =	sld [smem:$0x3FB1]  }
0x2a: {  	p0 =	seq.s32 s5, $0x0;
	s5 =	sld [smem:$0x3FB2]  }
0x2b: {  	s6 =	sld [smem:$0x3FB3]  }
0x2c: {  	s7 =	sld [smem:$0x3FB4]  }
0x2d: {  	s3 =	simm.s32 $0x108;
	s8 =	sld [smem:$0x3FB5]  }
0x2e: {  	s3 =	simm.s32 @!p0 $0x1082;
	s9 =	sld [smem:$0x3FB6]  }
0x2f: {  	lr =	sadd.s32 s0, s3;
	s0 =	sld [smem:$0x3FAD]  }
0x30: {  	s3 =	sld [smem:$0x3FB0]  }
0x31: {  	[smem:$0x3FB9] =	sst s10  }
0x32: {  	s10 =	sld [smem:$0x3FB7];
	_ =	sdelay $0x3  }
0x33: {  	p0 =	seq.s32 s10, $0x1;
	s10 =	sld [smem:$0x3FB9];
	_ =	sdelay $0x3  }
0x34: {  	[smem:$0x3FB9] =	sst s10  }
0x35: {  	s10 =	sld [smem:$0x3FB8];
	_ =	sdelay $0x3  }
0x36: {  	p1 =	seq.s32 s10, $0x1;
	s10 =	sld [smem:$0x3FB9];
	_ =	sdelay $0x3  }
0x37: {  	[smem:$0x3FB9] =	sst s10  }
0x38: {  	s10 =	sld [smem:$0x3FBA]  }
0x39: {  	_ = 	snop;
	(pc) =	sbr.ind lr, $3  }
0x3a: {  	_ = 	snop  }
0x3b: {  	_ = 	snop  }
0x3c: {  	p2 =	seq.s32 s10, $0x1;
	s10 =	sld [smem:$0x3FB9]  }
0x3d: {  	_ =	shalt  }
0x3e: {  	_ =	shalt  }
0x3f: {  	_ =	shalt  }
0x40: {  	_ =	shalt  }
0x41: {  	_ =	shalt  }
0x42: {  	_ =	shalt  }
0x43: {  	_ =	shalt  }
0x44: {  	_ =	shalt  }
0x45: {  	_ =	shalt  }
0x46: {  	_ =	shalt  }
0x47: {  	_ =	shalt  }
0x48: {  	_ =	shalt  }
0x49: {  	_ =	shalt  }
0x4a: {  	_ =	shalt  }
0x4b: {  	_ =	shalt  }
0x4c: {  	_ =	shalt  }
0x4d: {  	_ =	shalt  }
0x4e: {  	_ =	shalt  }
0x4f: {  	_ =	shalt  }
0x50: {  	_ =	shalt  }
0x51: {  	_ =	shalt  }
0x52: {  	_ =	shalt  }
0x53: {  	_ =	shalt  }
0x54: {  	_ =	shalt  }
0x55: {  	_ =	shalt  }
0x56: {  	_ =	shalt  }
0x57: {  	_ =	shalt  }
0x58: {  	_ =	shalt  }
0x59: {  	_ =	shalt  }
0x5a: {  	_ =	shalt  }
0x5b: {  	_ =	shalt  }
0x5c: {  	_ =	shalt  }
0x5d: {  	_ =	shalt  }
0x5e: {  	_ =	shalt  }
0x5f: {  	_ =	shalt  }
0x60: {  	_ =	shalt  }
0x61: {  	_ =	shalt  }
0x62: {  	_ =	shalt  }
0x63: {  	_ =	shalt  }
0x64: {  	_ =	shalt  }
0x65: {  	_ =	shalt  }
0x66: {  	_ =	shalt  }
0x67: {  	_ =	shalt  }
0x68: {  	_ =	shalt  }
0x69: {  	_ =	shalt  }
0x6a: {  	_ =	shalt  }
0x6b: {  	_ =	shalt  }
0x6c: {  	_ =	shalt  }
0x6d: {  	_ =	shalt  }
0x6e: {  	_ =	shalt  }
0x6f: {  	_ =	shalt  }
0x70: {  	_ =	shalt  }
0x71: {  	_ =	shalt  }
0x72: {  	_ =	shalt  }
0x73: {  	_ =	shalt  }
0x74: {  	_ =	shalt  }
0x75: {  	_ =	shalt  }
0x76: {  	_ =	shalt  }
0x77: {  	_ =	shalt  }
0x78: {  	_ =	shalt  }
0x79: {  	_ =	shalt  }
0x7a: {  	_ =	shalt  }
0x7b: {  	_ =	shalt  }
0x7c: {  	_ =	shalt  }
0x7d: {  	_ =	shalt  }
0x7e: {  	_ =	shalt  }
0x7f: {  	_ =	shalt  }
0x80: {  	_ =	shalt  }
0x81: {  	_ =	shalt  }
0x82: {  	_ =	shalt  }
0x83: {  	_ =	shalt  }
0x84: {  	_ =	shalt  }
0x85: {  	_ =	shalt  }
0x86: {  	_ =	shalt  }
0x87: {  	_ =	shalt  }
.Lfunc_end0:
.L_simem_size_0:
called_computation_lowered:
.L_overlay_start_0:
0x88: {  	s2 =	sld [smem:$0x3FD9]  }
0x89: {  	s3 =	sld [smem:$0x3FFE];
	_ =	sdelay $0x1  }
0x8a: {  	s1 =	srdreg.scid  }
0x8b: {  	s0 =	sand.u32 $0x1, s1  }
0x8c: {  	s18 =	sshll.u32 s0, $0xA;
	s2 =	sadd.s32 s3, s2  }
0x8d: {  	s2 =	sadd.s32 s2, s18  }
0x8e: {  	[smem:$0x3FC5] =	sst s2  }
0x8f: {  	_ = 	snop  }
0x90: {  	s2 =	sld [smem:$0x3FC9]  }
0x91: {  	s19 =	sld [smem:$0x3FC8]  }
0x92: {  	s4 =	sld [smem:$0x3FC7]  }
0x93: {  	s5 =	sld [smem:$0x3FD0];
	(tm) =	ssettm $0x1  }
0x94: {  	s6 =	sld [smem:$0x3FFB];
	_ =	sdelay $0x3  }
0x95: {  	_ =	strace s6  }
0x96: {  	s6 =	sld [smem:$0x3FFC];
	_ =	sdelay $0x3  }
0x97: {  	_ =	strace s6  }
0x98: {  	s6 =	sld [smem:$0x3FFD];
	_ =	sdelay $0x3  }
0x99: {  	_ =	strace s6  }
0x9a: {  	_ =	strace $0x8FFFFFFF  }
0x9b: {  	s20 =	sld [smem:$0x3FDB];
	_ =	sdelay $0x1  }
0x9c: {  	s7 =	simm.s32 $_scs_section_size  }
0x9d: {  	s8 =	simm.s32 $_size__tile_overlayer_lowered;
	s9 =	simm.s32 $_tile_overlayer_lowered  }
0x9e: {  	s23 =	simm.s32 $0x1BFF;
	s22 =	sshll.u32 s9, $0x1;
	s6 =	sadd.s32 s7, s20  }
0x9f: {  	s10 =	simm.s32 $0x0;
	s21 =	sshll.u32 s8, $0x1;
	s8 =	sadd.s32 s22, s6  }
0xa0: {  	[timem:s10], [sflag:s23] =	dma.local [hbm:s8], s21  }
0xa1: {  	_ =	swait.ge [sflag:s23], s21  }
0xa2: {  	s7 =	ssub.s32 $0x0, s21;
	[sflag:s23] =	ssyncset.done $0x0  }
0xa3: {  	[sflag:s23] =	ssyncadd.s32 s7;
	_ =	sdelay $0x1  }
0xa4: {  	s24 =	simm.s32 $0x1B8B  }
0xa5: {  	_ =	swait.ge [sflag:s24], $0x1  }
0xa6: {  	[sflag:s24] =	ssyncset.done $0x0  }
0xa7: {  	s25 =	simm.s32 $0x1B8E;
	[sflag:s24] =	ssyncadd.s32 $0xFFFFFFFF  }
0xa8: {  	s26 =	simm.s32 $execute0_lowered;
	[smem:$0x3FD2] =	sst s25  }
0xa9: {  	s7 =	sshll.u32 s26, $0x1;
	_ =	strace $0x80000046;
	[dreg:$0x1] =	wrdreg $0xFFFFFFFF  }
0xaa: {  	s28 =	simm.s32 $_size_execute0_lowered;
	s6 =	sadd.s32 s6, s7;
	[dreg:$0x0] =	wrdreg $0x0  }
0xab: {  	s7 =	sshll.u32 s28, $0x1;
	[dreg:$0x2] =	wrdreg s6  }
0xac: {  	[dreg:$0x3] =	wrdreg s7  }
0xad: {  	[dreg:$0x4] =	wrdreg $0xC0  }
0xae: {  	_ =	task [dreg:s10], $0x5FFFF  }
0xaf: {  	[dreg:$0x1] =	wrdreg $0xFFFFFFFF  }
0xb0: {  	[dreg:$0x0] =	wrdreg $0x60  }
0xb1: {  	[dreg:$0x2] =	wrdreg s4  }
0xb2: {  	[dreg:$0x3] =	wrdreg s19  }
0xb3: {  	[dreg:$0x4] =	wrdreg s2  }
0xb4: {  	[dreg:$0x5] =	wrdreg s5  }
0xb5: {  	[dreg:$0x6] =	wrdreg $0x9  }
0xb6: {  	_ =	task.clear_ibuf [dreg:s10], $0x7FFFF;
	_ =	strace $0x90000046  }
0xb7: {  	s29 =	simm.s32 $0x9;
	_ =	strace $0x80000048  }
0xb8: {  	_ =	swait.ge [sflag:s29], $0x1  }
0xb9: {  	[sflag:s29] =	ssyncadd.s32 $0xFFFFFFFF  }
0xba: {  	_ =	strace $0x90000048  }
0xbb: {  	_ =	sfence  }
0xbc: {  	s30 =	sld [smem:$0x0];
	_ =	sdelay $0x2  }
0xbd: {  	s31 =	sshll.u32 s1, $0xD;
	s1 =	sshrl.u32 s1, $0x2  }
0xbe: {  	s3 =	sand.u32 $0x4000, s31;
	s1 =	sadd.s32 s1, s30  }
0xbf: {  	s0 =	sor.u32 s3, s0;
	s1 =	sshll.u32 s1, $0x11  }
0xc0: {  	s0 =	sor.u32 s1, s0  }
0xc1: {  	s0 =	sadd.s32 $0x8F2B, s0  }
0xc2: {  	[sflag:s0] =	ssyncadd.remote.s32 $0x1  }
0xc3: {  	_ =	sfence.sel $0xFFFF  }
0xc4: {  	[dreg:$0x0] =	wrdreg $0xFFFFFFFF;
	(pc) =	sbr.abs _section_cstart, $3  }
0xc5: {  	[dreg:$0x1] =	wrdreg $0xFFFFFFFF  }
0xc6: {  	_ =	task.clear_ibuf [dreg:s10], $0x2FFFF;
	_ =	strace $0x9FFFFFFF  }
0xc7: {  	(tm) =	ssettm $0x7FFFFFFF  }
tec
execute0_lowered:
.L_overlay_start_1:
0x0: {  	(tag) =	ssettag $0x1  }
0x1: {  	s2 =	rddreg [dreg:$0x0]  }
0x2: {  	s4 =	rddreg [dreg:$0x2]  }
0x3: {  	s5 =	rddreg [dreg:$0x3];
	s14 =	stileid.u32  }
0x4: {  	s0 =	srdreg.scid;
	s6 =	simm.s32 $0x0;
	s17 =	simm.s32 $0x200  }
0x5: {  	s19 =	simm.s32 $0xB200;
	s20 =	simm.s32 $0xBA00;
	s21 =	simm.s32 $0x10200  }
0x6: {  	s22 =	simm.s32 $0x1;
	s23 =	simm.s32 $0x3;
	s24 =	simm.s32 $0x14200  }
0x7: {  	s25 =	simm.s32 $0x2;
	s26 =	simm.s32 $0x4;
	s28 =	simm.s32 $0x18200  }
0x8: {  	s1 =	sshll.u32 s14, $0x1;
	s0 =	sand.u32 $0x1, s0;
	[smem:$0x7FF] =	sst s6  }
0x9: {  	s3 =	sshrl.u32 s14, $0x2;
	s11 =	sadd.s32 $0x200, s2;
	s1 =	sand.u32 $0x6, s1  }
0xa: {  	s13 =	sadd.s32 $0x300, s2;
	s31 =	sand.u32 $0x3, s14;
	s1 =	sor.u32 s0, s1  }
0xb: {  	s9 =	ssub.s32 $0x2, s0;
	s7 =	sshll.u32 s3, $0x16;
	s8 =	sshll.u32 s1, $0x13  }
0xc: {  	s14 =	simm.s32 $0x0;
	s10 =	sshrl.u32 s9, $0x1;
	s8 =	sor.u32 s7, s8  }
0xd: {  	v1 =	vlaneseq.u32;
	_ =	strace $0x80000047;
	s12 =	ssub.s32 s9, s10;
	s30 =	sshrl.u32 s8, $0x3  }
.Ltmp0:
0xe: {  	v3 =	vand.u32 $0x7, v1;
	v4 =	vshrl.u32 v1, $0x3;
	s9 =	sshll.u32 s1, $0x9;
	s1 =	sadd.s32 s4, s30;
	(pc) =	sbr.rel .LBB2_1-.Ltmp0, $4  }
0xf: {  	[tilespmem:$0x1FFD0] =	vst v3;
	v3 =	vmul.u32 $0x8, v4;
	s0 =	sshll.u32 s0, $0x9;
	[dreg:$0x5] =	wrdreg s1;
	s1 =	sadd.s32 $0x800, s1  }
0x10: {  	v0 =	vmov s3;
	s12 =	smax.u32 s12, $0x1;
	[dreg:$0x6] =	wrdreg s1;
	s1 =	sshll.u32 s31, $0xA  }
0x11: {  	s3 =	simm.s32 $0xAA00;
	v0 =	vshll.u32 v0, $0x7;
	[tilespmem:$0x1FFE0] =	vst v3;
	v3 =	vor.u32 $0x8, v1;
	[dreg:$0x7] =	wrdreg s12;
	s0 =	sor.u32 s0, s1  }
0x12: {  	vm0 =	vmmov $0xffff;
	v2 =	vadd.s32 $0xFFFFFFFF, v1;
	s10 =	sadd.s32 $0x100, s2;
	v0 =	vbroadcast v0, $0x0;
	[tilespmem:$0x1FFF0] =	vst v3;
	s1 =	simm.s32 $0xA200;
	[dreg:$0x8] =	wrdreg s0  }
.LBB2_10:
0x13: {  	s0 =	simm.s32 $0x5  }
0x14: {  	_ =	swait.ge [sflag:s0], $0x4000  }
0x15: {  	[sflag:s0] =	ssyncset.done $0x0  }
0x16: {  	s12 =	simm.s32 $0x6;
	[sflag:s0] =	ssyncadd.s32 $0xFFFFC000  }
0x17: {  	_ =	swait.ge [sflag:s12], $0x4000  }
0x18: {  	s14 =	rddreg [dreg:$0x9]  }
0x19: {  	s31 =	rddreg [dreg:$0x7];
	s14 =	sadd.s32 $0x1, s14  }
0x1a: {  	p0 =	sne.s32 s14, s31  }
.Ltmp1:
0x1b: {  	_ = 	snop;
	(pc) =	sbr.rel @!p0 .LBB2_11-.Ltmp1, $3  }
0x1c: {  	_ =	sdelay $0x1  }
0x1d: {  	[sflag:s12] =	ssyncset.done $0x0  }
0x1e: {  	[sflag:s12] =	ssyncadd.s32 $0xFFFFC000  }
.LBB2_1:
0x1f: {  	s30 =	rddreg [dreg:$0x8]  }
0x20: {  	v6 =	vadd.s32 s30, v2  }
0x21: {  	vm1 =	vgt.s32 v6, $0x0  }
0x22: {  	v6 =	vnsel vm1, $0x0, v6  }
0x23: {  	v7 =	vand.u32 $0x7F, v6;
	v6 =	vshll.u32 v6, $0x2  }
0x24: {  	[dreg:$0x9] =	wrdreg s14;
	v6 =	vand.u32 $0xFFFFFE00, v6;
	v7 =	vor.u32 v0, v7  }
0x25: {  	s0 =	rddreg [dreg:$0x1];
	s31 =	simm.s32 $0x7;
	v6 =	vor.u32 v6, v7  }
0x26: {  	[tilespmem:s17], [sflag:$0x7] =	stream.linear.gather [hbm4b:s0+s6], $0x4000, $0x38;
	[tilespmem:$0x1C200] =	vst v63  }
0x27: {  	s12 =	sadd.s32 $0x10, s30;
	_ =	swait.ge [sflag:s31], $0x4000  }
0x28: {  	[sflag:s31] =	ssyncset.done $0x0;
	v7 =	vadd.s32 s12, v2  }
0x29: {  	[sflag:s31] =	ssyncadd.s32 $0xFFFFC000;
	vm1 =	vgt.s32 v7, $0x0  }
0x2a: {  	v8 =	vld.idx.msk [tilespmem:v6+s17+$0x0], $0xffff;
	v6 =	vnsel vm1, $0x0, v7  }
0x2b: {  	v7 =	vand.u32 $0x7F, v6;
	v6 =	vshll.u32 v6, $0x2  }
0x2c: {  	v6 =	vand.u32 $0xFFFFFE00, v6;
	v7 =	vor.u32 v0, v7  }
0x2d: {  	v6 =	vor.u32 v6, v7  }
0x2e: {  	v9 =	vmov s30  }
0x2f: {  	s16 =	simm.s32 $0x40;
	s15 =	sadd.s32 $0x10, s12;
	vm1 =	veq.s32 v9, v1  }
0x30: {  	s14 =	simm.s32 $0x80;
	s18 =	simm.s32 $0xC0;
	s29 =	simm.s32 $0x0;
	v7 =	vadd.s32 s15, v2;
	v8 =	vsel vm1, $0x0, v8  }
.LBB2_2:
0x31: {  	p0 =	sne.s32 s18, $0x7C0;
	vm1 =	vgt.s32 v7, $0x0;
	[tilespmem:s29+$0x0] =	vst v8;
	s30 =	smov.u32 s14;
	s14 =	smov.u32 s18  }
0x32: {  	v7 =	vnsel vm1, $0x0, v7;
	v8 =	vld.idx.msk [tilespmem:v6+s17+$0x0], $0xffff  }
0x33: {  	v6 =	vand.u32 $0x7F, v7;
	v7 =	vshll.u32 v7, $0x2  }
.Ltmp2:
0x34: {  	v7 =	vand.u32 $0xFFFFFE00, v7;
	v6 =	vor.u32 v0, v6;
	(pc) =	sbr.rel @p0 .LBB2_2-.Ltmp2, $4  }
0x35: {  	v6 =	vor.u32 v7, v6  }
0x36: {  	v7 =	vmov s12;
	s12 =	smov.u32 s15  }
0x37: {  	s15 =	sadd.s32 $0x10, s15;
	vm1 =	veq.s32 v7, v1  }
0x38: {  	s18 =	sadd.s32 $0x40, s18;
	s29 =	sshra.s32 s16, $0x2;
	s16 =	smov.u32 s30;
	v7 =	vadd.s32 s15, v2;
	v8 =	vsel vm1, $0x0, v8  }
0x39: {  	_ =	sdelay $0x1  }
0x3a: {  	vm1 =	vgt.s32 v7, $0x0  }
0x3b: {  	[tilespmem:s29+$0x0] =	vst v8;
	v7 =	vnsel vm1, $0x0, v7  }
0x3c: {  	v6 =	vld.idx.msk [tilespmem:v6+s17+$0x0], $0xffff;
	v59 =	vand.u32 $0x7F, v7;
	v7 =	vshll.u32 v7, $0x2  }
0x3d: {  	v7 =	vand.u32 $0xFFFFFE00, v7;
	v8 =	vor.u32 v0, v59  }
0x3e: {  	v7 =	vor.u32 v7, v8  }
0x3f: {  	v60 =	vmov s12  }
0x40: {  	vm1 =	veq.s32 v60, v1  }
0x41: {  	s31 =	sshra.s32 s16, $0x2;
	v6 =	vsel vm1, $0x0, v6  }
0x42: {  	[tilespmem:s31+$0x0] =	vst v6  }
0x43: {  	v6 =	vld.idx.msk [tilespmem:v7+s17+$0x0], $0xffff;
	_ =	sdelay $0x2  }
0x44: {  	v61 =	vmov s15  }
0x45: {  	vm1 =	veq.s32 v61, v1  }
0x46: {  	s0 =	sshra.s32 s14, $0x2;
	v6 =	vsel vm1, $0x0, v6  }
0x47: {  	[tilespmem:s0+$0x0] =	vst v6  }
0x48: {  	v6 =	vld [tilespmem:$0x0];
	_ =	sdelay $0x2  }
0x49: {  	v3 =	vld [tilespmem:$0x1FFD0];
	_ =	sdelay $0x1  }
0x4a: {  	v4 =	vld [tilespmem:$0x1FFE0];
	v62 =	vshll.u32 v6, $0x3  }
0x4b: {  	v6 =	vand.u32 $0x7, v6;
	v7 =	vand.u32 $0xFFFFFFC0, v62  }
0x4c: {  	v6 =	vor.u32 v6, v7  }
0x4d: {  	v7 =	vperm.xlane v6, v3;
	_ =	sdelay $0x1  }
0x4e: {  	v7 =	vadd.s32 v4, v7  }
0x4f: {  	v5 =	vld [tilespmem:$0x1FFF0];
	_ =	sdelay $0x2  }
0x50: {  	s18 =	simm.s32 $0x0;
	s0 =	simm.s32 $0x4200  }
0x51: {  	[tilespmem:s0], [sflag:$0x1] =	stream.indirect_vreg.gather [hbm4b:s2+s18], $0x80, v7, vm0, $0xb8;
	[tilespmem:$0x1C200] =	vst v63  }
0x52: {  	s12 =	simm.s32 $0x4A00;
	v6 =	vperm.xlane v6, v5  }
0x53: {  	[tilespmem:s12], [sflag:$0x1] =	stream.indirect_vreg.gather [hbm4b:s10+s18], $0x80, v7, vm0, $0xb8;
	[tilespmem:$0x1C200] =	vst v63  }
0x54: {  	s14 =	simm.s32 $0x5200;
	v6 =	vadd.s32 v4, v6  }
0x55: {  	[tilespmem:s14], [sflag:$0x1] =	stream.indirect_vreg.gather [hbm4b:s11+s18], $0x80, v7, vm0, $0xb8;
	[tilespmem:$0x1C200] =	vst v63  }
0x56: {  	s15 =	simm.s32 $0x5A00  }
0x57: {  	[tilespmem:s15], [sflag:$0x1] =	stream.indirect_vreg.gather [hbm4b:s13+s18], $0x80, v7, vm0, $0xb8;
	[tilespmem:$0x1C200] =	vst v63  }
0x58: {  	s16 =	simm.s32 $0x6200  }
0x59: {  	[tilespmem:s16], [sflag:$0x1] =	stream.indirect_vreg.gather [hbm4b:s2+s18], $0x80, v6, vm0, $0xb8;
	[tilespmem:$0x1C200] =	vst v63  }
0x5a: {  	s29 =	simm.s32 $0x6A00  }
0x5b: {  	[tilespmem:s29], [sflag:$0x1] =	stream.indirect_vreg.gather [hbm4b:s10+s18], $0x80, v6, vm0, $0xb8;
	[tilespmem:$0x1C200] =	vst v63  }
0x5c: {  	s30 =	simm.s32 $0x7200  }
0x5d: {  	[tilespmem:s30], [sflag:$0x1] =	stream.indirect_vreg.gather [hbm4b:s11+s18], $0x80, v6, vm0, $0xb8;
	[tilespmem:$0x1C200] =	vst v63  }
0x5e: {  	s31 =	simm.s32 $0x7A00  }
0x5f: {  	[tilespmem:s31], [sflag:$0x1] =	stream.indirect_vreg.gather [hbm4b:s13+s18], $0x80, v6, vm0, $0xb8;
	[tilespmem:$0x1C200] =	vst v63  }
0x60: {  	s12 =	rddreg [dreg:$0x5];
	s14 =	simm.s32 $0xC200  }
0x61: {  	[tilespmem:s14], [sflag:$0x3] =	stream.linear.gather [hbm4b:s12+s18], $0x4000, $0x38;
	[tilespmem:$0x1C200] =	vst v63  }
0x62: {  	v6 =	vld [tilespmem:$0x10];
	_ =	sdelay $0x4  }
0x63: {  	v63 =	vshll.u32 v6, $0x3  }
0x64: {  	v6 =	vand.u32 $0x7, v6;
	v7 =	vand.u32 $0xFFFFFFC0, v63  }
0x65: {  	v6 =	vor.u32 v6, v7  }
0x66: {  	v7 =	vperm.xlane v6, v3;
	_ =	sdelay $0x1  }
0x67: {  	v7 =	vadd.s32 v4, v7;
	_ =	sdelay $0x3  }
0x68: {  	s15 =	simm.s32 $0x8200  }
0x69: {  	[tilespmem:s15], [sflag:$0x2] =	stream.indirect_vreg.gather [hbm4b:s2+s18], $0x80, v7, vm0, $0xb8;
	[tilespmem:$0x1C200] =	vst v63  }
0x6a: {  	s16 =	simm.s32 $0x8A00;
	v6 =	vperm.xlane v6, v5  }
0x6b: {  	[tilespmem:s16], [sflag:$0x2] =	stream.indirect_vreg.gather [hbm4b:s10+s18], $0x80, v7, vm0, $0xb8;
	[tilespmem:$0x1C200] =	vst v63  }
0x6c: {  	s29 =	simm.s32 $0x9200;
	v6 =	vadd.s32 v4, v6  }
0x6d: {  	[tilespmem:s29], [sflag:$0x2] =	stream.indirect_vreg.gather [hbm4b:s11+s18], $0x80, v7, vm0, $0xb8;
	[tilespmem:$0x1C200] =	vst v63  }
0x6e: {  	s30 =	simm.s32 $0x9A00  }
0x6f: {  	[tilespmem:s30], [sflag:$0x2] =	stream.indirect_vreg.gather [hbm4b:s13+s18], $0x80, v7, vm0, $0xb8;
	[tilespmem:$0x1C200] =	vst v63  }
0x70: {  	_ = 	snop  }
0x71: {  	[tilespmem:s1], [sflag:$0x2] =	stream.indirect_vreg.gather [hbm4b:s2+s18], $0x80, v6, vm0, $0xb8;
	[tilespmem:$0x1C200] =	vst v63  }
0x72: {  	_ = 	snop  }
0x73: {  	[tilespmem:s3], [sflag:$0x2] =	stream.indirect_vreg.gather [hbm4b:s10+s18], $0x80, v6, vm0, $0xb8;
	[tilespmem:$0x1C200] =	vst v63  }
0x74: {  	_ = 	snop  }
0x75: {  	[tilespmem:s19], [sflag:$0x2] =	stream.indirect_vreg.gather [hbm4b:s11+s18], $0x80, v6, vm0, $0xb8;
	[tilespmem:$0x1C200] =	vst v63  }
0x76: {  	_ = 	snop  }
0x77: {  	[tilespmem:s20], [sflag:$0x2] =	stream.indirect_vreg.gather [hbm4b:s13+s18], $0x80, v6, vm0, $0xb8;
	[tilespmem:$0x1C200] =	vst v63  }
0x78: {  	s31 =	rddreg [dreg:$0x6]  }
0x79: {  	[tilespmem:s21], [sflag:$0x4] =	stream.linear.gather [hbm4b:s31+s18], $0x4000, $0x38;
	[tilespmem:$0x1C200] =	vst v63  }
.LBB2_4:
0x7a: {  	_ =	swait.ge [sflag:s22], $0x4000  }
0x7b: {  	[sflag:s22] =	ssyncset.done $0x0  }
0x7c: {  	[sflag:s22] =	ssyncadd.s32 $0xFFFFC000  }
0x7d: {  	_ =	swait.ge [sflag:s23], $0x4000  }
0x7e: {  	p0 =	seq.s32 s18, $0x0;
	[sflag:s23] =	ssyncset.done $0x0  }
0x7f: {  	s12 =	simm.s32 @!p0 $0x5;
	[sflag:s23] =	ssyncadd.s32 $0xFFFFC000  }
0x80: {  	s14 =	sshll.u32 s18, $0x5;
	_ =	swait.ge @!p0 [sflag:s12], $0x4000  }
0x81: {  	s15 =	simm.s32 $0xFFFFC000;
	s16 =	simm.s32 $0x0;
	[sflag:s12] =	ssyncset.done @!p0 $0x0  }
0x82: {  	s29 =	simm.s32 $0x0;
	[sflag:s12] =	ssyncadd.s32 @!p0 $0xFFFFC000;
	s12 =	simm.s32 $0x0  }
.LBB2_5:
0x83: {  	s30 =	sadd.s32 $0x4000, s15  }
0x84: {  	s31 =	sand.u32 $0x380, s29;
	s30 =	sand.u32 $0x2000, s30  }
0x85: {  	s30 =	sor.u32 s31, s30  }
0x86: {  	v6 =	vld [tilespmem:s30+$0x4200]  }
0x87: {  	v7 =	vld [tilespmem:s30+$0xC200]  }
0x88: {  	v8 =	vld [tilespmem:s30+$0x4210]  }
0x89: {  	v9 =	vld [tilespmem:s30+$0xC210]  }
0x8a: {  	v10 =	vld [tilespmem:s30+$0x4220]  }
0x8b: {  	v11 =	vld [tilespmem:s30+$0xC220]  }
0x8c: {  	v12 =	vld [tilespmem:s30+$0x4230]  }
0x8d: {  	v13 =	vld [tilespmem:s30+$0xC230]  }
0x8e: {  	v14 =	vld [tilespmem:s30+$0x4240]  }
0x8f: {  	v15 =	vld [tilespmem:s30+$0xC240]  }
0x90: {  	v16 =	vld [tilespmem:s30+$0x4250]  }
0x91: {  	v17 =	vld [tilespmem:s30+$0xC250]  }
0x92: {  	v18 =	vld [tilespmem:s30+$0x4260]  }
0x93: {  	v19 =	vld [tilespmem:s30+$0xC260]  }
0x94: {  	v20 =	vld [tilespmem:s30+$0x4270]  }
0x95: {  	v21 =	vld [tilespmem:s30+$0xC270]  }
0x96: {  	v22 =	vld [tilespmem:s30+$0x4600]  }
0x97: {  	v23 =	vld [tilespmem:s30+$0xC600]  }
0x98: {  	v24 =	vld [tilespmem:s30+$0x4610]  }
0x99: {  	v25 =	vld [tilespmem:s30+$0xC610]  }
0x9a: {  	v26 =	vld [tilespmem:s30+$0x4620]  }
0x9b: {  	v27 =	vld [tilespmem:s30+$0xC620]  }
0x9c: {  	v28 =	vld [tilespmem:s30+$0x4630]  }
0x9d: {  	v29 =	vld [tilespmem:s30+$0xC630]  }
0x9e: {  	v30 =	vld [tilespmem:s30+$0x4640]  }
0x9f: {  	v31 =	vld [tilespmem:s30+$0xC640]  }
0xa0: {  	v32 =	vld [tilespmem:s30+$0x4650]  }
0xa1: {  	v33 =	vld [tilespmem:s30+$0xC650]  }
0xa2: {  	v34 =	vld [tilespmem:s30+$0x4660]  }
0xa3: {  	v35 =	vld [tilespmem:s30+$0xC660]  }
0xa4: {  	v36 =	vld [tilespmem:s30+$0x4670]  }
0xa5: {  	v37 =	vld [tilespmem:s30+$0xC670]  }
0xa6: {  	v38 =	vld [tilespmem:s30+$0x4A00]  }
0xa7: {  	v39 =	vld [tilespmem:s30+$0xCA00]  }
0xa8: {  	v40 =	vld [tilespmem:s30+$0x4A10]  }
0xa9: {  	v41 =	vld [tilespmem:s30+$0xCA10]  }
0xaa: {  	v42 =	vld [tilespmem:s30+$0x4A20]  }
0xab: {  	v43 =	vld [tilespmem:s30+$0xCA20]  }
0xac: {  	v44 =	vld [tilespmem:s30+$0x4A30]  }
0xad: {  	v45 =	vld [tilespmem:s30+$0xCA30]  }
0xae: {  	v46 =	vld [tilespmem:s30+$0x4A40]  }
0xaf: {  	v47 =	vld [tilespmem:s30+$0xCA40]  }
0xb0: {  	v48 =	vld [tilespmem:s30+$0x4A50]  }
0xb1: {  	v49 =	vld [tilespmem:s30+$0xCA50]  }
0xb2: {  	v50 =	vld [tilespmem:s30+$0x4A60]  }
0xb3: {  	v51 =	vld [tilespmem:s30+$0xCA60]  }
0xb4: {  	v52 =	vld [tilespmem:s30+$0x4A70]  }
0xb5: {  	v53 =	vld [tilespmem:s30+$0xCA70]  }
0xb6: {  	v54 =	vld [tilespmem:s30+$0x4E00]  }
0xb7: {  	v55 =	vld [tilespmem:s30+$0xCE00]  }
0xb8: {  	v56 =	vld [tilespmem:s30+$0x4E10]  }
0xb9: {  	v57 =	vld [tilespmem:s30+$0xCE10]  }
0xba: {  	v58 =	vld [tilespmem:s30+$0x4E20]  }
0xbb: {  	v59 =	vld [tilespmem:s30+$0xCE20]  }
0xbc: {  	v60 =	vld [tilespmem:s30+$0x4E30]  }
0xbd: {  	v61 =	vld [tilespmem:s30+$0xCE30]  }
0xbe: {  	v62 =	vld [tilespmem:s30+$0x4E40]  }
0xbf: {  	v63 =	vld [tilespmem:s30+$0xCE40]  }
0xc0: {  	v3 =	vld [tilespmem:s30+$0x4E50]  }
0xc1: {  	v5 =	vld [tilespmem:s30+$0xCE50]  }
0xc2: {  	v4 =	vld [tilespmem:s30+$0x4E60]  }
0xc3: {  	v6 =	vadd.f32 v7, v6;
	v7 =	vld [tilespmem:s30+$0xCE60]  }
0xc4: {  	v8 =	vadd.f32 v9, v8;
	v9 =	vld [tilespmem:s30+$0x4E70]  }
0xc5: {  	v17 =	vadd.f32 v17, v16;
	v16 =	vld [tilespmem:s30+$0xD220];
	[tilespmem:s30+$0x14200] =	vst v6  }
0xc6: {  	v19 =	vadd.f32 v19, v18;
	v18 =	vld [tilespmem:s30+$0xD230];
	[tilespmem:s30+$0x14210] =	vst v8  }
0xc7: {  	v21 =	vadd.f32 v21, v20;
	v20 =	vld [tilespmem:s30+$0xD240];
	[tilespmem:s30+$0x14250] =	vst v17  }
0xc8: {  	v23 =	vadd.f32 v23, v22;
	v22 =	vld [tilespmem:s30+$0xD250];
	[tilespmem:s30+$0x14260] =	vst v19  }
0xc9: {  	v25 =	vadd.f32 v25, v24;
	v27 =	vadd.f32 v27, v26;
	v24 =	vld [tilespmem:s30+$0xD260];
	[tilespmem:s30+$0x14270] =	vst v21  }
0xca: {  	v28 =	vadd.f32 v29, v28;
	v29 =	vadd.f32 v31, v30;
	v26 =	vld [tilespmem:s30+$0xD270];
	[tilespmem:s30+$0x14600] =	vst v23  }
0xcb: {  	v31 =	vadd.f32 v35, v34;
	v34 =	vadd.f32 v41, v40;
	v41 =	vld [tilespmem:s30+$0x5620];
	[tilespmem:s30+$0x14610] =	vst v25  }
0xcc: {  	v30 =	vadd.f32 v33, v32;
	v35 =	vadd.f32 v43, v42;
	v43 =	vld [tilespmem:s30+$0xD620];
	[tilespmem:s30+$0x14620] =	vst v27  }
0xcd: {  	v32 =	vadd.f32 v37, v36;
	v36 =	vadd.f32 v45, v44;
	v45 =	vld [tilespmem:s30+$0x5630];
	[tilespmem:s30+$0x14630] =	vst v28  }
0xce: {  	v37 =	vadd.f32 v47, v46;
	v47 =	vld [tilespmem:s30+$0xD630];
	[tilespmem:s30+$0x14640] =	vst v29  }
0xcf: {  	v33 =	vadd.f32 v39, v38;
	v38 =	vadd.f32 v49, v48;
	v49 =	vld [tilespmem:s30+$0x5640];
	[tilespmem:s30+$0x14650] =	vst v30  }
0xd0: {  	v39 =	vadd.f32 v51, v50;
	v51 =	vld [tilespmem:s30+$0xD640];
	[tilespmem:s30+$0x14660] =	vst v31  }
0xd1: {  	v40 =	vadd.f32 v53, v52;
	v52 =	vld [tilespmem:s30+$0x5650];
	[tilespmem:s30+$0x14670] =	vst v32  }
0xd2: {  	v53 =	vld [tilespmem:s30+$0xD650];
	[tilespmem:s30+$0x14A00] =	vst v33  }
0xd3: {  	v42 =	vadd.f32 v55, v54;
	v54 =	vld [tilespmem:s30+$0x5660];
	[tilespmem:s30+$0x14A10] =	vst v34  }
0xd4: {  	v44 =	vadd.f32 v57, v56;
	v56 =	vld [tilespmem:s30+$0xD660];
	[tilespmem:s30+$0x14A20] =	vst v35  }
0xd5: {  	v57 =	vld [tilespmem:s30+$0x5670];
	[tilespmem:s30+$0x14A30] =	vst v36  }
0xd6: {  	v46 =	vadd.f32 v59, v58;
	v59 =	vld [tilespmem:s30+$0xD670];
	[tilespmem:s30+$0x14A40] =	vst v37  }
0xd7: {  	v48 =	vadd.f32 v61, v60;
	v60 =	vld [tilespmem:s30+$0x5A00];
	[tilespmem:s30+$0x14A50] =	vst v38  }
0xd8: {  	v50 =	vadd.f32 v63, v62;
	v62 =	vld [tilespmem:s30+$0xDA00];
	[tilespmem:s30+$0x14A60] =	vst v39  }
0xd9: {  	v63 =	vld [tilespmem:s30+$0x5A10];
	[tilespmem:s30+$0x14A70] =	vst v40  }
0xda: {  	v6 =	vadd.f32 v11, v10;
	v10 =	vld [tilespmem:s30+$0xCE70];
	[tilespmem:s30+$0x14E00] =	vst v42  }
0xdb: {  	v11 =	vld [tilespmem:s30+$0x5200];
	[tilespmem:s30+$0x14E10] =	vst v44  }
0xdc: {  	v8 =	vadd.f32 v13, v12;
	v12 =	vld [tilespmem:s30+$0xD200];
	[tilespmem:s30+$0x14E20] =	vst v46  }
0xdd: {  	v13 =	vld [tilespmem:s30+$0x5210];
	[tilespmem:s30+$0x14E30] =	vst v48  }
0xde: {  	v3 =	vadd.f32 v5, v3;
	v17 =	vld [tilespmem:s30+$0x5230];
	[tilespmem:s30+$0x14E40] =	vst v50  }
0xdf: {  	[tilespmem:s30+$0x14220] =	vst v6;
	v6 =	vadd.f32 v15, v14;
	v14 =	vld [tilespmem:s30+$0xD210]  }
0xe0: {  	v19 =	vld [tilespmem:s30+$0x5240];
	[tilespmem:s30+$0x14E50] =	vst v3  }
0xe1: {  	v21 =	vld [tilespmem:s30+$0x5250];
	[tilespmem:s30+$0x14230] =	vst v8;
	v4 =	vadd.f32 v7, v4  }
0xe2: {  	v23 =	vld [tilespmem:s30+$0x5260];
	[tilespmem:s30+$0x14240] =	vst v6;
	v3 =	vadd.f32 v10, v9  }
0xe3: {  	v25 =	vld [tilespmem:s30+$0x5270];
	v41 =	vadd.f32 v43, v41;
	[tilespmem:s30+$0x14E60] =	vst v4  }
0xe4: {  	v27 =	vld [tilespmem:s30+$0x5600];
	[tilespmem:s30+$0x14E70] =	vst v3;
	v3 =	vadd.f32 v14, v13  }
0xe5: {  	v28 =	vld [tilespmem:s30+$0xD600];
	v44 =	vadd.f32 v51, v49;
	[tilespmem:s30+$0x15620] =	vst v41  }
0xe6: {  	v29 =	vld [tilespmem:s30+$0x5610];
	[tilespmem:s30+$0x15210] =	vst v3;
	v3 =	vadd.f32 v18, v17  }
0xe7: {  	v30 =	vld [tilespmem:s30+$0xD610];
	v50 =	vadd.f32 v62, v60;
	[tilespmem:s30+$0x15640] =	vst v44  }
0xe8: {  	v37 =	vld [tilespmem:s30+$0x5A20];
	[tilespmem:s30+$0x15230] =	vst v3;
	v3 =	vadd.f32 v22, v21  }
0xe9: {  	v39 =	vld [tilespmem:s30+$0xDA20];
	v55 =	vadd.f32 v12, v11;
	[tilespmem:s30+$0x15A00] =	vst v50  }
0xea: {  	v40 =	vld [tilespmem:s30+$0x5A30];
	[tilespmem:s30+$0x15250] =	vst v3;
	v3 =	vadd.f32 v26, v25  }
0xeb: {  	v42 =	vld [tilespmem:s30+$0xDA30];
	v61 =	vadd.f32 v20, v19;
	[tilespmem:s30+$0x15200] =	vst v55  }
0xec: {  	v15 =	vld [tilespmem:s30+$0x5220];
	[tilespmem:s30+$0x15270] =	vst v3;
	v3 =	vadd.f32 v30, v29  }
0xed: {  	v46 =	vld [tilespmem:s30+$0x5A50];
	v23 =	vadd.f32 v24, v23;
	[tilespmem:s30+$0x15240] =	vst v61  }
0xee: {  	v49 =	vld [tilespmem:s30+$0x5A60];
	[tilespmem:s30+$0x15610] =	vst v3;
	v3 =	vadd.f32 v47, v45  }
0xef: {  	v24 =	vld [tilespmem:s30+$0xDA10];
	v38 =	vadd.f32 v28, v27;
	[tilespmem:s30+$0x15260] =	vst v23  }
0xf0: {  	v51 =	vld [tilespmem:s30+$0xDA60];
	[tilespmem:s30+$0x15630] =	vst v3;
	v3 =	vadd.f32 v53, v52  }
0xf1: {  	v48 =	vld [tilespmem:s30+$0xDA50];
	v58 =	vadd.f32 v16, v15;
	[tilespmem:s30+$0x15600] =	vst v38  }
0xf2: {  	v43 =	vld [tilespmem:s30+$0x5A40];
	[tilespmem:s30+$0x15650] =	vst v3;
	v3 =	vadd.f32 v59, v57  }
0xf3: {  	[tilespmem:s30+$0x15220] =	vst v58;
	v45 =	vld [tilespmem:s30+$0xDA40];
	v47 =	vadd.f32 v56, v54  }
0xf4: {  	v54 =	vld [tilespmem:s30+$0xDA70];
	[tilespmem:s30+$0x15670] =	vst v3;
	v3 =	vadd.f32 v24, v63  }
0xf5: {  	v56 =	vadd.f32 v51, v49;
	[tilespmem:s30+$0x15660] =	vst v47;
	v52 =	vld [tilespmem:s30+$0x5A70]  }
0xf6: {  	[tilespmem:s30+$0x15A10] =	vst v3;
	v3 =	vadd.f32 v42, v40  }
0xf7: {  	v53 =	vadd.f32 v39, v37;
	[tilespmem:s30+$0x15A60] =	vst v56  }
0xf8: {  	[tilespmem:s30+$0x15A30] =	vst v3;
	v3 =	vadd.f32 v48, v46  }
0xf9: {  	s0 =	sand.u32 $0x7, s16;
	[tilespmem:s30+$0x15A20] =	vst v53;
	v55 =	vadd.f32 v45, v43  }
0xfa: {  	s31 =	sshll.u32 s0, $0x7;
	[tilespmem:s30+$0x15A50] =	vst v3;
	v3 =	vadd.f32 v54, v52  }
0xfb: {  	s31 =	sadd.s32 s31, s12;
	[tilespmem:s30+$0x15A40] =	vst v55  }
0xfc: {  	s0 =	sor.u32 $0x1C00, s31;
	[tilespmem:s30+$0x15A70] =	vst v3  }
0xfd: {  	v3 =	vld [tilespmem:s0+$0x4200]  }
0xfe: {  	v4 =	vld [tilespmem:s0+$0xC200];
	_ =	sdelay $0x4  }
0xff: {  	v3 =	vadd.f32 v4, v3;
	_ =	sdelay $0x1  }
0x100: {  	[tilespmem:s0+$0x14200] =	vst v3;
	s0 =	sor.u32 $0x1C10, s31  }
0x101: {  	v3 =	vld [tilespmem:s0+$0x4200]  }
0x102: {  	v57 =	vld [tilespmem:s0+$0xC200];
	_ =	sdelay $0x4  }
0x103: {  	v3 =	vadd.f32 v57, v3;
	_ =	sdelay $0x1  }
0x104: {  	[tilespmem:s0+$0x14200] =	vst v3;
	s0 =	sor.u32 $0x1C20, s31  }
0x105: {  	v3 =	vld [tilespmem:s0+$0x4200]  }
0x106: {  	v58 =	vld [tilespmem:s0+$0xC200];
	_ =	sdelay $0x4  }
0x107: {  	v3 =	vadd.f32 v58, v3;
	_ =	sdelay $0x1  }
0x108: {  	[tilespmem:s0+$0x14200] =	vst v3;
	s0 =	sor.u32 $0x1C30, s31  }
0x109: {  	v3 =	vld [tilespmem:s0+$0x4200]  }
0x10a: {  	v59 =	vld [tilespmem:s0+$0xC200];
	_ =	sdelay $0x4  }
0x10b: {  	v3 =	vadd.f32 v59, v3;
	_ =	sdelay $0x1  }
0x10c: {  	[tilespmem:s0+$0x14200] =	vst v3;
	s0 =	sor.u32 $0x1C40, s31  }
0x10d: {  	v3 =	vld [tilespmem:s0+$0x4200]  }
0x10e: {  	v60 =	vld [tilespmem:s0+$0xC200];
	_ =	sdelay $0x4  }
0x10f: {  	v3 =	vadd.f32 v60, v3;
	_ =	sdelay $0x1  }
0x110: {  	[tilespmem:s0+$0x14200] =	vst v3;
	s0 =	sor.u32 $0x1C50, s31  }
0x111: {  	v3 =	vld [tilespmem:s0+$0x4200]  }
0x112: {  	v61 =	vld [tilespmem:s0+$0xC200];
	_ =	sdelay $0x4  }
0x113: {  	v3 =	vadd.f32 v61, v3;
	_ =	sdelay $0x1  }
0x114: {  	[tilespmem:s0+$0x14200] =	vst v3;
	s0 =	sor.u32 $0x1C60, s31  }
0x115: {  	v3 =	vld [tilespmem:s0+$0x4200]  }
0x116: {  	v62 =	vld [tilespmem:s0+$0xC200];
	_ =	sdelay $0x4  }
0x117: {  	v3 =	vadd.f32 v62, v3;
	_ =	sdelay $0x1  }
0x118: {  	s31 =	sor.u32 $0x1C70, s31;
	[tilespmem:s0+$0x14200] =	vst v3  }
0x119: {  	v3 =	vld [tilespmem:s31+$0x4200]  }
0x11a: {  	v63 =	vld [tilespmem:s31+$0xC200];
	_ =	sdelay $0x1  }
0x11b: {  	p1 =	sne.s32 s29, $0x780  }
.Ltmp3:
0x11c: {  	_ = 	snop;
	(pc) =	sbr.rel @p1 .LBB2_5-.Ltmp3, $4  }
0x11d: {  	_ = 	snop  }
0x11e: {  	v3 =	vadd.f32 v63, v3  }
0x11f: {  	s16 =	sadd.s32 $0x1, s16  }
0x120: {  	s15 =	sadd.s32 $0x400, s15;
	s29 =	sadd.s32 $0x80, s29;
	s12 =	sadd.s32 $0x400, s12;
	[tilespmem:s31+$0x14200] =	vst v3  }
0x121: {  	s12 =	sshll.u32 s18, $0xF  }
0x122: {  	s12 =	sadd.s32 s8, s12  }
0x123: {  	s12 =	sshrl.u32 s12, $0x3  }
0x124: {  	p1 =	seq.s32 s18, $0xF;
	s12 =	sadd.s32 s5, s12  }
0x125: {  	[hbm4b:s12+s6] =	stream.linear.scatter [tilespmem:s24], [sflag:$0x5], $0x4000, $0x38;
	[tilespmem:$0x1C200] =	vst v63  }
0x126: {  	v3 =	vld @!p1 [tilespmem:s14+$0x20];
	_ =	sdelay $0x4  }
0x127: {  	v4 =	vshll.u32 @!p1 v3, $0x3  }
0x128: {  	v5 =	vlaneseq.u32 @!p1;
	v3 =	vand.u32 @!p1 $0x7, v3;
	v4 =	vand.u32 @!p1 $0xFFFFFFC0, v4  }
0x129: {  	v6 =	vshrl.u32 @!p1 v5, $0x3;
	v3 =	vor.u32 @!p1 v3, v4;
	v4 =	vand.u32 @!p1 $0x7, v5  }
0x12a: {  	v6 =	vmul.u32 @!p1 $0x8, v6;
	v4 =	vperm.xlane @!p1 v3, v4;
	_ =	sdelay $0x1  }
0x12b: {  	v4 =	vadd.s32 @!p1 v6, v4;
	_ =	sdelay $0x3  }
0x12c: {  	vm1 =	vmmov @!p1 $0xffff;
	s15 =	simm.s32 @!p1 $0x4200;
	s12 =	simm.s32 @!p1 $0x0  }
0x12d: {  	v5 =	vor.u32 @!p1 $0x8, v5;
	[tilespmem:s15], [sflag:$0x1] =	stream.indirect_vreg.gather @!p1 [hbm4b:s2+s12], $0x80, v4, vm1, $0xb8;
	[tilespmem:$0x1C200] =	vst v63  }
0x12e: {  	v3 =	vperm.xlane @!p1 v3, v5;
	s15 =	simm.s32 @!p1 $0x4A00  }
0x12f: {  	[tilespmem:s15], [sflag:$0x1] =	stream.indirect_vreg.gather @!p1 [hbm4b:s10+s12], $0x80, v4, vm1, $0xb8;
	[tilespmem:$0x1C200] =	vst v63  }
0x130: {  	v3 =	vadd.s32 @!p1 v6, v3;
	s15 =	simm.s32 @!p1 $0x5200  }
0x131: {  	[tilespmem:s15], [sflag:$0x1] =	stream.indirect_vreg.gather @!p1 [hbm4b:s11+s12], $0x80, v4, vm1, $0xb8;
	[tilespmem:$0x1C200] =	vst v63  }
0x132: {  	s15 =	simm.s32 @!p1 $0x5A00  }
0x133: {  	[tilespmem:s15], [sflag:$0x1] =	stream.indirect_vreg.gather @!p1 [hbm4b:s13+s12], $0x80, v4, vm1, $0xb8;
	[tilespmem:$0x1C200] =	vst v63  }
0x134: {  	s15 =	simm.s32 @!p1 $0x6200  }
0x135: {  	[tilespmem:s15], [sflag:$0x1] =	stream.indirect_vreg.gather @!p1 [hbm4b:s2+s12], $0x80, v3, vm1, $0xb8;
	[tilespmem:$0x1C200] =	vst v63  }
0x136: {  	s15 =	simm.s32 @!p1 $0x6A00  }
0x137: {  	[tilespmem:s15], [sflag:$0x1] =	stream.indirect_vreg.gather @!p1 [hbm4b:s10+s12], $0x80, v3, vm1, $0xb8;
	[tilespmem:$0x1C200] =	vst v63  }
0x138: {  	s15 =	simm.s32 @!p1 $0x7200  }
0x139: {  	[tilespmem:s15], [sflag:$0x1] =	stream.indirect_vreg.gather @!p1 [hbm4b:s11+s12], $0x80, v3, vm1, $0xb8;
	[tilespmem:$0x1C200] =	vst v63  }
0x13a: {  	s15 =	sadd.s32 @!p1 $0x20, s14  }
0x13b: {  	s16 =	simm.s32 @!p1 $0x7A00;
	s15 =	sadd.s32 @!p1 s9, s15  }
0x13c: {  	[tilespmem:s16], [sflag:$0x1] =	stream.indirect_vreg.gather @!p1 [hbm4b:s13+s12], $0x80, v3, vm1, $0xb8;
	[tilespmem:$0x1C200] =	vst v63  }
0x13d: {  	s15 =	sshll.u32 @!p1 s15, $0xA  }
0x13e: {  	s15 =	sadd.s32 @!p1 s7, s15  }
0x13f: {  	s15 =	sshrl.u32 @!p1 s15, $0x3  }
0x140: {  	s16 =	simm.s32 @!p1 $0xC200;
	s15 =	sadd.s32 @!p1 s4, s15  }
0x141: {  	[tilespmem:s16], [sflag:$0x3] =	stream.linear.gather @!p1 [hbm4b:s15+s12], $0x4000, $0x38;
	[tilespmem:$0x1C200] =	vst v63  }
0x142: {  	_ =	swait.ge [sflag:s25], $0x4000  }
0x143: {  	[sflag:s25] =	ssyncset.done $0x0  }
0x144: {  	[sflag:s25] =	ssyncadd.s32 $0xFFFFC000  }
0x145: {  	_ =	swait.ge [sflag:s26], $0x4000  }
0x146: {  	[sflag:s26] =	ssyncset.done $0x0  }
0x147: {  	s12 =	simm.s32 @!p0 $0x6;
	[sflag:s26] =	ssyncadd.s32 $0xFFFFC000  }
0x148: {  	s31 =	sadd.s32 s14, s9;
	s29 =	simm.s32 $0x0;
	_ =	swait.ge @!p0 [sflag:s12], $0x4000  }
0x149: {  	s30 =	simm.s32 $0x0;
	s15 =	sadd.s32 $0x10, s31;
	[sflag:s12] =	ssyncset.done @!p0 $0x0  }
0x14a: {  	s16 =	simm.s32 $0x0;
	[sflag:s12] =	ssyncadd.s32 @!p0 $0xFFFFC000;
	s12 =	simm.s32 $0xFFFFC000  }
.LBB2_7:
0x14b: {  	s31 =	sadd.s32 $0x4000, s12  }
0x14c: {  	s0 =	sand.u32 $0x380, s30;
	s31 =	sand.u32 $0x2000, s31  }
0x14d: {  	s31 =	sor.u32 s0, s31  }
0x14e: {  	v3 =	vld [tilespmem:s31+$0x8200]  }
0x14f: {  	v4 =	vld [tilespmem:s31+$0x10200]  }
0x150: {  	v5 =	vld [tilespmem:s31+$0x8210]  }
0x151: {  	v6 =	vld [tilespmem:s31+$0x10210]  }
0x152: {  	v7 =	vld [tilespmem:s31+$0x8220]  }
0x153: {  	v8 =	vld [tilespmem:s31+$0x10220]  }
0x154: {  	v9 =	vld [tilespmem:s31+$0x8230]  }
0x155: {  	v10 =	vld [tilespmem:s31+$0x10230]  }
0x156: {  	v11 =	vld [tilespmem:s31+$0x8240]  }
0x157: {  	v12 =	vld [tilespmem:s31+$0x10240]  }
0x158: {  	v13 =	vld [tilespmem:s31+$0x8250]  }
0x159: {  	v14 =	vld [tilespmem:s31+$0x10250]  }
0x15a: {  	v15 =	vld [tilespmem:s31+$0x8260]  }
0x15b: {  	v16 =	vld [tilespmem:s31+$0x10260]  }
0x15c: {  	v17 =	vld [tilespmem:s31+$0x8270]  }
0x15d: {  	v18 =	vld [tilespmem:s31+$0x10270]  }
0x15e: {  	v19 =	vld [tilespmem:s31+$0x8600]  }
0x15f: {  	v20 =	vld [tilespmem:s31+$0x10600]  }
0x160: {  	v21 =	vld [tilespmem:s31+$0x8610]  }
0x161: {  	v22 =	vld [tilespmem:s31+$0x10610]  }
0x162: {  	v23 =	vld [tilespmem:s31+$0x8620]  }
0x163: {  	v24 =	vld [tilespmem:s31+$0x10620]  }
0x164: {  	v25 =	vld [tilespmem:s31+$0x8630]  }
0x165: {  	v26 =	vld [tilespmem:s31+$0x10630]  }
0x166: {  	v27 =	vld [tilespmem:s31+$0x8640]  }
0x167: {  	v28 =	vld [tilespmem:s31+$0x10640]  }
0x168: {  	v29 =	vld [tilespmem:s31+$0x8650]  }
0x169: {  	v30 =	vld [tilespmem:s31+$0x10650]  }
0x16a: {  	v31 =	vld [tilespmem:s31+$0x8660]  }
0x16b: {  	v32 =	vld [tilespmem:s31+$0x10660]  }
0x16c: {  	v33 =	vld [tilespmem:s31+$0x8670]  }
0x16d: {  	v34 =	vld [tilespmem:s31+$0x10670]  }
0x16e: {  	v35 =	vld [tilespmem:s31+$0x8A00]  }
0x16f: {  	v36 =	vld [tilespmem:s31+$0x10A00]  }
0x170: {  	v37 =	vld [tilespmem:s31+$0x8A10]  }
0x171: {  	v38 =	vld [tilespmem:s31+$0x10A10]  }
0x172: {  	v39 =	vld [tilespmem:s31+$0x8A20]  }
0x173: {  	v40 =	vld [tilespmem:s31+$0x10A20]  }
0x174: {  	v41 =	vld [tilespmem:s31+$0x8A30]  }
0x175: {  	v42 =	vld [tilespmem:s31+$0x10A30]  }
0x176: {  	v43 =	vld [tilespmem:s31+$0x8A40]  }
0x177: {  	v44 =	vld [tilespmem:s31+$0x10A40]  }
0x178: {  	v45 =	vld [tilespmem:s31+$0x8A50]  }
0x179: {  	v46 =	vld [tilespmem:s31+$0x10A50]  }
0x17a: {  	v47 =	vld [tilespmem:s31+$0x8A60]  }
0x17b: {  	v48 =	vld [tilespmem:s31+$0x10A60]  }
0x17c: {  	v49 =	vld [tilespmem:s31+$0x8A70]  }
0x17d: {  	v50 =	vld [tilespmem:s31+$0x10A70]  }
0x17e: {  	v51 =	vld [tilespmem:s31+$0x8E00]  }
0x17f: {  	v52 =	vld [tilespmem:s31+$0x10E00]  }
0x180: {  	v53 =	vld [tilespmem:s31+$0x8E10]  }
0x181: {  	v54 =	vld [tilespmem:s31+$0x10E10]  }
0x182: {  	v55 =	vld [tilespmem:s31+$0x8E20]  }
0x183: {  	v56 =	vld [tilespmem:s31+$0x10E20]  }
0x184: {  	v57 =	vld [tilespmem:s31+$0x8E30]  }
0x185: {  	v58 =	vld [tilespmem:s31+$0x10E30]  }
0x186: {  	v59 =	vld [tilespmem:s31+$0x8E40]  }
0x187: {  	v60 =	vld [tilespmem:s31+$0x10E40]  }
0x188: {  	v61 =	vld [tilespmem:s31+$0x8E50]  }
0x189: {  	v62 =	vld [tilespmem:s31+$0x10E50]  }
0x18a: {  	v63 =	vld [tilespmem:s31+$0x8E60]  }
0x18b: {  	v3 =	vadd.f32 v4, v3;
	v4 =	vld [tilespmem:s31+$0x10E60]  }
0x18c: {  	v5 =	vadd.f32 v6, v5;
	v6 =	vld [tilespmem:s31+$0x8E70]  }
0x18d: {  	v14 =	vadd.f32 v14, v13;
	v13 =	vld [tilespmem:s31+$0x11220];
	[tilespmem:s31+$0x18200] =	vst v3  }
0x18e: {  	v18 =	vadd.f32 v18, v17;
	v17 =	vld [tilespmem:s31+$0x11240];
	v3 =	vadd.f32 v8, v7;
	[tilespmem:s31+$0x18210] =	vst v5  }
0x18f: {  	v22 =	vadd.f32 v22, v21;
	v21 =	vld [tilespmem:s31+$0x11260];
	[tilespmem:s31+$0x18250] =	vst v14  }
0x190: {  	v7 =	vld [tilespmem:s31+$0x10E70];
	[tilespmem:s31+$0x18220] =	vst v3;
	v3 =	vadd.f32 v12, v11  }
0x191: {  	v8 =	vld [tilespmem:s31+$0x9200];
	[tilespmem:s31+$0x18270] =	vst v18  }
0x192: {  	v5 =	vadd.f32 v10, v9;
	v9 =	vld [tilespmem:s31+$0x11200];
	[tilespmem:s31+$0x18240] =	vst v3;
	v3 =	vadd.f32 v16, v15  }
0x193: {  	v26 =	vadd.f32 v26, v25;
	v10 =	vld [tilespmem:s31+$0x9210];
	[tilespmem:s31+$0x18610] =	vst v22  }
0x194: {  	v14 =	vld [tilespmem:s31+$0x9230];
	[tilespmem:s31+$0x18260] =	vst v3;
	v3 =	vadd.f32 v20, v19  }
0x195: {  	v30 =	vadd.f32 v30, v29;
	[tilespmem:s31+$0x18630] =	vst v26;
	v18 =	vld [tilespmem:s31+$0x9250]  }
0x196: {  	v19 =	vld [tilespmem:s31+$0x11250];
	[tilespmem:s31+$0x18600] =	vst v3;
	v3 =	vadd.f32 v24, v23  }
0x197: {  	v34 =	vadd.f32 v34, v33;
	[tilespmem:s31+$0x18650] =	vst v30;
	v22 =	vld [tilespmem:s31+$0x9270]  }
0x198: {  	v11 =	vld [tilespmem:s31+$0x11210];
	[tilespmem:s31+$0x18620] =	vst v3;
	v3 =	vadd.f32 v28, v27  }
0x199: {  	[tilespmem:s31+$0x18670] =	vst v34;
	v12 =	vld [tilespmem:s31+$0x9220]  }
0x19a: {  	v15 =	vld [tilespmem:s31+$0x11230];
	[tilespmem:s31+$0x18640] =	vst v3;
	v3 =	vadd.f32 v32, v31  }
0x19b: {  	[tilespmem:s31+$0x18230] =	vst v5;
	v16 =	vld [tilespmem:s31+$0x9240];
	v19 =	vadd.f32 v19, v18  }
0x19c: {  	v20 =	vld [tilespmem:s31+$0x9260];
	[tilespmem:s31+$0x18660] =	vst v3;
	v3 =	vadd.f32 v36, v35  }
0x19d: {  	v24 =	vld [tilespmem:s31+$0x9600];
	[tilespmem:s31+$0x19250] =	vst v19;
	v36 =	vadd.f32 v38, v37  }
0x19e: {  	v37 =	vld [tilespmem:s31+$0x11270];
	[tilespmem:s31+$0x18A00] =	vst v3;
	v3 =	vadd.f32 v40, v39  }
0x19f: {  	v38 =	vadd.f32 v42, v41;
	v41 =	vld [tilespmem:s31+$0x9610];
	[tilespmem:s31+$0x18A10] =	vst v36  }
0x1a0: {  	v42 =	vld [tilespmem:s31+$0x11610];
	[tilespmem:s31+$0x18A20] =	vst v3;
	v3 =	vadd.f32 v44, v43  }
0x1a1: {  	v35 =	vld [tilespmem:s31+$0x9A10];
	[tilespmem:s31+$0x18A30] =	vst v38;
	v40 =	vadd.f32 v46, v45  }
0x1a2: {  	v39 =	vld [tilespmem:s31+$0x11600];
	[tilespmem:s31+$0x18A40] =	vst v3;
	v3 =	vadd.f32 v48, v47  }
0x1a3: {  	v45 =	vld [tilespmem:s31+$0x11620];
	v46 =	vadd.f32 v54, v53;
	[tilespmem:s31+$0x18A50] =	vst v40  }
0x1a4: {  	v53 =	vld [tilespmem:s31+$0x9650];
	[tilespmem:s31+$0x18A60] =	vst v3;
	v3 =	vadd.f32 v52, v51  }
0x1a5: {  	v54 =	vld [tilespmem:s31+$0x11650];
	v43 =	vadd.f32 v50, v49;
	[tilespmem:s31+$0x18E10] =	vst v46  }
0x1a6: {  	v36 =	vld [tilespmem:s31+$0x11A10];
	[tilespmem:s31+$0x18E00] =	vst v3;
	v3 =	vadd.f32 v56, v55  }
0x1a7: {  	v38 =	vld [tilespmem:s31+$0x9A20];
	v49 =	vadd.f32 v58, v57;
	[tilespmem:s31+$0x18A70] =	vst v43  }
0x1a8: {  	v44 =	vld [tilespmem:s31+$0x9620];
	[tilespmem:s31+$0x18E20] =	vst v3;
	v3 =	vadd.f32 v60, v59  }
0x1a9: {  	v50 =	vld [tilespmem:s31+$0x9640];
	v58 =	vadd.f32 v11, v10;
	[tilespmem:s31+$0x18E30] =	vst v49  }
0x1aa: {  	v57 =	vld [tilespmem:s31+$0x11660];
	[tilespmem:s31+$0x18E40] =	vst v3;
	v3 =	vadd.f32 v4, v63  }
0x1ab: {  	v46 =	vld [tilespmem:s31+$0x9A50];
	v37 =	vadd.f32 v37, v22;
	[tilespmem:s31+$0x19210] =	vst v58  }
0x1ac: {  	v40 =	vadd.f32 v42, v41;
	v41 =	vld [tilespmem:s31+$0x9A30];
	[tilespmem:s31+$0x18E60] =	vst v3;
	v3 =	vadd.f32 v9, v8  }
0x1ad: {  	v42 =	vld [tilespmem:s31+$0x11A30];
	[tilespmem:s31+$0x19270] =	vst v37  }
0x1ae: {  	v47 =	vld [tilespmem:s31+$0x9630];
	[tilespmem:s31+$0x19200] =	vst v3;
	v3 =	vadd.f32 v13, v12  }
0x1af: {  	v48 =	vld [tilespmem:s31+$0x11630];
	[tilespmem:s31+$0x19610] =	vst v40;
	v52 =	vadd.f32 v62, v61  }
0x1b0: {  	v49 =	vld [tilespmem:s31+$0x9A60];
	[tilespmem:s31+$0x19220] =	vst v3;
	v3 =	vadd.f32 v17, v16  }
0x1b1: {  	v51 =	vld [tilespmem:s31+$0x11640];
	v61 =	vadd.f32 v15, v14;
	[tilespmem:s31+$0x18E50] =	vst v52  }
0x1b2: {  	v62 =	vld [tilespmem:s31+$0x9A00];
	[tilespmem:s31+$0x19240] =	vst v3;
	v3 =	vadd.f32 v21, v20  }
0x1b3: {  	v55 =	vadd.f32 v7, v6;
	v56 =	vld [tilespmem:s31+$0x9660];
	[tilespmem:s31+$0x19230] =	vst v61  }
0x1b4: {  	v52 =	vld [tilespmem:s31+$0x9A70];
	[tilespmem:s31+$0x19260] =	vst v3;
	v3 =	vadd.f32 v39, v24  }
0x1b5: {  	v43 =	vadd.f32 v48, v47;
	v47 =	vld [tilespmem:s31+$0x11A50];
	[tilespmem:s31+$0x18E70] =	vst v55  }
0x1b6: {  	v59 =	vld [tilespmem:s31+$0x9670];
	[tilespmem:s31+$0x19600] =	vst v3;
	v3 =	vadd.f32 v45, v44  }
0x1b7: {  	[tilespmem:s31+$0x19630] =	vst v43;
	v63 =	vld [tilespmem:s31+$0x11A00];
	v4 =	vadd.f32 v54, v53  }
0x1b8: {  	v60 =	vld [tilespmem:s31+$0x11670];
	[tilespmem:s31+$0x19620] =	vst v3;
	v3 =	vadd.f32 v51, v50  }
0x1b9: {  	v54 =	vadd.f32 v42, v41;
	[tilespmem:s31+$0x19650] =	vst v4;
	v39 =	vld [tilespmem:s31+$0x11A20]  }
0x1ba: {  	v44 =	vld [tilespmem:s31+$0x9A40];
	[tilespmem:s31+$0x19640] =	vst v3;
	v3 =	vadd.f32 v57, v56  }
0x1bb: {  	[tilespmem:s31+$0x19A30] =	vst v54;
	v55 =	vadd.f32 v47, v46;
	v45 =	vld [tilespmem:s31+$0x11A40]  }
0x1bc: {  	v53 =	vld [tilespmem:s31+$0x11A70];
	[tilespmem:s31+$0x19660] =	vst v3;
	v3 =	vadd.f32 v63, v62  }
0x1bd: {  	v48 =	vadd.f32 v60, v59;
	[tilespmem:s31+$0x19A50] =	vst v55;
	v50 =	vld [tilespmem:s31+$0x11A60]  }
0x1be: {  	[tilespmem:s31+$0x19A00] =	vst v3;
	v3 =	vadd.f32 v39, v38  }
0x1bf: {  	[tilespmem:s31+$0x19670] =	vst v48;
	v51 =	vadd.f32 v36, v35  }
0x1c0: {  	[tilespmem:s31+$0x19A20] =	vst v3;
	v3 =	vadd.f32 v45, v44  }
0x1c1: {  	s0 =	sand.u32 $0x7, s16;
	[tilespmem:s31+$0x19A10] =	vst v51;
	v56 =	vadd.f32 v53, v52  }
0x1c2: {  	s0 =	sshll.u32 s0, $0x7;
	[tilespmem:s31+$0x19A40] =	vst v3;
	v3 =	vadd.f32 v50, v49  }
0x1c3: {  	s0 =	sadd.s32 s0, s29;
	[tilespmem:s31+$0x19A70] =	vst v56  }
0x1c4: {  	[tilespmem:s31+$0x19A60] =	vst v3;
	s31 =	sor.u32 $0x1C00, s0  }
0x1c5: {  	v3 =	vld [tilespmem:s31+$0x8200]  }
0x1c6: {  	v4 =	vld [tilespmem:s31+$0x10200];
	_ =	sdelay $0x4  }
0x1c7: {  	v3 =	vadd.f32 v4, v3;
	_ =	sdelay $0x1  }
0x1c8: {  	[tilespmem:s31+$0x18200] =	vst v3;
	s31 =	sor.u32 $0x1C10, s0  }
0x1c9: {  	v3 =	vld [tilespmem:s31+$0x8200]  }
0x1ca: {  	v57 =	vld [tilespmem:s31+$0x10200];
	_ =	sdelay $0x4  }
0x1cb: {  	v3 =	vadd.f32 v57, v3;
	_ =	sdelay $0x1  }
0x1cc: {  	[tilespmem:s31+$0x18200] =	vst v3;
	s31 =	sor.u32 $0x1C20, s0  }
0x1cd: {  	v3 =	vld [tilespmem:s31+$0x8200]  }
0x1ce: {  	v58 =	vld [tilespmem:s31+$0x10200];
	_ =	sdelay $0x4  }
0x1cf: {  	v3 =	vadd.f32 v58, v3;
	_ =	sdelay $0x1  }
0x1d0: {  	[tilespmem:s31+$0x18200] =	vst v3;
	s31 =	sor.u32 $0x1C30, s0  }
0x1d1: {  	v3 =	vld [tilespmem:s31+$0x8200]  }
0x1d2: {  	v59 =	vld [tilespmem:s31+$0x10200];
	_ =	sdelay $0x4  }
0x1d3: {  	v3 =	vadd.f32 v59, v3;
	_ =	sdelay $0x1  }
0x1d4: {  	[tilespmem:s31+$0x18200] =	vst v3;
	s31 =	sor.u32 $0x1C40, s0  }
0x1d5: {  	v3 =	vld [tilespmem:s31+$0x8200]  }
0x1d6: {  	v60 =	vld [tilespmem:s31+$0x10200];
	_ =	sdelay $0x4  }
0x1d7: {  	v3 =	vadd.f32 v60, v3;
	_ =	sdelay $0x1  }
0x1d8: {  	[tilespmem:s31+$0x18200] =	vst v3;
	s31 =	sor.u32 $0x1C50, s0  }
0x1d9: {  	v3 =	vld [tilespmem:s31+$0x8200]  }
0x1da: {  	v61 =	vld [tilespmem:s31+$0x10200];
	_ =	sdelay $0x4  }
0x1db: {  	v3 =	vadd.f32 v61, v3;
	_ =	sdelay $0x1  }
0x1dc: {  	[tilespmem:s31+$0x18200] =	vst v3;
	s31 =	sor.u32 $0x1C60, s0  }
0x1dd: {  	v3 =	vld [tilespmem:s31+$0x8200]  }
0x1de: {  	v62 =	vld [tilespmem:s31+$0x10200];
	_ =	sdelay $0x4  }
0x1df: {  	v3 =	vadd.f32 v62, v3;
	_ =	sdelay $0x1  }
0x1e0: {  	s0 =	sor.u32 $0x1C70, s0;
	[tilespmem:s31+$0x18200] =	vst v3  }
0x1e1: {  	v3 =	vld [tilespmem:s0+$0x8200]  }
0x1e2: {  	v63 =	vld [tilespmem:s0+$0x10200];
	_ =	sdelay $0x1  }
0x1e3: {  	p0 =	sne.s32 s30, $0x780  }
.Ltmp4:
0x1e4: {  	_ = 	snop;
	(pc) =	sbr.rel @p0 .LBB2_7-.Ltmp4, $4  }
0x1e5: {  	_ = 	snop  }
0x1e6: {  	v3 =	vadd.f32 v63, v3  }
0x1e7: {  	s12 =	sadd.s32 $0x400, s12  }
0x1e8: {  	s30 =	sadd.s32 $0x80, s30;
	s16 =	sadd.s32 $0x1, s16;
	s29 =	sadd.s32 $0x400, s29;
	[tilespmem:s0+$0x18200] =	vst v3  }
.Ltmp5:
0x1e9: {  	s0 =	sshll.u32 s15, $0xA;
	(pc) =	sbr.rel @p1 .LBB2_10-.Ltmp5, $4  }
0x1ea: {  	s0 =	sadd.s32 s7, s0  }
0x1eb: {  	s0 =	sshrl.u32 s0, $0x3  }
0x1ec: {  	s0 =	sadd.s32 s5, s0  }
0x1ed: {  	[hbm4b:s0+s6] =	stream.linear.scatter [tilespmem:s28], [sflag:$0x6], $0x4000, $0x38;
	[tilespmem:$0x1C200] =	vst v63  }
0x1ee: {  	v3 =	vld [tilespmem:s14+$0x30];
	_ =	sdelay $0x2  }
0x1ef: {  	v63 =	vld [tilespmem:$0x1FFD0];
	_ =	sdelay $0x1  }
0x1f0: {  	v5 =	vld [tilespmem:$0x1FFE0];
	v4 =	vshll.u32 v3, $0x3  }
0x1f1: {  	v3 =	vand.u32 $0x7, v3;
	v4 =	vand.u32 $0xFFFFFFC0, v4  }
0x1f2: {  	v3 =	vor.u32 v3, v4  }
0x1f3: {  	v4 =	vperm.xlane v3, v63;
	_ =	sdelay $0x1  }
0x1f4: {  	v4 =	vadd.s32 v5, v4  }
0x1f5: {  	v6 =	vld [tilespmem:$0x1FFF0];
	_ =	sdelay $0x2  }
0x1f6: {  	s0 =	simm.s32 $0x8200  }
0x1f7: {  	[tilespmem:s0], [sflag:$0x2] =	stream.indirect_vreg.gather [hbm4b:s2+s6], $0x80, v4, vm0, $0xb8;
	[tilespmem:$0x1C200] =	vst v63  }
0x1f8: {  	s16 =	simm.s32 $0x8A00;
	v3 =	vperm.xlane v3, v6  }
0x1f9: {  	[tilespmem:s16], [sflag:$0x2] =	stream.indirect_vreg.gather [hbm4b:s10+s6], $0x80, v4, vm0, $0xb8;
	[tilespmem:$0x1C200] =	vst v63  }
0x1fa: {  	s29 =	simm.s32 $0x9200;
	v3 =	vadd.s32 v5, v3  }
0x1fb: {  	[tilespmem:s29], [sflag:$0x2] =	stream.indirect_vreg.gather [hbm4b:s11+s6], $0x80, v4, vm0, $0xb8;
	[tilespmem:$0x1C200] =	vst v63  }
0x1fc: {  	s30 =	simm.s32 $0x9A00  }
0x1fd: {  	[tilespmem:s30], [sflag:$0x2] =	stream.indirect_vreg.gather [hbm4b:s13+s6], $0x80, v4, vm0, $0xb8;
	[tilespmem:$0x1C200] =	vst v63  }
0x1fe: {  	s31 =	sadd.s32 $0x30, s14  }
0x1ff: {  	[tilespmem:s1], [sflag:$0x2] =	stream.indirect_vreg.gather [hbm4b:s2+s6], $0x80, v3, vm0, $0xb8;
	[tilespmem:$0x1C200] =	vst v63  }
0x200: {  	s0 =	sadd.s32 s9, s31  }
0x201: {  	[tilespmem:s3], [sflag:$0x2] =	stream.indirect_vreg.gather [hbm4b:s10+s6], $0x80, v3, vm0, $0xb8;
	[tilespmem:$0x1C200] =	vst v63  }
0x202: {  	s0 =	sshll.u32 s0, $0xA  }
0x203: {  	[tilespmem:s19], [sflag:$0x2] =	stream.indirect_vreg.gather [hbm4b:s11+s6], $0x80, v3, vm0, $0xb8;
	[tilespmem:$0x1C200] =	vst v63  }
.Ltmp6:
0x204: {  	s0 =	sadd.s32 s7, s0;
	(pc) =	sbr.rel .LBB2_4-.Ltmp6, $4  }
0x205: {  	s0 =	sshrl.u32 s0, $0x3  }
0x206: {  	[tilespmem:s20], [sflag:$0x2] =	stream.indirect_vreg.gather [hbm4b:s13+s6], $0x80, v3, vm0, $0xb8;
	[tilespmem:$0x1C200] =	vst v63  }
0x207: {  	s18 =	sadd.s32 $0x1, s18;
	s0 =	sadd.s32 s4, s0  }
0x208: {  	[tilespmem:s21], [sflag:$0x4] =	stream.linear.gather [hbm4b:s0+s6], $0x4000, $0x38;
	[tilespmem:$0x1C200] =	vst v63  }
.LBB2_11:
0x209: {  	_ =	sfence.sel $0x180000  }
0x20a: {  	[bflag:$0x0] =	sbarrier.arrive $0xFFFF  }
0x20b: {  	_ =	strace $0x90000047  }
0x20c: {  	s0 =	stileid.u32;
	[bflag:$0x2] =	sbarrier.arrive $0xFFFF  }
0x20d: {  	p0 =	sne.s32 s0, $0x0;
	s0 =	rddreg [dreg:$0x4]  }
0x20e: {  	s0 =	sadd.s32 @!p0 $0x100000, s0  }
0x20f: {  	[sflag:s0] =	ssyncadd.tile.s32 @!p0 $0x1;
	_ =	shalt  }
.Lfunc_end2:
_tile_overlayer_lowered:
.L_overlay_start_2:
0x210: {  	(tag) =	ssettag $0x2  }
0x211: {  	s0 =	rddreg [dreg:$0x0];
	s2 =	stileid.u32  }
0x212: {  	s1 =	rddreg [dreg:$0x1];
	p0 =	sne.s32 s2, $0x0  }
0x213: {  	s3 =	rddreg [dreg:$0x2];
	[bflag:$0x3] =	sbarrier.arrive $0xFFFF;
	s2 =	simm.s32 @!p0 $0x1C07  }
0x214: {  	[timem:s3], [sflag:s2] =	dma.local @!p0 [hbm:s0], s1  }
0x215: {  	s0 =	simm.s32 @!p0 $0x7  }
0x216: {  	_ =	swait.ge @!p0 [sflag:s0], s1  }
0x217: {  	s1 =	ssub.s32 @!p0 $0x0, s1;
	[sflag:s0] =	ssyncset.done @!p0 $0x0  }
0x218: {  	[sflag:s0] =	ssyncadd.s32 @!p0 s1  }
0x219: {  	[bflag:$0x3] =	sbarrier.arrive $0xFFFF  }
0x21a: {  	_ =	shalt  }

</sc_bundles>
